<compile_context>
chip_gen: v7x
topology: tpu7x:2x2x1
jax: 0.10.2.dev20260603
libtpu: 0.0.44.dev20260713+nightly
codegen_flags: <defaults>
</compile_context>

<pallas_src>
import jax
import jax.numpy as jnp
from jax import lax
from jax.experimental import pallas as pl
from jax.experimental.pallas import tpu as pltpu
from jax.experimental.pallas import tpu_sc as plsc

N = 10000
D = 128
E = 320000
E2 = 2 * E
NC, NS = 2, 16
NW = NC * NS
EPW = 20480
E2P = NW * EPW
ROWS = E2P // 128
RPW = EPW // 128
NP = 10008
NPT = 632
NPD = NS * NPT

_MESH = plsc.VectorSubcoreMesh(core_axis_name="c", subcore_axis_name="s",
                               num_cores=NC, num_subcores=NS)


R0 = 264
R1 = 56
assert 16 * (R0 + R1) == ROWS and R0 % 2 == 0 and R1 % 2 == 0


def _sc_agg_body(tgt_hbm, nbr_hbm, feats_hbm, zer_hbm, agg_out,
                 idx_t, idx_n, rows_v, agg_sh, sem):
    cid = lax.axis_index("c")
    sid = lax.axis_index("s")

    aoff = jnp.minimum(sid * NPT, NP - NPT)
    pltpu.sync_copy(zer_hbm, agg_sh.at[pl.ds(aoff, NPT)])
    plsc.subcore_barrier()

    base = jnp.where(cid == 0, sid * R0, NS * R0 + sid * R1)
    nsteps = jnp.where(cid == 0, R0 // 4, R1 // 4)

    def step(g, carry):
        r0 = base + g * 4
        pltpu.sync_copy(tgt_hbm.at[pl.ds(r0, 4)], idx_t)
        pltpu.sync_copy(nbr_hbm.at[pl.ds(r0, 4)], idx_n)
        for h in range(2):
            for j in range(2):
                pltpu.async_copy(feats_hbm.at[idx_n.at[2 * h + j]],
                                 rows_v.at[pl.ds(j * 128, 128)], sem).wait()
            for j in range(2):
                pltpu.sync_copy(rows_v.at[pl.ds(j * 128, 128)],
                                agg_sh.at[idx_t.at[2 * h + j]], add=True)
        return carry

    lax.fori_loop(0, nsteps, step, 0)
    plsc.subcore_barrier()

    pltpu.sync_copy(agg_sh.at[pl.ds(aoff, NPT)],
                    agg_out.at[pl.ds(cid * NP + aoff, NPT)])


_sc_agg = pl.kernel(
    _sc_agg_body,
    out_type=jax.ShapeDtypeStruct((NC * NP, D), jnp.float32),
    mesh=_MESH,
    scratch_types=[
        pltpu.VMEM((4, 128), jnp.int32),
        pltpu.VMEM((4, 128), jnp.int32),
        pltpu.VMEM((2 * 128, D), jnp.float32),
        pltpu.VMEM_SHARED((NP, D), jnp.float32),
        pltpu.SemaphoreType.DMA,
    ],
)


def _sc_deg_body(tgt_hbm, zer_hbm, one_hbm, deg_out,
                 idx_t, ones_v, deg_sh, sem):
    cid = lax.axis_index("c")
    sid = lax.axis_index("s")
    wid = sid * NC + cid

    pltpu.sync_copy(zer_hbm, deg_sh.at[pl.ds(sid * NPT, NPT)])
    pltpu.sync_copy(one_hbm, ones_v)
    plsc.subcore_barrier()

    base = wid * RPW

    def step(g, carry):
        r0 = base + g * 4
        pltpu.sync_copy(tgt_hbm.at[pl.ds(r0, 4)], idx_t)
        for j in range(4):
            pltpu.sync_copy(ones_v, deg_sh.at[idx_t.at[j]], add=True)
        return carry

    lax.fori_loop(0, RPW // 4, step, 0)
    plsc.subcore_barrier()

    sl = pl.ds(sid * NPT, NPT)
    pltpu.sync_copy(deg_sh.at[sl],
                    deg_out.at[pl.ds(cid * NPD + sid * NPT, NPT)])


_sc_deg = pl.kernel(
    _sc_deg_body,
    out_type=jax.ShapeDtypeStruct((NC * NPD, D), jnp.float32),
    mesh=_MESH,
    scratch_types=[
        pltpu.VMEM((4, 128), jnp.int32),
        pltpu.VMEM((128, D), jnp.float32),
        pltpu.VMEM_SHARED((NPD, D), jnp.float32),
        pltpu.SemaphoreType.DMA,
    ],
)


def _tc_linear_body(feats_ref, agg_ref, deg_ref, wt_ref, b_ref, out_ref):
    f = feats_ref[...]
    a = agg_ref[0] + agg_ref[1]
    d = deg_ref[...]
    dg = d[0, :, 0] + d[1, :, 0]
    m = a / jnp.maximum(dg, 1.0)[:, None]
    m = jnp.where((dg > 0.0)[:, None], m, f)
    h = (jnp.dot(f, wt_ref[0:D, :], preferred_element_type=jnp.float32)
         + jnp.dot(m, wt_ref[D:2 * D, :], preferred_element_type=jnp.float32)
         + b_ref[...])
    out_ref[...] = jnp.maximum(h, 0.0)


def _tc_linear(feats, agg2, deg2, wt, b):
    blk = 1000
    grid = N // blk
    return pl.pallas_call(
        _tc_linear_body,
        grid=(grid,),
        in_specs=[
            pl.BlockSpec((blk, D), lambda i: (i, 0)),
            pl.BlockSpec((NC, blk, D), lambda i: (0, i, 0)),
            pl.BlockSpec((NC, blk, D), lambda i: (0, i, 0)),
            pl.BlockSpec((2 * D, D), lambda i: (0, 0)),
            pl.BlockSpec((1, D), lambda i: (0, 0)),
        ],
        out_specs=pl.BlockSpec((blk, D), lambda i: (i, 0)),
        out_shape=jax.ShapeDtypeStruct((N, D), jnp.float32),
    )(feats, agg2, deg2, wt, b)


def kernel(nodes, features, edge_index, W1, b1, W2, b2):
    src = edge_index[0]
    dst = edge_index[1]
    pad = E2P - E2
    tgt = jnp.concatenate([src, dst, jnp.full((pad,), N, jnp.int32)])
    nbr = jnp.concatenate([dst, src, jnp.zeros((pad,), jnp.int32)])
    tgt2 = tgt.reshape(ROWS, 128)
    nbr2 = nbr.reshape(ROWS, 128)
    zer = jnp.zeros((NPT, D), jnp.float32)
    one = jnp.ones((128, D), jnp.float32)

    deg2 = _sc_deg(tgt2, zer, one).reshape(NC, NPD, D)
    agg2 = _sc_agg(tgt2, nbr2, features, zer).reshape(NC, NP, D)
    h = _tc_linear(features, agg2, deg2, W1.T, b1.reshape(1, D))
    agg2b = _sc_agg(tgt2, nbr2, h, zer).reshape(NC, NP, D)
    return _tc_linear(h, agg2b, deg2, W2.T, b2.reshape(1, D))

# --- scband reference (transcript-rebuilt; emitter-appended) ---
"""Pipeline reference for scband-graph-sage-34557306863778 (READ-ONLY COPY).

The authoritative reference and input builder live on the scoring server;
editing this copy changes nothing except your own understanding.
"""

import jax, jax.numpy as jnp
import numpy as np

N_NODES = 10000
N_EDGES = 320000
D_FEAT = 128
HIDDEN = [128, 128]


def setup_inputs(seed: int = 0) -> dict:
    key = jax.random.key(seed)
    k1, k2, k3, k4, k5, k6 = jax.random.split(key, 6)
    nodes = jnp.arange(N_NODES, dtype=jnp.int32)
    features = jax.random.normal(k1, (N_NODES, D_FEAT), dtype=jnp.float32)
    edge_index = jax.random.randint(k2, (2, N_EDGES), 0, N_NODES, dtype=jnp.int32)
    # Layer 1: Linear(2*input_dim -> hidden[0]); torch Linear weight is [out, in]
    W1 = jax.random.normal(k3, (HIDDEN[0], 2 * D_FEAT), dtype=jnp.float32) * 0.05
    b1 = jnp.zeros((HIDDEN[0],), dtype=jnp.float32)
    # Layer 2: Linear(2*hidden[0] -> hidden[1])
    W2 = jax.random.normal(k4, (HIDDEN[1], 2 * HIDDEN[0]), dtype=jnp.float32) * 0.05
    b2 = jnp.zeros((HIDDEN[1],), dtype=jnp.float32)
    return {"nodes": nodes, "features": features, "edge_index": edge_index,
            "W1": W1, "b1": b1, "W2": W2, "b2": b2}


def _sage_layer(nodes, feats, edge_index, W, b):
    n = feats.shape[0]
    src = edge_index[0]
    dst = edge_index[1]
    # gcn=False: neighbors are added in BOTH directions (src<-dst and dst<-src)
    tgt = jnp.concatenate([src, dst])
    nbr = jnp.concatenate([dst, src])
    nbr_feats = feats[nbr]  # gather
    agg = jnp.zeros((n, feats.shape[1]), feats.dtype).at[tgt].add(nbr_feats)  # scatter-add
    deg = jnp.zeros((n,), feats.dtype).at[tgt].add(1.0)
    mean = agg / jnp.maximum(deg, 1.0)[:, None]
    # nodes with zero neighbors fall back to their own features
    mean = jnp.where((deg > 0)[:, None], mean, feats)
    neigh_feats = mean[nodes]
    self_feats = feats[nodes]
    combined = jnp.concatenate([self_feats, neigh_feats], axis=1)
    return jax.nn.relu(combined @ W.T + b)


def reference(nodes, features, edge_index, W1, b1, W2, b2):
    h = _sage_layer(nodes, features, edge_index, W1, b1)
    h = _sage_layer(nodes, h, edge_index, W2, b2)
    return h

if __name__ == "__main__":
    import jax
    _d = setup_inputs()
    print(jax.jit(kernel)(*tuple(_d.values())))

</pallas_src>

<mosaic_0001>
#map = affine_map<(d0, d1) -> (0, 0)>
module attributes {stable_mosaic.version = 14 : i64} {
  func.func @_sc_deg_body(%arg0: i32, %arg1: i32, %arg2: memref<5120x128xi32, #tpu.memory_space<hbm>>, %arg3: memref<632x128xf32, #tpu.memory_space<hbm>>, %arg4: memref<128x128xf32, #tpu.memory_space<hbm>>, %arg5: memref<20224x128xf32, #tpu.memory_space<hbm>>, %arg6: memref<4x128xi32, #tpu.memory_space<vmem>>, %arg7: memref<128x128xf32, #tpu.memory_space<vmem>>, %arg8: memref<10112x128xf32, #tpu.memory_space<vmem_shared>>, %arg9: memref<!tpu.dma_semaphore, #tpu.memory_space<semaphore_mem>>) attributes {dimension_semantics = [#tpu.dimension_semantics<core_parallel>, #tpu.dimension_semantics<subcore_parallel>], iteration_bounds = array<i64: 2, 16>, scalar_prefetch = 0 : i64, scratch_operands = 4 : i64, tpu.core_type = #tpu.core_type<sc_vector_subcore>, window_params = [{transform_indices = #map}, {transform_indices = #map}, {transform_indices = #map}, {transform_indices = #map}]} {
    %mul3A = arith.constant 2 : i32
    %mul3A_0 = arith.muli %arg1, %mul3A : i32
    %add3A = arith.addi %mul3A_0, %arg0 : i32
    %mul3A_1 = arith.constant 632 : i32
    %mul3A_2 = arith.muli %arg1, %mul3A_1 : i32
    "tpu.region"() ({
      %run_scoped3A = tpu.sem_alloc : memref<!tpu.dma_semaphore, #tpu.memory_space<semaphore_mem>>
      %dma_start3A = arith.constant 0 : i32
      %dma_start3A_18 = tpu.memref_slice %arg8[%mul3A_2, %dma_start3A] : memref<10112x128xf32, #tpu.memory_space<vmem_shared>> -> memref<632x128xf32, #tpu.memory_space<vmem_shared>>
      tpu.enqueue_dma source(%arg3 : memref<632x128xf32, #tpu.memory_space<hbm>>) target(%dma_start3A_18 : memref<632x128xf32, #tpu.memory_space<vmem_shared>>) target_semaphore(%run_scoped3A : memref<!tpu.dma_semaphore, #tpu.memory_space<semaphore_mem>>)
      %dma_wait3A = arith.constant 0 : i32
      %dma_wait3A_19 = tpu.memref_slice %arg8[%mul3A_2, %dma_wait3A] : memref<10112x128xf32, #tpu.memory_space<vmem_shared>> -> memref<632x128xf32, #tpu.memory_space<vmem_shared>>
      tpu.wait_dma2 semaphore(%run_scoped3A : memref<!tpu.dma_semaphore, #tpu.memory_space<semaphore_mem>>) src(%arg3 : memref<632x128xf32, #tpu.memory_space<hbm>>) dst(%dma_wait3A_19 : memref<632x128xf32, #tpu.memory_space<vmem_shared>>)
      tpu.yield
    }) : () -> ()
    "tpu.region"() ({
      %run_scoped3A = tpu.sem_alloc : memref<!tpu.dma_semaphore, #tpu.memory_space<semaphore_mem>>
      tpu.enqueue_dma source(%arg4 : memref<128x128xf32, #tpu.memory_space<hbm>>) target(%arg7 : memref<128x128xf32, #tpu.memory_space<vmem>>) target_semaphore(%run_scoped3A : memref<!tpu.dma_semaphore, #tpu.memory_space<semaphore_mem>>)
      tpu.wait_dma2 semaphore(%run_scoped3A : memref<!tpu.dma_semaphore, #tpu.memory_space<semaphore_mem>>) src(%arg4 : memref<128x128xf32, #tpu.memory_space<hbm>>) dst(%arg7 : memref<128x128xf32, #tpu.memory_space<vmem>>)
      tpu.yield
    }) : () -> ()
    %barrier3A = arith.constant 0 : index
    tpu.barrier barrier_id(%barrier3A)
    %mul3A_3 = arith.constant 160 : i32
    %mul3A_4 = arith.muli %add3A, %mul3A_3 : i32
    %scan3A = arith.constant 0 : i32
    %scan3A_5 = arith.constant 0 : i32
    %scan3A_6 = arith.constant 40 : i32
    %scan3A_7 = arith.addi %scan3A_5, %scan3A_6 : i32
    %scan3A_8 = arith.constant 1 : i32
    scf.for %scan3A_18 = %scan3A_5 to %scan3A_7 step %scan3A_8  : i32 {
      %mul3A_19 = arith.constant 4 : i32
      %mul3A_20 = arith.muli %scan3A_18, %mul3A_19 : i32
      %add3A_21 = arith.addi %mul3A_4, %mul3A_20 : i32
      "tpu.region"() ({
        %run_scoped3A_25 = tpu.sem_alloc : memref<!tpu.dma_semaphore, #tpu.memory_space<semaphore_mem>>
        %dma_start3A = arith.constant 0 : i32
        %dma_start3A_26 = tpu.memref_slice %arg2[%add3A_21, %dma_start3A] : memref<5120x128xi32, #tpu.memory_space<hbm>> -> memref<4x128xi32, #tpu.memory_space<hbm>>
        %dma_start3A_27 = arith.constant 0 : i32
        %dma_start3A_28 = tpu.memref_slice %arg2[%add3A_21, %dma_start3A_27] : memref<5120x128xi32, #tpu.memory_space<hbm>> -> memref<4x128xi32, #tpu.memory_space<hbm>>
        tpu.enqueue_dma source(%dma_start3A_28 : memref<4x128xi32, #tpu.memory_space<hbm>>) target(%arg6 : memref<4x128xi32, #tpu.memory_space<vmem>>) target_semaphore(%run_scoped3A_25 : memref<!tpu.dma_semaphore, #tpu.memory_space<semaphore_mem>>)
        %dma_wait3A = arith.constant 0 : i32
        %dma_wait3A_29 = tpu.memref_slice %arg2[%add3A_21, %dma_wait3A] : memref<5120x128xi32, #tpu.memory_space<hbm>> -> memref<4x128xi32, #tpu.memory_space<hbm>>
        %dma_wait3A_30 = arith.constant 0 : i32
        %dma_wait3A_31 = tpu.memref_slice %arg2[%add3A_21, %dma_wait3A_30] : memref<5120x128xi32, #tpu.memory_space<hbm>> -> memref<4x128xi32, #tpu.memory_space<hbm>>
        tpu.wait_dma2 semaphore(%run_scoped3A_25 : memref<!tpu.dma_semaphore, #tpu.memory_space<semaphore_mem>>) src(%dma_wait3A_31 : memref<4x128xi32, #tpu.memory_space<hbm>>) dst(%arg6 : memref<4x128xi32, #tpu.memory_space<vmem>>)
        tpu.yield
      }) : () -> ()
      %run_scoped3A = arith.constant 0 : i32
      "tpu.region"() ({
        %run_scoped3A_25 = tpu.sem_alloc : memref<!tpu.dma_semaphore, #tpu.memory_space<semaphore_mem>>
        %dma_start3A = arith.constant 0 : i32
        %dma_start3A_26 = tpu.memref_slice %arg6[%run_scoped3A, %dma_start3A] : memref<4x128xi32, #tpu.memory_space<vmem>> -> memref<1x128xi32, #tpu.memory_space<vmem>>
        %dma_start3A_27 = tpu.memref_squeeze %dma_start3A_26 : memref<1x128xi32, #tpu.memory_space<vmem>> -> memref<128xi32, #tpu.memory_space<vmem>>
        %dma_start3A_28 = arith.constant 0 : i32
        %dma_start3A_29 = arith.constant 0 : i32
        %dma_start3A_30 = tpu.memref_slice %arg8[%dma_start3A_28, %dma_start3A_29] : memref<10112x128xf32, #tpu.memory_space<vmem_shared>> -> memref<10112x128xf32, #tpu.memory_space<vmem_shared>>
        tpu.enqueue_indirect_dma source(%arg7 : memref<128x128xf32, #tpu.memory_space<vmem>>) target(%dma_start3A_30 : memref<10112x128xf32, #tpu.memory_space<vmem_shared>>) offsets(%dma_start3A_27 : memref<128xi32, #tpu.memory_space<vmem>>) semaphore(%run_scoped3A_25 : memref<!tpu.dma_semaphore, #tpu.memory_space<semaphore_mem>>) {add = true}
        %dma_wait3A = arith.constant 0 : i32
        %dma_wait3A_31 = tpu.memref_slice %arg6[%run_scoped3A, %dma_wait3A] : memref<4x128xi32, #tpu.memory_space<vmem>> -> memref<1x128xi32, #tpu.memory_space<vmem>>
        %dma_wait3A_32 = tpu.memref_squeeze %dma_wait3A_31 : memref<1x128xi32, #tpu.memory_space<vmem>> -> memref<128xi32, #tpu.memory_space<vmem>>
        %dma_wait3A_33 = arith.constant 0 : i32
        %dma_wait3A_34 = arith.constant 0 : i32
        %dma_wait3A_35 = tpu.memref_slice %arg8[%dma_wait3A_33, %dma_wait3A_34] : memref<10112x128xf32, #tpu.memory_space<vmem_shared>> -> memref<10112x128xf32, #tpu.memory_space<vmem_shared>>
        tpu.wait_indirect_dma semaphore(%run_scoped3A_25 : memref<!tpu.dma_semaphore, #tpu.memory_space<semaphore_mem>>) src(%arg7 : memref<128x128xf32, #tpu.memory_space<vmem>>) dst(%dma_wait3A_35 : memref<10112x128xf32, #tpu.memory_space<vmem_shared>>)
        tpu.yield
      }) : () -> ()
      %run_scoped3A_22 = arith.constant 1 : i32
      "tpu.region"() ({
        %run_scoped3A_25 = tpu.sem_alloc : memref<!tpu.dma_semaphore, #tpu.memory_space<semaphore_mem>>
        %dma_start3A = arith.constant 0 : i32
        %dma_start3A_26 = tpu.memref_slice %arg6[%run_scoped3A_22, %dma_start3A] : memref<4x128xi32, #tpu.memory_space<vmem>> -> memref<1x128xi32, #tpu.memory_space<vmem>>
        %dma_start3A_27 = tpu.memref_squeeze %dma_start3A_26 : memref<1x128xi32, #tpu.memory_space<vmem>> -> memref<128xi32, #tpu.memory_space<vmem>>
        %dma_start3A_28 = arith.constant 0 : i32
        %dma_start3A_29 = arith.constant 0 : i32
        %dma_start3A_30 = tpu.memref_slice %arg8[%dma_start3A_28, %dma_start3A_29] : memref<10112x128xf32, #tpu.memory_space<vmem_shared>> -> memref<10112x128xf32, #tpu.memory_space<vmem_shared>>
        tpu.enqueue_indirect_dma source(%arg7 : memref<128x128xf32, #tpu.memory_space<vmem>>) target(%dma_start3A_30 : memref<10112x128xf32, #tpu.memory_space<vmem_shared>>) offsets(%dma_start3A_27 : memref<128xi32, #tpu.memory_space<vmem>>) semaphore(%run_scoped3A_25 : memref<!tpu.dma_semaphore, #tpu.memory_space<semaphore_mem>>) {add = true}
        %dma_wait3A = arith.constant 0 : i32
        %dma_wait3A_31 = tpu.memref_slice %arg6[%run_scoped3A_22, %dma_wait3A] : memref<4x128xi32, #tpu.memory_space<vmem>> -> memref<1x128xi32, #tpu.memory_space<vmem>>
        %dma_wait3A_32 = tpu.memref_squeeze %dma_wait3A_31 : memref<1x128xi32, #tpu.memory_space<vmem>> -> memref<128xi32, #tpu.memory_space<vmem>>
        %dma_wait3A_33 = arith.constant 0 : i32
        %dma_wait3A_34 = arith.constant 0 : i32
        %dma_wait3A_35 = tpu.memref_slice %arg8[%dma_wait3A_33, %dma_wait3A_34] : memref<10112x128xf32, #tpu.memory_space<vmem_shared>> -> memref<10112x128xf32, #tpu.memory_space<vmem_shared>>
        tpu.wait_indirect_dma semaphore(%run_scoped3A_25 : memref<!tpu.dma_semaphore, #tpu.memory_space<semaphore_mem>>) src(%arg7 : memref<128x128xf32, #tpu.memory_space<vmem>>) dst(%dma_wait3A_35 : memref<10112x128xf32, #tpu.memory_space<vmem_shared>>)
        tpu.yield
      }) : () -> ()
      %run_scoped3A_23 = arith.constant 2 : i32
      "tpu.region"() ({
        %run_scoped3A_25 = tpu.sem_alloc : memref<!tpu.dma_semaphore, #tpu.memory_space<semaphore_mem>>
        %dma_start3A = arith.constant 0 : i32
        %dma_start3A_26 = tpu.memref_slice %arg6[%run_scoped3A_23, %dma_start3A] : memref<4x128xi32, #tpu.memory_space<vmem>> -> memref<1x128xi32, #tpu.memory_space<vmem>>
        %dma_start3A_27 = tpu.memref_squeeze %dma_start3A_26 : memref<1x128xi32, #tpu.memory_space<vmem>> -> memref<128xi32, #tpu.memory_space<vmem>>
        %dma_start3A_28 = arith.constant 0 : i32
        %dma_start3A_29 = arith.constant 0 : i32
        %dma_start3A_30 = tpu.memref_slice %arg8[%dma_start3A_28, %dma_start3A_29] : memref<10112x128xf32, #tpu.memory_space<vmem_shared>> -> memref<10112x128xf32, #tpu.memory_space<vmem_shared>>
        tpu.enqueue_indirect_dma source(%arg7 : memref<128x128xf32, #tpu.memory_space<vmem>>) target(%dma_start3A_30 : memref<10112x128xf32, #tpu.memory_space<vmem_shared>>) offsets(%dma_start3A_27 : memref<128xi32, #tpu.memory_space<vmem>>) semaphore(%run_scoped3A_25 : memref<!tpu.dma_semaphore, #tpu.memory_space<semaphore_mem>>) {add = true}
        %dma_wait3A = arith.constant 0 : i32
        %dma_wait3A_31 = tpu.memref_slice %arg6[%run_scoped3A_23, %dma_wait3A] : memref<4x128xi32, #tpu.memory_space<vmem>> -> memref<1x128xi32, #tpu.memory_space<vmem>>
        %dma_wait3A_32 = tpu.memref_squeeze %dma_wait3A_31 : memref<1x128xi32, #tpu.memory_space<vmem>> -> memref<128xi32, #tpu.memory_space<vmem>>
        %dma_wait3A_33 = arith.constant 0 : i32
        %dma_wait3A_34 = arith.constant 0 : i32
        %dma_wait3A_35 = tpu.memref_slice %arg8[%dma_wait3A_33, %dma_wait3A_34] : memref<10112x128xf32, #tpu.memory_space<vmem_shared>> -> memref<10112x128xf32, #tpu.memory_space<vmem_shared>>
        tpu.wait_indirect_dma semaphore(%run_scoped3A_25 : memref<!tpu.dma_semaphore, #tpu.memory_space<semaphore_mem>>) src(%arg7 : memref<128x128xf32, #tpu.memory_space<vmem>>) dst(%dma_wait3A_35 : memref<10112x128xf32, #tpu.memory_space<vmem_shared>>)
        tpu.yield
      }) : () -> ()
      %run_scoped3A_24 = arith.constant 3 : i32
      "tpu.region"() ({
        %run_scoped3A_25 = tpu.sem_alloc : memref<!tpu.dma_semaphore, #tpu.memory_space<semaphore_mem>>
        %dma_start3A = arith.constant 0 : i32
        %dma_start3A_26 = tpu.memref_slice %arg6[%run_scoped3A_24, %dma_start3A] : memref<4x128xi32, #tpu.memory_space<vmem>> -> memref<1x128xi32, #tpu.memory_space<vmem>>
        %dma_start3A_27 = tpu.memref_squeeze %dma_start3A_26 : memref<1x128xi32, #tpu.memory_space<vmem>> -> memref<128xi32, #tpu.memory_space<vmem>>
        %dma_start3A_28 = arith.constant 0 : i32
        %dma_start3A_29 = arith.constant 0 : i32
        %dma_start3A_30 = tpu.memref_slice %arg8[%dma_start3A_28, %dma_start3A_29] : memref<10112x128xf32, #tpu.memory_space<vmem_shared>> -> memref<10112x128xf32, #tpu.memory_space<vmem_shared>>
        tpu.enqueue_indirect_dma source(%arg7 : memref<128x128xf32, #tpu.memory_space<vmem>>) target(%dma_start3A_30 : memref<10112x128xf32, #tpu.memory_space<vmem_shared>>) offsets(%dma_start3A_27 : memref<128xi32, #tpu.memory_space<vmem>>) semaphore(%run_scoped3A_25 : memref<!tpu.dma_semaphore, #tpu.memory_space<semaphore_mem>>) {add = true}
        %dma_wait3A = arith.constant 0 : i32
        %dma_wait3A_31 = tpu.memref_slice %arg6[%run_scoped3A_24, %dma_wait3A] : memref<4x128xi32, #tpu.memory_space<vmem>> -> memref<1x128xi32, #tpu.memory_space<vmem>>
        %dma_wait3A_32 = tpu.memref_squeeze %dma_wait3A_31 : memref<1x128xi32, #tpu.memory_space<vmem>> -> memref<128xi32, #tpu.memory_space<vmem>>
        %dma_wait3A_33 = arith.constant 0 : i32
        %dma_wait3A_34 = arith.constant 0 : i32
        %dma_wait3A_35 = tpu.memref_slice %arg8[%dma_wait3A_33, %dma_wait3A_34] : memref<10112x128xf32, #tpu.memory_space<vmem_shared>> -> memref<10112x128xf32, #tpu.memory_space<vmem_shared>>
        tpu.wait_indirect_dma semaphore(%run_scoped3A_25 : memref<!tpu.dma_semaphore, #tpu.memory_space<semaphore_mem>>) src(%arg7 : memref<128x128xf32, #tpu.memory_space<vmem>>) dst(%dma_wait3A_35 : memref<10112x128xf32, #tpu.memory_space<vmem_shared>>)
        tpu.yield
      }) : () -> ()
    }
    %scan3A_9 = arith.constant 40 : i32
    %barrier3A_10 = arith.constant 0 : index
    tpu.barrier barrier_id(%barrier3A_10)
    %mul3A_11 = arith.constant 632 : i32
    %mul3A_12 = arith.muli %arg1, %mul3A_11 : i32
    %mul3A_13 = arith.constant 10112 : i32
    %mul3A_14 = arith.muli %arg0, %mul3A_13 : i32
    %mul3A_15 = arith.constant 632 : i32
    %mul3A_16 = arith.muli %arg1, %mul3A_15 : i32
    %add3A_17 = arith.addi %mul3A_14, %mul3A_16 : i32
    "tpu.region"() ({
      %run_scoped3A = tpu.sem_alloc : memref<!tpu.dma_semaphore, #tpu.memory_space<semaphore_mem>>
      %dma_start3A = arith.constant 0 : i32
      %dma_start3A_18 = tpu.memref_slice %arg5[%add3A_17, %dma_start3A] : memref<20224x128xf32, #tpu.memory_space<hbm>> -> memref<632x128xf32, #tpu.memory_space<hbm>>
      %dma_start3A_19 = arith.constant 0 : i32
      %dma_start3A_20 = tpu.memref_slice %arg8[%mul3A_12, %dma_start3A_19] : memref<10112x128xf32, #tpu.memory_space<vmem_shared>> -> memref<632x128xf32, #tpu.memory_space<vmem_shared>>
      tpu.enqueue_dma source(%dma_start3A_20 : memref<632x128xf32, #tpu.memory_space<vmem_shared>>) target(%dma_start3A_18 : memref<632x128xf32, #tpu.memory_space<hbm>>) target_semaphore(%run_scoped3A : memref<!tpu.dma_semaphore, #tpu.memory_space<semaphore_mem>>)
      %dma_wait3A = arith.constant 0 : i32
      %dma_wait3A_21 = tpu.memref_slice %arg5[%add3A_17, %dma_wait3A] : memref<20224x128xf32, #tpu.memory_space<hbm>> -> memref<632x128xf32, #tpu.memory_space<hbm>>
      %dma_wait3A_22 = arith.constant 0 : i32
      %dma_wait3A_23 = tpu.memref_slice %arg8[%mul3A_12, %dma_wait3A_22] : memref<10112x128xf32, #tpu.memory_space<vmem_shared>> -> memref<632x128xf32, #tpu.memory_space<vmem_shared>>
      tpu.wait_dma2 semaphore(%run_scoped3A : memref<!tpu.dma_semaphore, #tpu.memory_space<semaphore_mem>>) src(%dma_wait3A_23 : memref<632x128xf32, #tpu.memory_space<vmem_shared>>) dst(%dma_wait3A_21 : memref<632x128xf32, #tpu.memory_space<hbm>>)
      tpu.yield
    }) : () -> ()
    return
  }
}

#map = affine_map<(d0, d1) -> (0, 0)>
module attributes {stable_mosaic.version = 14 : i64} {
  func.func @_sc_agg_body(%arg0: i32, %arg1: i32, %arg2: memref<5120x128xi32, #tpu.memory_space<hbm>>, %arg3: memref<5120x128xi32, #tpu.memory_space<hbm>>, %arg4: memref<10000x128xf32, #tpu.memory_space<hbm>>, %arg5: memref<632x128xf32, #tpu.memory_space<hbm>>, %arg6: memref<20016x128xf32, #tpu.memory_space<hbm>>, %arg7: memref<4x128xi32, #tpu.memory_space<vmem>>, %arg8: memref<4x128xi32, #tpu.memory_space<vmem>>, %arg9: memref<256x128xf32, #tpu.memory_space<vmem>>, %arg10: memref<10008x128xf32, #tpu.memory_space<vmem_shared>>, %arg11: memref<!tpu.dma_semaphore, #tpu.memory_space<semaphore_mem>>) attributes {dimension_semantics = [#tpu.dimension_semantics<core_parallel>, #tpu.dimension_semantics<subcore_parallel>], iteration_bounds = array<i64: 2, 16>, scalar_prefetch = 0 : i64, scratch_operands = 5 : i64, tpu.core_type = #tpu.core_type<sc_vector_subcore>, window_params = [{transform_indices = #map}, {transform_indices = #map}, {transform_indices = #map}, {transform_indices = #map}, {transform_indices = #map}]} {
    %mul3A = arith.constant 632 : i32
    %mul3A_0 = arith.muli %arg1, %mul3A : i32
    %min3A = arith.constant 9376 : i32
    %min3A_1 = arith.minsi %mul3A_0, %min3A : i32
    "tpu.region"() ({
      %run_scoped3A = tpu.sem_alloc : memref<!tpu.dma_semaphore, #tpu.memory_space<semaphore_mem>>
      %dma_start3A = arith.constant 0 : i32
      %dma_start3A_25 = tpu.memref_slice %arg10[%min3A_1, %dma_start3A] : memref<10008x128xf32, #tpu.memory_space<vmem_shared>> -> memref<632x128xf32, #tpu.memory_space<vmem_shared>>
      tpu.enqueue_dma source(%arg5 : memref<632x128xf32, #tpu.memory_space<hbm>>) target(%dma_start3A_25 : memref<632x128xf32, #tpu.memory_space<vmem_shared>>) target_semaphore(%run_scoped3A : memref<!tpu.dma_semaphore, #tpu.memory_space<semaphore_mem>>)
      %dma_wait3A = arith.constant 0 : i32
      %dma_wait3A_26 = tpu.memref_slice %arg10[%min3A_1, %dma_wait3A] : memref<10008x128xf32, #tpu.memory_space<vmem_shared>> -> memref<632x128xf32, #tpu.memory_space<vmem_shared>>
      tpu.wait_dma2 semaphore(%run_scoped3A : memref<!tpu.dma_semaphore, #tpu.memory_space<semaphore_mem>>) src(%arg5 : memref<632x128xf32, #tpu.memory_space<hbm>>) dst(%dma_wait3A_26 : memref<632x128xf32, #tpu.memory_space<vmem_shared>>)
      tpu.yield
    }) : () -> ()
    %barrier3A = arith.constant 0 : index
    tpu.barrier barrier_id(%barrier3A)
    %eq3A = arith.constant 0 : i32
    %eq3A_2 = arith.cmpi eq, %arg0, %eq3A : i32
    %mul3A_3 = arith.constant 264 : i32
    %mul3A_4 = arith.muli %arg1, %mul3A_3 : i32
    %mul3A_5 = arith.constant 56 : i32
    %mul3A_6 = arith.muli %arg1, %mul3A_5 : i32
    %add3A = arith.constant 4224 : i32
    %add3A_7 = arith.addi %add3A, %mul3A_6 : i32
    %select_n3A = arith.select %eq3A_2, %mul3A_4, %add3A_7 : i32
    %eq3A_8 = arith.constant 0 : i32
    %eq3A_9 = arith.cmpi eq, %arg0, %eq3A_8 : i32
    %jit3A = arith.constant 66 : i32
    %jit3A_10 = arith.constant 14 : i32
    %select_n3A_11 = arith.select %eq3A_9, %jit3A, %jit3A_10 : i32
    %while3A = arith.constant 0 : i32
    %while3A_12 = arith.constant 0 : i32
    %while3A_13 = arith.subi %select_n3A_11, %while3A_12 : i32
    %while3A_14 = arith.addi %while3A_12, %while3A_13 : i32
    %while3A_15 = arith.constant 1 : i32
    %while3A_16 = arith.divsi %while3A_13, %while3A_15 : i32
    %while3A_17 = arith.muli %while3A_16, %while3A_15 : i32
    %while3A_18 = arith.addi %while3A_12, %while3A_17 : i32
    %while3A_19 = arith.constant 1 : i32
    scf.for %while3A_25 = %while3A_12 to %while3A_18 step %while3A_19  : i32 {
      %mul3A_26 = arith.constant 4 : i32
      %mul3A_27 = arith.muli %while3A_25, %mul3A_26 : i32
      %add3A_28 = arith.addi %select_n3A, %mul3A_27 : i32
      "tpu.region"() ({
        %run_scoped3A_110 = tpu.sem_alloc : memref<!tpu.dma_semaphore, #tpu.memory_space<semaphore_mem>>
        %dma_start3A_111 = arith.constant 0 : i32
        %dma_start3A_112 = tpu.memref_slice %arg2[%add3A_28, %dma_start3A_111] : memref<5120x128xi32, #tpu.memory_space<hbm>> -> memref<4x128xi32, #tpu.memory_space<hbm>>
        %dma_start3A_113 = arith.constant 0 : i32
        %dma_start3A_114 = tpu.memref_slice %arg2[%add3A_28, %dma_start3A_113] : memref<5120x128xi32, #tpu.memory_space<hbm>> -> memref<4x128xi32, #tpu.memory_space<hbm>>
        tpu.enqueue_dma source(%dma_start3A_114 : memref<4x128xi32, #tpu.memory_space<hbm>>) target(%arg7 : memref<4x128xi32, #tpu.memory_space<vmem>>) target_semaphore(%run_scoped3A_110 : memref<!tpu.dma_semaphore, #tpu.memory_space<semaphore_mem>>)
        %dma_wait3A_115 = arith.constant 0 : i32
        %dma_wait3A_116 = tpu.memref_slice %arg2[%add3A_28, %dma_wait3A_115] : memref<5120x128xi32, #tpu.memory_space<hbm>> -> memref<4x128xi32, #tpu.memory_space<hbm>>
        %dma_wait3A_117 = arith.constant 0 : i32
        %dma_wait3A_118 = tpu.memref_slice %arg2[%add3A_28, %dma_wait3A_117] : memref<5120x128xi32, #tpu.memory_space<hbm>> -> memref<4x128xi32, #tpu.memory_space<hbm>>
        tpu.wait_dma2 semaphore(%run_scoped3A_110 : memref<!tpu.dma_semaphore, #tpu.memory_space<semaphore_mem>>) src(%dma_wait3A_118 : memref<4x128xi32, #tpu.memory_space<hbm>>) dst(%arg7 : memref<4x128xi32, #tpu.memory_space<vmem>>)
        tpu.yield
      }) : () -> ()
      "tpu.region"() ({
        %run_scoped3A_110 = tpu.sem_alloc : memref<!tpu.dma_semaphore, #tpu.memory_space<semaphore_mem>>
        %dma_start3A_111 = arith.constant 0 : i32
        %dma_start3A_112 = tpu.memref_slice %arg3[%add3A_28, %dma_start3A_111] : memref<5120x128xi32, #tpu.memory_space<hbm>> -> memref<4x128xi32, #tpu.memory_space<hbm>>
        %dma_start3A_113 = arith.constant 0 : i32
        %dma_start3A_114 = tpu.memref_slice %arg3[%add3A_28, %dma_start3A_113] : memref<5120x128xi32, #tpu.memory_space<hbm>> -> memref<4x128xi32, #tpu.memory_space<hbm>>
        tpu.enqueue_dma source(%dma_start3A_114 : memref<4x128xi32, #tpu.memory_space<hbm>>) target(%arg8 : memref<4x128xi32, #tpu.memory_space<vmem>>) target_semaphore(%run_scoped3A_110 : memref<!tpu.dma_semaphore, #tpu.memory_space<semaphore_mem>>)
        %dma_wait3A_115 = arith.constant 0 : i32
        %dma_wait3A_116 = tpu.memref_slice %arg3[%add3A_28, %dma_wait3A_115] : memref<5120x128xi32, #tpu.memory_space<hbm>> -> memref<4x128xi32, #tpu.memory_space<hbm>>
        %dma_wait3A_117 = arith.constant 0 : i32
        %dma_wait3A_118 = tpu.memref_slice %arg3[%add3A_28, %dma_wait3A_117] : memref<5120x128xi32, #tpu.memory_space<hbm>> -> memref<4x128xi32, #tpu.memory_space<hbm>>
        tpu.wait_dma2 semaphore(%run_scoped3A_110 : memref<!tpu.dma_semaphore, #tpu.memory_space<semaphore_mem>>) src(%dma_wait3A_118 : memref<4x128xi32, #tpu.memory_space<hbm>>) dst(%arg8 : memref<4x128xi32, #tpu.memory_space<vmem>>)
        tpu.yield
      }) : () -> ()
      %dma_start3A = arith.constant 0 : i32
      %dma_start3A_29 = arith.constant 0 : i32
      %dma_start3A_30 = arith.constant 0 : i32
      %dma_start3A_31 = tpu.memref_slice %arg9[%dma_start3A_29, %dma_start3A_30] : memref<256x128xf32, #tpu.memory_space<vmem>> -> memref<128x128xf32, #tpu.memory_space<vmem>>
      %dma_start3A_32 = arith.constant 0 : i32
      %dma_start3A_33 = tpu.memref_slice %arg8[%dma_start3A, %dma_start3A_32] : memref<4x128xi32, #tpu.memory_space<vmem>> -> memref<1x128xi32, #tpu.memory_space<vmem>>
      %dma_start3A_34 = tpu.memref_squeeze %dma_start3A_33 : memref<1x128xi32, #tpu.memory_space<vmem>> -> memref<128xi32, #tpu.memory_space<vmem>>
      %dma_start3A_35 = arith.constant 0 : i32
      %dma_start3A_36 = arith.constant 0 : i32
      %dma_start3A_37 = tpu.memref_slice %arg4[%dma_start3A_35, %dma_start3A_36] : memref<10000x128xf32, #tpu.memory_space<hbm>> -> memref<10000x128xf32, #tpu.memory_space<hbm>>
      tpu.enqueue_indirect_dma source(%dma_start3A_37 : memref<10000x128xf32, #tpu.memory_space<hbm>>) target(%dma_start3A_31 : memref<128x128xf32, #tpu.memory_space<vmem>>) offsets(%dma_start3A_34 : memref<128xi32, #tpu.memory_space<vmem>>) semaphore(%arg11 : memref<!tpu.dma_semaphore, #tpu.memory_space<semaphore_mem>>)
      %dma_wait3A = arith.constant 0 : i32
      %dma_wait3A_38 = arith.constant 0 : i32
      %dma_wait3A_39 = arith.constant 0 : i32
      %dma_wait3A_40 = tpu.memref_slice %arg9[%dma_wait3A_38, %dma_wait3A_39] : memref<256x128xf32, #tpu.memory_space<vmem>> -> memref<128x128xf32, #tpu.memory_space<vmem>>
      %dma_wait3A_41 = arith.constant 0 : i32
      %dma_wait3A_42 = tpu.memref_slice %arg8[%dma_wait3A, %dma_wait3A_41] : memref<4x128xi32, #tpu.memory_space<vmem>> -> memref<1x128xi32, #tpu.memory_space<vmem>>
      %dma_wait3A_43 = tpu.memref_squeeze %dma_wait3A_42 : memref<1x128xi32, #tpu.memory_space<vmem>> -> memref<128xi32, #tpu.memory_space<vmem>>
      %dma_wait3A_44 = arith.constant 0 : i32
      %dma_wait3A_45 = arith.constant 0 : i32
      %dma_wait3A_46 = tpu.memref_slice %arg4[%dma_wait3A_44, %dma_wait3A_45] : memref<10000x128xf32, #tpu.memory_space<hbm>> -> memref<10000x128xf32, #tpu.memory_space<hbm>>
      tpu.wait_indirect_dma semaphore(%arg11 : memref<!tpu.dma_semaphore, #tpu.memory_space<semaphore_mem>>) src(%dma_wait3A_46 : memref<10000x128xf32, #tpu.memory_space<hbm>>) dst(%dma_wait3A_40 : memref<128x128xf32, #tpu.memory_space<vmem>>)
      %dma_start3A_47 = arith.constant 1 : i32
      %dma_start3A_48 = arith.constant 128 : i32
      %dma_start3A_49 = arith.constant 0 : i32
      %dma_start3A_50 = tpu.memref_slice %arg9[%dma_start3A_48, %dma_start3A_49] : memref<256x128xf32, #tpu.memory_space<vmem>> -> memref<128x128xf32, #tpu.memory_space<vmem>>
      %dma_start3A_51 = arith.constant 0 : i32
      %dma_start3A_52 = tpu.memref_slice %arg8[%dma_start3A_47, %dma_start3A_51] : memref<4x128xi32, #tpu.memory_space<vmem>> -> memref<1x128xi32, #tpu.memory_space<vmem>>
      %dma_start3A_53 = tpu.memref_squeeze %dma_start3A_52 : memref<1x128xi32, #tpu.memory_space<vmem>> -> memref<128xi32, #tpu.memory_space<vmem>>
      %dma_start3A_54 = arith.constant 0 : i32
      %dma_start3A_55 = arith.constant 0 : i32
      %dma_start3A_56 = tpu.memref_slice %arg4[%dma_start3A_54, %dma_start3A_55] : memref<10000x128xf32, #tpu.memory_space<hbm>> -> memref<10000x128xf32, #tpu.memory_space<hbm>>
      tpu.enqueue_indirect_dma source(%dma_start3A_56 : memref<10000x128xf32, #tpu.memory_space<hbm>>) target(%dma_start3A_50 : memref<128x128xf32, #tpu.memory_space<vmem>>) offsets(%dma_start3A_53 : memref<128xi32, #tpu.memory_space<vmem>>) semaphore(%arg11 : memref<!tpu.dma_semaphore, #tpu.memory_space<semaphore_mem>>)
      %dma_wait3A_57 = arith.constant 1 : i32
      %dma_wait3A_58 = arith.constant 128 : i32
      %dma_wait3A_59 = arith.constant 0 : i32
      %dma_wait3A_60 = tpu.memref_slice %arg9[%dma_wait3A_58, %dma_wait3A_59] : memref<256x128xf32, #tpu.memory_space<vmem>> -> memref<128x128xf32, #tpu.memory_space<vmem>>
      %dma_wait3A_61 = arith.constant 0 : i32
      %dma_wait3A_62 = tpu.memref_slice %arg8[%dma_wait3A_57, %dma_wait3A_61] : memref<4x128xi32, #tpu.memory_space<vmem>> -> memref<1x128xi32, #tpu.memory_space<vmem>>
      %dma_wait3A_63 = tpu.memref_squeeze %dma_wait3A_62 : memref<1x128xi32, #tpu.memory_space<vmem>> -> memref<128xi32, #tpu.memory_space<vmem>>
      %dma_wait3A_64 = arith.constant 0 : i32
      %dma_wait3A_65 = arith.constant 0 : i32
      %dma_wait3A_66 = tpu.memref_slice %arg4[%dma_wait3A_64, %dma_wait3A_65] : memref<10000x128xf32, #tpu.memory_space<hbm>> -> memref<10000x128xf32, #tpu.memory_space<hbm>>
      tpu.wait_indirect_dma semaphore(%arg11 : memref<!tpu.dma_semaphore, #tpu.memory_space<semaphore_mem>>) src(%dma_wait3A_66 : memref<10000x128xf32, #tpu.memory_space<hbm>>) dst(%dma_wait3A_60 : memref<128x128xf32, #tpu.memory_space<vmem>>)
      %run_scoped3A = arith.constant 0 : i32
      "tpu.region"() ({
        %run_scoped3A_110 = tpu.sem_alloc : memref<!tpu.dma_semaphore, #tpu.memory_space<semaphore_mem>>
        %dma_start3A_111 = arith.constant 0 : i32
        %dma_start3A_112 = arith.constant 0 : i32
        %dma_start3A_113 = tpu.memref_slice %arg9[%dma_start3A_111, %dma_start3A_112] : memref<256x128xf32, #tpu.memory_space<vmem>> -> memref<128x128xf32, #tpu.memory_space<vmem>>
        %dma_start3A_114 = arith.constant 0 : i32
        %dma_start3A_115 = tpu.memref_slice %arg7[%run_scoped3A, %dma_start3A_114] : memref<4x128xi32, #tpu.memory_space<vmem>> -> memref<1x128xi32, #tpu.memory_space<vmem>>
        %dma_start3A_116 = tpu.memref_squeeze %dma_start3A_115 : memref<1x128xi32, #tpu.memory_space<vmem>> -> memref<128xi32, #tpu.memory_space<vmem>>
        %dma_start3A_117 = arith.constant 0 : i32
        %dma_start3A_118 = arith.constant 0 : i32
        %dma_start3A_119 = tpu.memref_slice %arg10[%dma_start3A_117, %dma_start3A_118] : memref<10008x128xf32, #tpu.memory_space<vmem_shared>> -> memref<10008x128xf32, #tpu.memory_space<vmem_shared>>
        tpu.enqueue_indirect_dma source(%dma_start3A_113 : memref<128x128xf32, #tpu.memory_space<vmem>>) target(%dma_start3A_119 : memref<10008x128xf32, #tpu.memory_space<vmem_shared>>) offsets(%dma_start3A_116 : memref<128xi32, #tpu.memory_space<vmem>>) semaphore(%run_scoped3A_110 : memref<!tpu.dma_semaphore, #tpu.memory_space<semaphore_mem>>) {add = true}
        %dma_wait3A_120 = arith.constant 0 : i32
        %dma_wait3A_121 = arith.constant 0 : i32
        %dma_wait3A_122 = tpu.memref_slice %arg9[%dma_wait3A_120, %dma_wait3A_121] : memref<256x128xf32, #tpu.memory_space<vmem>> -> memref<128x128xf32, #tpu.memory_space<vmem>>
        %dma_wait3A_123 = arith.constant 0 : i32
        %dma_wait3A_124 = tpu.memref_slice %arg7[%run_scoped3A, %dma_wait3A_123] : memref<4x128xi32, #tpu.memory_space<vmem>> -> memref<1x128xi32, #tpu.memory_space<vmem>>
        %dma_wait3A_125 = tpu.memref_squeeze %dma_wait3A_124 : memref<1x128xi32, #tpu.memory_space<vmem>> -> memref<128xi32, #tpu.memory_space<vmem>>
        %dma_wait3A_126 = arith.constant 0 : i32
        %dma_wait3A_127 = arith.constant 0 : i32
        %dma_wait3A_128 = tpu.memref_slice %arg10[%dma_wait3A_126, %dma_wait3A_127] : memref<10008x128xf32, #tpu.memory_space<vmem_shared>> -> memref<10008x128xf32, #tpu.memory_space<vmem_shared>>
        tpu.wait_indirect_dma semaphore(%run_scoped3A_110 : memref<!tpu.dma_semaphore, #tpu.memory_space<semaphore_mem>>) src(%dma_wait3A_122 : memref<128x128xf32, #tpu.memory_space<vmem>>) dst(%dma_wait3A_128 : memref<10008x128xf32, #tpu.memory_space<vmem_shared>>)
        tpu.yield
      }) : () -> ()
      %run_scoped3A_67 = arith.constant 1 : i32
      "tpu.region"() ({
        %run_scoped3A_110 = tpu.sem_alloc : memref<!tpu.dma_semaphore, #tpu.memory_space<semaphore_mem>>
        %dma_start3A_111 = arith.constant 128 : i32
        %dma_start3A_112 = arith.constant 0 : i32
        %dma_start3A_113 = tpu.memref_slice %arg9[%dma_start3A_111, %dma_start3A_112] : memref<256x128xf32, #tpu.memory_space<vmem>> -> memref<128x128xf32, #tpu.memory_space<vmem>>
        %dma_start3A_114 = arith.constant 0 : i32
        %dma_start3A_115 = tpu.memref_slice %arg7[%run_scoped3A_67, %dma_start3A_114] : memref<4x128xi32, #tpu.memory_space<vmem>> -> memref<1x128xi32, #tpu.memory_space<vmem>>
        %dma_start3A_116 = tpu.memref_squeeze %dma_start3A_115 : memref<1x128xi32, #tpu.memory_space<vmem>> -> memref<128xi32, #tpu.memory_space<vmem>>
        %dma_start3A_117 = arith.constant 0 : i32
        %dma_start3A_118 = arith.constant 0 : i32
        %dma_start3A_119 = tpu.memref_slice %arg10[%dma_start3A_117, %dma_start3A_118] : memref<10008x128xf32, #tpu.memory_space<vmem_shared>> -> memref<10008x128xf32, #tpu.memory_space<vmem_shared>>
        tpu.enqueue_indirect_dma source(%dma_start3A_113 : memref<128x128xf32, #tpu.memory_space<vmem>>) target(%dma_start3A_119 : memref<10008x128xf32, #tpu.memory_space<vmem_shared>>) offsets(%dma_start3A_116 : memref<128xi32, #tpu.memory_space<vmem>>) semaphore(%run_scoped3A_110 : memref<!tpu.dma_semaphore, #tpu.memory_space<semaphore_mem>>) {add = true}
        %dma_wait3A_120 = arith.constant 128 : i32
        %dma_wait3A_121 = arith.constant 0 : i32
        %dma_wait3A_122 = tpu.memref_slice %arg9[%dma_wait3A_120, %dma_wait3A_121] : memref<256x128xf32, #tpu.memory_space<vmem>> -> memref<128x128xf32, #tpu.memory_space<vmem>>
        %dma_wait3A_123 = arith.constant 0 : i32
        %dma_wait3A_124 = tpu.memref_slice %arg7[%run_scoped3A_67, %dma_wait3A_123] : memref<4x128xi32, #tpu.memory_space<vmem>> -> memref<1x128xi32, #tpu.memory_space<vmem>>
        %dma_wait3A_125 = tpu.memref_squeeze %dma_wait3A_124 : memref<1x128xi32, #tpu.memory_space<vmem>> -> memref<128xi32, #tpu.memory_space<vmem>>
        %dma_wait3A_126 = arith.constant 0 : i32
        %dma_wait3A_127 = arith.constant 0 : i32
        %dma_wait3A_128 = tpu.memref_slice %arg10[%dma_wait3A_126, %dma_wait3A_127] : memref<10008x128xf32, #tpu.memory_space<vmem_shared>> -> memref<10008x128xf32, #tpu.memory_space<vmem_shared>>
        tpu.wait_indirect_dma semaphore(%run_scoped3A_110 : memref<!tpu.dma_semaphore, #tpu.memory_space<semaphore_mem>>) src(%dma_wait3A_122 : memref<128x128xf32, #tpu.memory_space<vmem>>) dst(%dma_wait3A_128 : memref<10008x128xf32, #tpu.memory_space<vmem_shared>>)
        tpu.yield
      }) : () -> ()
      %dma_start3A_68 = arith.constant 2 : i32
      %dma_start3A_69 = arith.constant 0 : i32
      %dma_start3A_70 = arith.constant 0 : i32
      %dma_start3A_71 = tpu.memref_slice %arg9[%dma_start3A_69, %dma_start3A_70] : memref<256x128xf32, #tpu.memory_space<vmem>> -> memref<128x128xf32, #tpu.memory_space<vmem>>
      %dma_start3A_72 = arith.constant 0 : i32
      %dma_start3A_73 = tpu.memref_slice %arg8[%dma_start3A_68, %dma_start3A_72] : memref<4x128xi32, #tpu.memory_space<vmem>> -> memref<1x128xi32, #tpu.memory_space<vmem>>
      %dma_start3A_74 = tpu.memref_squeeze %dma_start3A_73 : memref<1x128xi32, #tpu.memory_space<vmem>> -> memref<128xi32, #tpu.memory_space<vmem>>
      %dma_start3A_75 = arith.constant 0 : i32
      %dma_start3A_76 = arith.constant 0 : i32
      %dma_start3A_77 = tpu.memref_slice %arg4[%dma_start3A_75, %dma_start3A_76] : memref<10000x128xf32, #tpu.memory_space<hbm>> -> memref<10000x128xf32, #tpu.memory_space<hbm>>
      tpu.enqueue_indirect_dma source(%dma_start3A_77 : memref<10000x128xf32, #tpu.memory_space<hbm>>) target(%dma_start3A_71 : memref<128x128xf32, #tpu.memory_space<vmem>>) offsets(%dma_start3A_74 : memref<128xi32, #tpu.memory_space<vmem>>) semaphore(%arg11 : memref<!tpu.dma_semaphore, #tpu.memory_space<semaphore_mem>>)
      %dma_wait3A_78 = arith.constant 2 : i32
      %dma_wait3A_79 = arith.constant 0 : i32
      %dma_wait3A_80 = arith.constant 0 : i32
      %dma_wait3A_81 = tpu.memref_slice %arg9[%dma_wait3A_79, %dma_wait3A_80] : memref<256x128xf32, #tpu.memory_space<vmem>> -> memref<128x128xf32, #tpu.memory_space<vmem>>
      %dma_wait3A_82 = arith.constant 0 : i32
      %dma_wait3A_83 = tpu.memref_slice %arg8[%dma_wait3A_78, %dma_wait3A_82] : memref<4x128xi32, #tpu.memory_space<vmem>> -> memref<1x128xi32, #tpu.memory_space<vmem>>
      %dma_wait3A_84 = tpu.memref_squeeze %dma_wait3A_83 : memref<1x128xi32, #tpu.memory_space<vmem>> -> memref<128xi32, #tpu.memory_space<vmem>>
      %dma_wait3A_85 = arith.constant 0 : i32
      %dma_wait3A_86 = arith.constant 0 : i32
      %dma_wait3A_87 = tpu.memref_slice %arg4[%dma_wait3A_85, %dma_wait3A_86] : memref<10000x128xf32, #tpu.memory_space<hbm>> -> memref<10000x128xf32, #tpu.memory_space<hbm>>
      tpu.wait_indirect_dma semaphore(%arg11 : memref<!tpu.dma_semaphore, #tpu.memory_space<semaphore_mem>>) src(%dma_wait3A_87 : memref<10000x128xf32, #tpu.memory_space<hbm>>) dst(%dma_wait3A_81 : memref<128x128xf32, #tpu.memory_space<vmem>>)
      %dma_start3A_88 = arith.constant 3 : i32
      %dma_start3A_89 = arith.constant 128 : i32
      %dma_start3A_90 = arith.constant 0 : i32
      %dma_start3A_91 = tpu.memref_slice %arg9[%dma_start3A_89, %dma_start3A_90] : memref<256x128xf32, #tpu.memory_space<vmem>> -> memref<128x128xf32, #tpu.memory_space<vmem>>
      %dma_start3A_92 = arith.constant 0 : i32
      %dma_start3A_93 = tpu.memref_slice %arg8[%dma_start3A_88, %dma_start3A_92] : memref<4x128xi32, #tpu.memory_space<vmem>> -> memref<1x128xi32, #tpu.memory_space<vmem>>
      %dma_start3A_94 = tpu.memref_squeeze %dma_start3A_93 : memref<1x128xi32, #tpu.memory_space<vmem>> -> memref<128xi32, #tpu.memory_space<vmem>>
      %dma_start3A_95 = arith.constant 0 : i32
      %dma_start3A_96 = arith.constant 0 : i32
      %dma_start3A_97 = tpu.memref_slice %arg4[%dma_start3A_95, %dma_start3A_96] : memref<10000x128xf32, #tpu.memory_space<hbm>> -> memref<10000x128xf32, #tpu.memory_space<hbm>>
      tpu.enqueue_indirect_dma source(%dma_start3A_97 : memref<10000x128xf32, #tpu.memory_space<hbm>>) target(%dma_start3A_91 : memref<128x128xf32, #tpu.memory_space<vmem>>) offsets(%dma_start3A_94 : memref<128xi32, #tpu.memory_space<vmem>>) semaphore(%arg11 : memref<!tpu.dma_semaphore, #tpu.memory_space<semaphore_mem>>)
      %dma_wait3A_98 = arith.constant 3 : i32
      %dma_wait3A_99 = arith.constant 128 : i32
      %dma_wait3A_100 = arith.constant 0 : i32
      %dma_wait3A_101 = tpu.memref_slice %arg9[%dma_wait3A_99, %dma_wait3A_100] : memref<256x128xf32, #tpu.memory_space<vmem>> -> memref<128x128xf32, #tpu.memory_space<vmem>>
      %dma_wait3A_102 = arith.constant 0 : i32
      %dma_wait3A_103 = tpu.memref_slice %arg8[%dma_wait3A_98, %dma_wait3A_102] : memref<4x128xi32, #tpu.memory_space<vmem>> -> memref<1x128xi32, #tpu.memory_space<vmem>>
      %dma_wait3A_104 = tpu.memref_squeeze %dma_wait3A_103 : memref<1x128xi32, #tpu.memory_space<vmem>> -> memref<128xi32, #tpu.memory_space<vmem>>
      %dma_wait3A_105 = arith.constant 0 : i32
      %dma_wait3A_106 = arith.constant 0 : i32
      %dma_wait3A_107 = tpu.memref_slice %arg4[%dma_wait3A_105, %dma_wait3A_106] : memref<10000x128xf32, #tpu.memory_space<hbm>> -> memref<10000x128xf32, #tpu.memory_space<hbm>>
      tpu.wait_indirect_dma semaphore(%arg11 : memref<!tpu.dma_semaphore, #tpu.memory_space<semaphore_mem>>) src(%dma_wait3A_107 : memref<10000x128xf32, #tpu.memory_space<hbm>>) dst(%dma_wait3A_101 : memref<128x128xf32, #tpu.memory_space<vmem>>)
      %run_scoped3A_108 = arith.constant 2 : i32
      "tpu.region"() ({
        %run_scoped3A_110 = tpu.sem_alloc : memref<!tpu.dma_semaphore, #tpu.memory_space<semaphore_mem>>
        %dma_start3A_111 = arith.constant 0 : i32
        %dma_start3A_112 = arith.constant 0 : i32
        %dma_start3A_113 = tpu.memref_slice %arg9[%dma_start3A_111, %dma_start3A_112] : memref<256x128xf32, #tpu.memory_space<vmem>> -> memref<128x128xf32, #tpu.memory_space<vmem>>
        %dma_start3A_114 = arith.constant 0 : i32
        %dma_start3A_115 = tpu.memref_slice %arg7[%run_scoped3A_108, %dma_start3A_114] : memref<4x128xi32, #tpu.memory_space<vmem>> -> memref<1x128xi32, #tpu.memory_space<vmem>>
        %dma_start3A_116 = tpu.memref_squeeze %dma_start3A_115 : memref<1x128xi32, #tpu.memory_space<vmem>> -> memref<128xi32, #tpu.memory_space<vmem>>
        %dma_start3A_117 = arith.constant 0 : i32
        %dma_start3A_118 = arith.constant 0 : i32
        %dma_start3A_119 = tpu.memref_slice %arg10[%dma_start3A_117, %dma_start3A_118] : memref<10008x128xf32, #tpu.memory_space<vmem_shared>> -> memref<10008x128xf32, #tpu.memory_space<vmem_shared>>
        tpu.enqueue_indirect_dma source(%dma_start3A_113 : memref<128x128xf32, #tpu.memory_space<vmem>>) target(%dma_start3A_119 : memref<10008x128xf32, #tpu.memory_space<vmem_shared>>) offsets(%dma_start3A_116 : memref<128xi32, #tpu.memory_space<vmem>>) semaphore(%run_scoped3A_110 : memref<!tpu.dma_semaphore, #tpu.memory_space<semaphore_mem>>) {add = true}
        %dma_wait3A_120 = arith.constant 0 : i32
        %dma_wait3A_121 = arith.constant 0 : i32
        %dma_wait3A_122 = tpu.memref_slice %arg9[%dma_wait3A_120, %dma_wait3A_121] : memref<256x128xf32, #tpu.memory_space<vmem>> -> memref<128x128xf32, #tpu.memory_space<vmem>>
        %dma_wait3A_123 = arith.constant 0 : i32
        %dma_wait3A_124 = tpu.memref_slice %arg7[%run_scoped3A_108, %dma_wait3A_123] : memref<4x128xi32, #tpu.memory_space<vmem>> -> memref<1x128xi32, #tpu.memory_space<vmem>>
        %dma_wait3A_125 = tpu.memref_squeeze %dma_wait3A_124 : memref<1x128xi32, #tpu.memory_space<vmem>> -> memref<128xi32, #tpu.memory_space<vmem>>
        %dma_wait3A_126 = arith.constant 0 : i32
        %dma_wait3A_127 = arith.constant 0 : i32
        %dma_wait3A_128 = tpu.memref_slice %arg10[%dma_wait3A_126, %dma_wait3A_127] : memref<10008x128xf32, #tpu.memory_space<vmem_shared>> -> memref<10008x128xf32, #tpu.memory_space<vmem_shared>>
        tpu.wait_indirect_dma semaphore(%run_scoped3A_110 : memref<!tpu.dma_semaphore, #tpu.memory_space<semaphore_mem>>) src(%dma_wait3A_122 : memref<128x128xf32, #tpu.memory_space<vmem>>) dst(%dma_wait3A_128 : memref<10008x128xf32, #tpu.memory_space<vmem_shared>>)
        tpu.yield
      }) : () -> ()
      %run_scoped3A_109 = arith.constant 3 : i32
      "tpu.region"() ({
        %run_scoped3A_110 = tpu.sem_alloc : memref<!tpu.dma_semaphore, #tpu.memory_space<semaphore_mem>>
        %dma_start3A_111 = arith.constant 128 : i32
        %dma_start3A_112 = arith.constant 0 : i32
        %dma_start3A_113 = tpu.memref_slice %arg9[%dma_start3A_111, %dma_start3A_112] : memref<256x128xf32, #tpu.memory_space<vmem>> -> memref<128x128xf32, #tpu.memory_space<vmem>>
        %dma_start3A_114 = arith.constant 0 : i32
        %dma_start3A_115 = tpu.memref_slice %arg7[%run_scoped3A_109, %dma_start3A_114] : memref<4x128xi32, #tpu.memory_space<vmem>> -> memref<1x128xi32, #tpu.memory_space<vmem>>
        %dma_start3A_116 = tpu.memref_squeeze %dma_start3A_115 : memref<1x128xi32, #tpu.memory_space<vmem>> -> memref<128xi32, #tpu.memory_space<vmem>>
        %dma_start3A_117 = arith.constant 0 : i32
        %dma_start3A_118 = arith.constant 0 : i32
        %dma_start3A_119 = tpu.memref_slice %arg10[%dma_start3A_117, %dma_start3A_118] : memref<10008x128xf32, #tpu.memory_space<vmem_shared>> -> memref<10008x128xf32, #tpu.memory_space<vmem_shared>>
        tpu.enqueue_indirect_dma source(%dma_start3A_113 : memref<128x128xf32, #tpu.memory_space<vmem>>) target(%dma_start3A_119 : memref<10008x128xf32, #tpu.memory_space<vmem_shared>>) offsets(%dma_start3A_116 : memref<128xi32, #tpu.memory_space<vmem>>) semaphore(%run_scoped3A_110 : memref<!tpu.dma_semaphore, #tpu.memory_space<semaphore_mem>>) {add = true}
        %dma_wait3A_120 = arith.constant 128 : i32
        %dma_wait3A_121 = arith.constant 0 : i32
        %dma_wait3A_122 = tpu.memref_slice %arg9[%dma_wait3A_120, %dma_wait3A_121] : memref<256x128xf32, #tpu.memory_space<vmem>> -> memref<128x128xf32, #tpu.memory_space<vmem>>
        %dma_wait3A_123 = arith.constant 0 : i32
        %dma_wait3A_124 = tpu.memref_slice %arg7[%run_scoped3A_109, %dma_wait3A_123] : memref<4x128xi32, #tpu.memory_space<vmem>> -> memref<1x128xi32, #tpu.memory_space<vmem>>
        %dma_wait3A_125 = tpu.memref_squeeze %dma_wait3A_124 : memref<1x128xi32, #tpu.memory_space<vmem>> -> memref<128xi32, #tpu.memory_space<vmem>>
        %dma_wait3A_126 = arith.constant 0 : i32
        %dma_wait3A_127 = arith.constant 0 : i32
        %dma_wait3A_128 = tpu.memref_slice %arg10[%dma_wait3A_126, %dma_wait3A_127] : memref<10008x128xf32, #tpu.memory_space<vmem_shared>> -> memref<10008x128xf32, #tpu.memory_space<vmem_shared>>
        tpu.wait_indirect_dma semaphore(%run_scoped3A_110 : memref<!tpu.dma_semaphore, #tpu.memory_space<semaphore_mem>>) src(%dma_wait3A_122 : memref<128x128xf32, #tpu.memory_space<vmem>>) dst(%dma_wait3A_128 : memref<10008x128xf32, #tpu.memory_space<vmem_shared>>)
        tpu.yield
      }) : () -> ()
    }
    %while3A_20 = arith.constant 1 : i32
    scf.for %while3A_25 = %while3A_18 to %while3A_14 step %while3A_20  : i32 {
      %mul3A_26 = arith.constant 4 : i32
      %mul3A_27 = arith.muli %while3A_25, %mul3A_26 : i32
      %add3A_28 = arith.addi %select_n3A, %mul3A_27 : i32
      "tpu.region"() ({
        %run_scoped3A_110 = tpu.sem_alloc : memref<!tpu.dma_semaphore, #tpu.memory_space<semaphore_mem>>
        %dma_start3A_111 = arith.constant 0 : i32
        %dma_start3A_112 = tpu.memref_slice %arg2[%add3A_28, %dma_start3A_111] : memref<5120x128xi32, #tpu.memory_space<hbm>> -> memref<4x128xi32, #tpu.memory_space<hbm>>
        %dma_start3A_113 = arith.constant 0 : i32
        %dma_start3A_114 = tpu.memref_slice %arg2[%add3A_28, %dma_start3A_113] : memref<5120x128xi32, #tpu.memory_space<hbm>> -> memref<4x128xi32, #tpu.memory_space<hbm>>
        tpu.enqueue_dma source(%dma_start3A_114 : memref<4x128xi32, #tpu.memory_space<hbm>>) target(%arg7 : memref<4x128xi32, #tpu.memory_space<vmem>>) target_semaphore(%run_scoped3A_110 : memref<!tpu.dma_semaphore, #tpu.memory_space<semaphore_mem>>)
        %dma_wait3A_115 = arith.constant 0 : i32
        %dma_wait3A_116 = tpu.memref_slice %arg2[%add3A_28, %dma_wait3A_115] : memref<5120x128xi32, #tpu.memory_space<hbm>> -> memref<4x128xi32, #tpu.memory_space<hbm>>
        %dma_wait3A_117 = arith.constant 0 : i32
        %dma_wait3A_118 = tpu.memref_slice %arg2[%add3A_28, %dma_wait3A_117] : memref<5120x128xi32, #tpu.memory_space<hbm>> -> memref<4x128xi32, #tpu.memory_space<hbm>>
        tpu.wait_dma2 semaphore(%run_scoped3A_110 : memref<!tpu.dma_semaphore, #tpu.memory_space<semaphore_mem>>) src(%dma_wait3A_118 : memref<4x128xi32, #tpu.memory_space<hbm>>) dst(%arg7 : memref<4x128xi32, #tpu.memory_space<vmem>>)
        tpu.yield
      }) : () -> ()
      "tpu.region"() ({
        %run_scoped3A_110 = tpu.sem_alloc : memref<!tpu.dma_semaphore, #tpu.memory_space<semaphore_mem>>
        %dma_start3A_111 = arith.constant 0 : i32
        %dma_start3A_112 = tpu.memref_slice %arg3[%add3A_28, %dma_start3A_111] : memref<5120x128xi32, #tpu.memory_space<hbm>> -> memref<4x128xi32, #tpu.memory_space<hbm>>
        %dma_start3A_113 = arith.constant 0 : i32
        %dma_start3A_114 = tpu.memref_slice %arg3[%add3A_28, %dma_start3A_113] : memref<5120x128xi32, #tpu.memory_space<hbm>> -> memref<4x128xi32, #tpu.memory_space<hbm>>
        tpu.enqueue_dma source(%dma_start3A_114 : memref<4x128xi32, #tpu.memory_space<hbm>>) target(%arg8 : memref<4x128xi32, #tpu.memory_space<vmem>>) target_semaphore(%run_scoped3A_110 : memref<!tpu.dma_semaphore, #tpu.memory_space<semaphore_mem>>)
        %dma_wait3A_115 = arith.constant 0 : i32
        %dma_wait3A_116 = tpu.memref_slice %arg3[%add3A_28, %dma_wait3A_115] : memref<5120x128xi32, #tpu.memory_space<hbm>> -> memref<4x128xi32, #tpu.memory_space<hbm>>
        %dma_wait3A_117 = arith.constant 0 : i32
        %dma_wait3A_118 = tpu.memref_slice %arg3[%add3A_28, %dma_wait3A_117] : memref<5120x128xi32, #tpu.memory_space<hbm>> -> memref<4x128xi32, #tpu.memory_space<hbm>>
        tpu.wait_dma2 semaphore(%run_scoped3A_110 : memref<!tpu.dma_semaphore, #tpu.memory_space<semaphore_mem>>) src(%dma_wait3A_118 : memref<4x128xi32, #tpu.memory_space<hbm>>) dst(%arg8 : memref<4x128xi32, #tpu.memory_space<vmem>>)
        tpu.yield
      }) : () -> ()
      %dma_start3A = arith.constant 0 : i32
      %dma_start3A_29 = arith.constant 0 : i32
      %dma_start3A_30 = arith.constant 0 : i32
      %dma_start3A_31 = tpu.memref_slice %arg9[%dma_start3A_29, %dma_start3A_30] : memref<256x128xf32, #tpu.memory_space<vmem>> -> memref<128x128xf32, #tpu.memory_space<vmem>>
      %dma_start3A_32 = arith.constant 0 : i32
      %dma_start3A_33 = tpu.memref_slice %arg8[%dma_start3A, %dma_start3A_32] : memref<4x128xi32, #tpu.memory_space<vmem>> -> memref<1x128xi32, #tpu.memory_space<vmem>>
      %dma_start3A_34 = tpu.memref_squeeze %dma_start3A_33 : memref<1x128xi32, #tpu.memory_space<vmem>> -> memref<128xi32, #tpu.memory_space<vmem>>
      %dma_start3A_35 = arith.constant 0 : i32
      %dma_start3A_36 = arith.constant 0 : i32
      %dma_start3A_37 = tpu.memref_slice %arg4[%dma_start3A_35, %dma_start3A_36] : memref<10000x128xf32, #tpu.memory_space<hbm>> -> memref<10000x128xf32, #tpu.memory_space<hbm>>
      tpu.enqueue_indirect_dma source(%dma_start3A_37 : memref<10000x128xf32, #tpu.memory_space<hbm>>) target(%dma_start3A_31 : memref<128x128xf32, #tpu.memory_space<vmem>>) offsets(%dma_start3A_34 : memref<128xi32, #tpu.memory_space<vmem>>) semaphore(%arg11 : memref<!tpu.dma_semaphore, #tpu.memory_space<semaphore_mem>>)
      %dma_wait3A = arith.constant 0 : i32
      %dma_wait3A_38 = arith.constant 0 : i32
      %dma_wait3A_39 = arith.constant 0 : i32
      %dma_wait3A_40 = tpu.memref_slice %arg9[%dma_wait3A_38, %dma_wait3A_39] : memref<256x128xf32, #tpu.memory_space<vmem>> -> memref<128x128xf32, #tpu.memory_space<vmem>>
      %dma_wait3A_41 = arith.constant 0 : i32
      %dma_wait3A_42 = tpu.memref_slice %arg8[%dma_wait3A, %dma_wait3A_41] : memref<4x128xi32, #tpu.memory_space<vmem>> -> memref<1x128xi32, #tpu.memory_space<vmem>>
      %dma_wait3A_43 = tpu.memref_squeeze %dma_wait3A_42 : memref<1x128xi32, #tpu.memory_space<vmem>> -> memref<128xi32, #tpu.memory_space<vmem>>
      %dma_wait3A_44 = arith.constant 0 : i32
      %dma_wait3A_45 = arith.constant 0 : i32
      %dma_wait3A_46 = tpu.memref_slice %arg4[%dma_wait3A_44, %dma_wait3A_45] : memref<10000x128xf32, #tpu.memory_space<hbm>> -> memref<10000x128xf32, #tpu.memory_space<hbm>>
      tpu.wait_indirect_dma semaphore(%arg11 : memref<!tpu.dma_semaphore, #tpu.memory_space<semaphore_mem>>) src(%dma_wait3A_46 : memref<10000x128xf32, #tpu.memory_space<hbm>>) dst(%dma_wait3A_40 : memref<128x128xf32, #tpu.memory_space<vmem>>)
      %dma_start3A_47 = arith.constant 1 : i32
      %dma_start3A_48 = arith.constant 128 : i32
      %dma_start3A_49 = arith.constant 0 : i32
      %dma_start3A_50 = tpu.memref_slice %arg9[%dma_start3A_48, %dma_start3A_49] : memref<256x128xf32, #tpu.memory_space<vmem>> -> memref<128x128xf32, #tpu.memory_space<vmem>>
      %dma_start3A_51 = arith.constant 0 : i32
      %dma_start3A_52 = tpu.memref_slice %arg8[%dma_start3A_47, %dma_start3A_51] : memref<4x128xi32, #tpu.memory_space<vmem>> -> memref<1x128xi32, #tpu.memory_space<vmem>>
      %dma_start3A_53 = tpu.memref_squeeze %dma_start3A_52 : memref<1x128xi32, #tpu.memory_space<vmem>> -> memref<128xi32, #tpu.memory_space<vmem>>
      %dma_start3A_54 = arith.constant 0 : i32
      %dma_start3A_55 = arith.constant 0 : i32
      %dma_start3A_56 = tpu.memref_slice %arg4[%dma_start3A_54, %dma_start3A_55] : memref<10000x128xf32, #tpu.memory_space<hbm>> -> memref<10000x128xf32, #tpu.memory_space<hbm>>
      tpu.enqueue_indirect_dma source(%dma_start3A_56 : memref<10000x128xf32, #tpu.memory_space<hbm>>) target(%dma_start3A_50 : memref<128x128xf32, #tpu.memory_space<vmem>>) offsets(%dma_start3A_53 : memref<128xi32, #tpu.memory_space<vmem>>) semaphore(%arg11 : memref<!tpu.dma_semaphore, #tpu.memory_space<semaphore_mem>>)
      %dma_wait3A_57 = arith.constant 1 : i32
      %dma_wait3A_58 = arith.constant 128 : i32
      %dma_wait3A_59 = arith.constant 0 : i32
      %dma_wait3A_60 = tpu.memref_slice %arg9[%dma_wait3A_58, %dma_wait3A_59] : memref<256x128xf32, #tpu.memory_space<vmem>> -> memref<128x128xf32, #tpu.memory_space<vmem>>
      %dma_wait3A_61 = arith.constant 0 : i32
      %dma_wait3A_62 = tpu.memref_slice %arg8[%dma_wait3A_57, %dma_wait3A_61] : memref<4x128xi32, #tpu.memory_space<vmem>> -> memref<1x128xi32, #tpu.memory_space<vmem>>
      %dma_wait3A_63 = tpu.memref_squeeze %dma_wait3A_62 : memref<1x128xi32, #tpu.memory_space<vmem>> -> memref<128xi32, #tpu.memory_space<vmem>>
      %dma_wait3A_64 = arith.constant 0 : i32
      %dma_wait3A_65 = arith.constant 0 : i32
      %dma_wait3A_66 = tpu.memref_slice %arg4[%dma_wait3A_64, %dma_wait3A_65] : memref<10000x128xf32, #tpu.memory_space<hbm>> -> memref<10000x128xf32, #tpu.memory_space<hbm>>
      tpu.wait_indirect_dma semaphore(%arg11 : memref<!tpu.dma_semaphore, #tpu.memory_space<semaphore_mem>>) src(%dma_wait3A_66 : memref<10000x128xf32, #tpu.memory_space<hbm>>) dst(%dma_wait3A_60 : memref<128x128xf32, #tpu.memory_space<vmem>>)
      %run_scoped3A = arith.constant 0 : i32
      "tpu.region"() ({
        %run_scoped3A_110 = tpu.sem_alloc : memref<!tpu.dma_semaphore, #tpu.memory_space<semaphore_mem>>
        %dma_start3A_111 = arith.constant 0 : i32
        %dma_start3A_112 = arith.constant 0 : i32
        %dma_start3A_113 = tpu.memref_slice %arg9[%dma_start3A_111, %dma_start3A_112] : memref<256x128xf32, #tpu.memory_space<vmem>> -> memref<128x128xf32, #tpu.memory_space<vmem>>
        %dma_start3A_114 = arith.constant 0 : i32
        %dma_start3A_115 = tpu.memref_slice %arg7[%run_scoped3A, %dma_start3A_114] : memref<4x128xi32, #tpu.memory_space<vmem>> -> memref<1x128xi32, #tpu.memory_space<vmem>>
        %dma_start3A_116 = tpu.memref_squeeze %dma_start3A_115 : memref<1x128xi32, #tpu.memory_space<vmem>> -> memref<128xi32, #tpu.memory_space<vmem>>
        %dma_start3A_117 = arith.constant 0 : i32
        %dma_start3A_118 = arith.constant 0 : i32
        %dma_start3A_119 = tpu.memref_slice %arg10[%dma_start3A_117, %dma_start3A_118] : memref<10008x128xf32, #tpu.memory_space<vmem_shared>> -> memref<10008x128xf32, #tpu.memory_space<vmem_shared>>
        tpu.enqueue_indirect_dma source(%dma_start3A_113 : memref<128x128xf32, #tpu.memory_space<vmem>>) target(%dma_start3A_119 : memref<10008x128xf32, #tpu.memory_space<vmem_shared>>) offsets(%dma_start3A_116 : memref<128xi32, #tpu.memory_space<vmem>>) semaphore(%run_scoped3A_110 : memref<!tpu.dma_semaphore, #tpu.memory_space<semaphore_mem>>) {add = true}
        %dma_wait3A_120 = arith.constant 0 : i32
        %dma_wait3A_121 = arith.constant 0 : i32
        %dma_wait3A_122 = tpu.memref_slice %arg9[%dma_wait3A_120, %dma_wait3A_121] : memref<256x128xf32, #tpu.memory_space<vmem>> -> memref<128x128xf32, #tpu.memory_space<vmem>>
        %dma_wait3A_123 = arith.constant 0 : i32
        %dma_wait3A_124 = tpu.memref_slice %arg7[%run_scoped3A, %dma_wait3A_123] : memref<4x128xi32, #tpu.memory_space<vmem>> -> memref<1x128xi32, #tpu.memory_space<vmem>>
        %dma_wait3A_125 = tpu.memref_squeeze %dma_wait3A_124 : memref<1x128xi32, #tpu.memory_space<vmem>> -> memref<128xi32, #tpu.memory_space<vmem>>
        %dma_wait3A_126 = arith.constant 0 : i32
        %dma_wait3A_127 = arith.constant 0 : i32
        %dma_wait3A_128 = tpu.memref_slice %arg10[%dma_wait3A_126, %dma_wait3A_127] : memref<10008x128xf32, #tpu.memory_space<vmem_shared>> -> memref<10008x128xf32, #tpu.memory_space<vmem_shared>>
        tpu.wait_indirect_dma semaphore(%run_scoped3A_110 : memref<!tpu.dma_semaphore, #tpu.memory_space<semaphore_mem>>) src(%dma_wait3A_122 : memref<128x128xf32, #tpu.memory_space<vmem>>) dst(%dma_wait3A_128 : memref<10008x128xf32, #tpu.memory_space<vmem_shared>>)
        tpu.yield
      }) : () -> ()
      %run_scoped3A_67 = arith.constant 1 : i32
      "tpu.region"() ({
        %run_scoped3A_110 = tpu.sem_alloc : memref<!tpu.dma_semaphore, #tpu.memory_space<semaphore_mem>>
        %dma_start3A_111 = arith.constant 128 : i32
        %dma_start3A_112 = arith.constant 0 : i32
        %dma_start3A_113 = tpu.memref_slice %arg9[%dma_start3A_111, %dma_start3A_112] : memref<256x128xf32, #tpu.memory_space<vmem>> -> memref<128x128xf32, #tpu.memory_space<vmem>>
        %dma_start3A_114 = arith.constant 0 : i32
        %dma_start3A_115 = tpu.memref_slice %arg7[%run_scoped3A_67, %dma_start3A_114] : memref<4x128xi32, #tpu.memory_space<vmem>> -> memref<1x128xi32, #tpu.memory_space<vmem>>
        %dma_start3A_116 = tpu.memref_squeeze %dma_start3A_115 : memref<1x128xi32, #tpu.memory_space<vmem>> -> memref<128xi32, #tpu.memory_space<vmem>>
        %dma_start3A_117 = arith.constant 0 : i32
        %dma_start3A_118 = arith.constant 0 : i32
        %dma_start3A_119 = tpu.memref_slice %arg10[%dma_start3A_117, %dma_start3A_118] : memref<10008x128xf32, #tpu.memory_space<vmem_shared>> -> memref<10008x128xf32, #tpu.memory_space<vmem_shared>>
        tpu.enqueue_indirect_dma source(%dma_start3A_113 : memref<128x128xf32, #tpu.memory_space<vmem>>) target(%dma_start3A_119 : memref<10008x128xf32, #tpu.memory_space<vmem_shared>>) offsets(%dma_start3A_116 : memref<128xi32, #tpu.memory_space<vmem>>) semaphore(%run_scoped3A_110 : memref<!tpu.dma_semaphore, #tpu.memory_space<semaphore_mem>>) {add = true}
        %dma_wait3A_120 = arith.constant 128 : i32
        %dma_wait3A_121 = arith.constant 0 : i32
        %dma_wait3A_122 = tpu.memref_slice %arg9[%dma_wait3A_120, %dma_wait3A_121] : memref<256x128xf32, #tpu.memory_space<vmem>> -> memref<128x128xf32, #tpu.memory_space<vmem>>
        %dma_wait3A_123 = arith.constant 0 : i32
        %dma_wait3A_124 = tpu.memref_slice %arg7[%run_scoped3A_67, %dma_wait3A_123] : memref<4x128xi32, #tpu.memory_space<vmem>> -> memref<1x128xi32, #tpu.memory_space<vmem>>
        %dma_wait3A_125 = tpu.memref_squeeze %dma_wait3A_124 : memref<1x128xi32, #tpu.memory_space<vmem>> -> memref<128xi32, #tpu.memory_space<vmem>>
        %dma_wait3A_126 = arith.constant 0 : i32
        %dma_wait3A_127 = arith.constant 0 : i32
        %dma_wait3A_128 = tpu.memref_slice %arg10[%dma_wait3A_126, %dma_wait3A_127] : memref<10008x128xf32, #tpu.memory_space<vmem_shared>> -> memref<10008x128xf32, #tpu.memory_space<vmem_shared>>
        tpu.wait_indirect_dma semaphore(%run_scoped3A_110 : memref<!tpu.dma_semaphore, #tpu.memory_space<semaphore_mem>>) src(%dma_wait3A_122 : memref<128x128xf32, #tpu.memory_space<vmem>>) dst(%dma_wait3A_128 : memref<10008x128xf32, #tpu.memory_space<vmem_shared>>)
        tpu.yield
      }) : () -> ()
      %dma_start3A_68 = arith.constant 2 : i32
      %dma_start3A_69 = arith.constant 0 : i32
      %dma_start3A_70 = arith.constant 0 : i32
      %dma_start3A_71 = tpu.memref_slice %arg9[%dma_start3A_69, %dma_start3A_70] : memref<256x128xf32, #tpu.memory_space<vmem>> -> memref<128x128xf32, #tpu.memory_space<vmem>>
      %dma_start3A_72 = arith.constant 0 : i32
      %dma_start3A_73 = tpu.memref_slice %arg8[%dma_start3A_68, %dma_start3A_72] : memref<4x128xi32, #tpu.memory_space<vmem>> -> memref<1x128xi32, #tpu.memory_space<vmem>>
      %dma_start3A_74 = tpu.memref_squeeze %dma_start3A_73 : memref<1x128xi32, #tpu.memory_space<vmem>> -> memref<128xi32, #tpu.memory_space<vmem>>
      %dma_start3A_75 = arith.constant 0 : i32
      %dma_start3A_76 = arith.constant 0 : i32
      %dma_start3A_77 = tpu.memref_slice %arg4[%dma_start3A_75, %dma_start3A_76] : memref<10000x128xf32, #tpu.memory_space<hbm>> -> memref<10000x128xf32, #tpu.memory_space<hbm>>
      tpu.enqueue_indirect_dma source(%dma_start3A_77 : memref<10000x128xf32, #tpu.memory_space<hbm>>) target(%dma_start3A_71 : memref<128x128xf32, #tpu.memory_space<vmem>>) offsets(%dma_start3A_74 : memref<128xi32, #tpu.memory_space<vmem>>) semaphore(%arg11 : memref<!tpu.dma_semaphore, #tpu.memory_space<semaphore_mem>>)
      %dma_wait3A_78 = arith.constant 2 : i32
      %dma_wait3A_79 = arith.constant 0 : i32
      %dma_wait3A_80 = arith.constant 0 : i32
      %dma_wait3A_81 = tpu.memref_slice %arg9[%dma_wait3A_79, %dma_wait3A_80] : memref<256x128xf32, #tpu.memory_space<vmem>> -> memref<128x128xf32, #tpu.memory_space<vmem>>
      %dma_wait3A_82 = arith.constant 0 : i32
      %dma_wait3A_83 = tpu.memref_slice %arg8[%dma_wait3A_78, %dma_wait3A_82] : memref<4x128xi32, #tpu.memory_space<vmem>> -> memref<1x128xi32, #tpu.memory_space<vmem>>
      %dma_wait3A_84 = tpu.memref_squeeze %dma_wait3A_83 : memref<1x128xi32, #tpu.memory_space<vmem>> -> memref<128xi32, #tpu.memory_space<vmem>>
      %dma_wait3A_85 = arith.constant 0 : i32
      %dma_wait3A_86 = arith.constant 0 : i32
      %dma_wait3A_87 = tpu.memref_slice %arg4[%dma_wait3A_85, %dma_wait3A_86] : memref<10000x128xf32, #tpu.memory_space<hbm>> -> memref<10000x128xf32, #tpu.memory_space<hbm>>
      tpu.wait_indirect_dma semaphore(%arg11 : memref<!tpu.dma_semaphore, #tpu.memory_space<semaphore_mem>>) src(%dma_wait3A_87 : memref<10000x128xf32, #tpu.memory_space<hbm>>) dst(%dma_wait3A_81 : memref<128x128xf32, #tpu.memory_space<vmem>>)
      %dma_start3A_88 = arith.constant 3 : i32
      %dma_start3A_89 = arith.constant 128 : i32
      %dma_start3A_90 = arith.constant 0 : i32
      %dma_start3A_91 = tpu.memref_slice %arg9[%dma_start3A_89, %dma_start3A_90] : memref<256x128xf32, #tpu.memory_space<vmem>> -> memref<128x128xf32, #tpu.memory_space<vmem>>
      %dma_start3A_92 = arith.constant 0 : i32
      %dma_start3A_93 = tpu.memref_slice %arg8[%dma_start3A_88, %dma_start3A_92] : memref<4x128xi32, #tpu.memory_space<vmem>> -> memref<1x128xi32, #tpu.memory_space<vmem>>
      %dma_start3A_94 = tpu.memref_squeeze %dma_start3A_93 : memref<1x128xi32, #tpu.memory_space<vmem>> -> memref<128xi32, #tpu.memory_space<vmem>>
      %dma_start3A_95 = arith.constant 0 : i32
      %dma_start3A_96 = arith.constant 0 : i32
      %dma_start3A_97 = tpu.memref_slice %arg4[%dma_start3A_95, %dma_start3A_96] : memref<10000x128xf32, #tpu.memory_space<hbm>> -> memref<10000x128xf32, #tpu.memory_space<hbm>>
      tpu.enqueue_indirect_dma source(%dma_start3A_97 : memref<10000x128xf32, #tpu.memory_space<hbm>>) target(%dma_start3A_91 : memref<128x128xf32, #tpu.memory_space<vmem>>) offsets(%dma_start3A_94 : memref<128xi32, #tpu.memory_space<vmem>>) semaphore(%arg11 : memref<!tpu.dma_semaphore, #tpu.memory_space<semaphore_mem>>)
      %dma_wait3A_98 = arith.constant 3 : i32
      %dma_wait3A_99 = arith.constant 128 : i32
      %dma_wait3A_100 = arith.constant 0 : i32
      %dma_wait3A_101 = tpu.memref_slice %arg9[%dma_wait3A_99, %dma_wait3A_100] : memref<256x128xf32, #tpu.memory_space<vmem>> -> memref<128x128xf32, #tpu.memory_space<vmem>>
      %dma_wait3A_102 = arith.constant 0 : i32
      %dma_wait3A_103 = tpu.memref_slice %arg8[%dma_wait3A_98, %dma_wait3A_102] : memref<4x128xi32, #tpu.memory_space<vmem>> -> memref<1x128xi32, #tpu.memory_space<vmem>>
      %dma_wait3A_104 = tpu.memref_squeeze %dma_wait3A_103 : memref<1x128xi32, #tpu.memory_space<vmem>> -> memref<128xi32, #tpu.memory_space<vmem>>
      %dma_wait3A_105 = arith.constant 0 : i32
      %dma_wait3A_106 = arith.constant 0 : i32
      %dma_wait3A_107 = tpu.memref_slice %arg4[%dma_wait3A_105, %dma_wait3A_106] : memref<10000x128xf32, #tpu.memory_space<hbm>> -> memref<10000x128xf32, #tpu.memory_space<hbm>>
      tpu.wait_indirect_dma semaphore(%arg11 : memref<!tpu.dma_semaphore, #tpu.memory_space<semaphore_mem>>) src(%dma_wait3A_107 : memref<10000x128xf32, #tpu.memory_space<hbm>>) dst(%dma_wait3A_101 : memref<128x128xf32, #tpu.memory_space<vmem>>)
      %run_scoped3A_108 = arith.constant 2 : i32
      "tpu.region"() ({
        %run_scoped3A_110 = tpu.sem_alloc : memref<!tpu.dma_semaphore, #tpu.memory_space<semaphore_mem>>
        %dma_start3A_111 = arith.constant 0 : i32
        %dma_start3A_112 = arith.constant 0 : i32
        %dma_start3A_113 = tpu.memref_slice %arg9[%dma_start3A_111, %dma_start3A_112] : memref<256x128xf32, #tpu.memory_space<vmem>> -> memref<128x128xf32, #tpu.memory_space<vmem>>
        %dma_start3A_114 = arith.constant 0 : i32
        %dma_start3A_115 = tpu.memref_slice %arg7[%run_scoped3A_108, %dma_start3A_114] : memref<4x128xi32, #tpu.memory_space<vmem>> -> memref<1x128xi32, #tpu.memory_space<vmem>>
        %dma_start3A_116 = tpu.memref_squeeze %dma_start3A_115 : memref<1x128xi32, #tpu.memory_space<vmem>> -> memref<128xi32, #tpu.memory_space<vmem>>
        %dma_start3A_117 = arith.constant 0 : i32
        %dma_start3A_118 = arith.constant 0 : i32
        %dma_start3A_119 = tpu.memref_slice %arg10[%dma_start3A_117, %dma_start3A_118] : memref<10008x128xf32, #tpu.memory_space<vmem_shared>> -> memref<10008x128xf32, #tpu.memory_space<vmem_shared>>
        tpu.enqueue_indirect_dma source(%dma_start3A_113 : memref<128x128xf32, #tpu.memory_space<vmem>>) target(%dma_start3A_119 : memref<10008x128xf32, #tpu.memory_space<vmem_shared>>) offsets(%dma_start3A_116 : memref<128xi32, #tpu.memory_space<vmem>>) semaphore(%run_scoped3A_110 : memref<!tpu.dma_semaphore, #tpu.memory_space<semaphore_mem>>) {add = true}
        %dma_wait3A_120 = arith.constant 0 : i32
        %dma_wait3A_121 = arith.constant 0 : i32
        %dma_wait3A_122 = tpu.memref_slice %arg9[%dma_wait3A_120, %dma_wait3A_121] : memref<256x128xf32, #tpu.memory_space<vmem>> -> memref<128x128xf32, #tpu.memory_space<vmem>>
        %dma_wait3A_123 = arith.constant 0 : i32
        %dma_wait3A_124 = tpu.memref_slice %arg7[%run_scoped3A_108, %dma_wait3A_123] : memref<4x128xi32, #tpu.memory_space<vmem>> -> memref<1x128xi32, #tpu.memory_space<vmem>>
        %dma_wait3A_125 = tpu.memref_squeeze %dma_wait3A_124 : memref<1x128xi32, #tpu.memory_space<vmem>> -> memref<128xi32, #tpu.memory_space<vmem>>
        %dma_wait3A_126 = arith.constant 0 : i32
        %dma_wait3A_127 = arith.constant 0 : i32
        %dma_wait3A_128 = tpu.memref_slice %arg10[%dma_wait3A_126, %dma_wait3A_127] : memref<10008x128xf32, #tpu.memory_space<vmem_shared>> -> memref<10008x128xf32, #tpu.memory_space<vmem_shared>>
        tpu.wait_indirect_dma semaphore(%run_scoped3A_110 : memref<!tpu.dma_semaphore, #tpu.memory_space<semaphore_mem>>) src(%dma_wait3A_122 : memref<128x128xf32, #tpu.memory_space<vmem>>) dst(%dma_wait3A_128 : memref<10008x128xf32, #tpu.memory_space<vmem_shared>>)
        tpu.yield
      }) : () -> ()
      %run_scoped3A_109 = arith.constant 3 : i32
      "tpu.region"() ({
        %run_scoped3A_110 = tpu.sem_alloc : memref<!tpu.dma_semaphore, #tpu.memory_space<semaphore_mem>>
        %dma_start3A_111 = arith.constant 128 : i32
        %dma_start3A_112 = arith.constant 0 : i32
        %dma_start3A_113 = tpu.memref_slice %arg9[%dma_start3A_111, %dma_start3A_112] : memref<256x128xf32, #tpu.memory_space<vmem>> -> memref<128x128xf32, #tpu.memory_space<vmem>>
        %dma_start3A_114 = arith.constant 0 : i32
        %dma_start3A_115 = tpu.memref_slice %arg7[%run_scoped3A_109, %dma_start3A_114] : memref<4x128xi32, #tpu.memory_space<vmem>> -> memref<1x128xi32, #tpu.memory_space<vmem>>
        %dma_start3A_116 = tpu.memref_squeeze %dma_start3A_115 : memref<1x128xi32, #tpu.memory_space<vmem>> -> memref<128xi32, #tpu.memory_space<vmem>>
        %dma_start3A_117 = arith.constant 0 : i32
        %dma_start3A_118 = arith.constant 0 : i32
        %dma_start3A_119 = tpu.memref_slice %arg10[%dma_start3A_117, %dma_start3A_118] : memref<10008x128xf32, #tpu.memory_space<vmem_shared>> -> memref<10008x128xf32, #tpu.memory_space<vmem_shared>>
        tpu.enqueue_indirect_dma source(%dma_start3A_113 : memref<128x128xf32, #tpu.memory_space<vmem>>) target(%dma_start3A_119 : memref<10008x128xf32, #tpu.memory_space<vmem_shared>>) offsets(%dma_start3A_116 : memref<128xi32, #tpu.memory_space<vmem>>) semaphore(%run_scoped3A_110 : memref<!tpu.dma_semaphore, #tpu.memory_space<semaphore_mem>>) {add = true}
        %dma_wait3A_120 = arith.constant 128 : i32
        %dma_wait3A_121 = arith.constant 0 : i32
        %dma_wait3A_122 = tpu.memref_slice %arg9[%dma_wait3A_120, %dma_wait3A_121] : memref<256x128xf32, #tpu.memory_space<vmem>> -> memref<128x128xf32, #tpu.memory_space<vmem>>
        %dma_wait3A_123 = arith.constant 0 : i32
        %dma_wait3A_124 = tpu.memref_slice %arg7[%run_scoped3A_109, %dma_wait3A_123] : memref<4x128xi32, #tpu.memory_space<vmem>> -> memref<1x128xi32, #tpu.memory_space<vmem>>
        %dma_wait3A_125 = tpu.memref_squeeze %dma_wait3A_124 : memref<1x128xi32, #tpu.memory_space<vmem>> -> memref<128xi32, #tpu.memory_space<vmem>>
        %dma_wait3A_126 = arith.constant 0 : i32
        %dma_wait3A_127 = arith.constant 0 : i32
        %dma_wait3A_128 = tpu.memref_slice %arg10[%dma_wait3A_126, %dma_wait3A_127] : memref<10008x128xf32, #tpu.memory_space<vmem_shared>> -> memref<10008x128xf32, #tpu.memory_space<vmem_shared>>
        tpu.wait_indirect_dma semaphore(%run_scoped3A_110 : memref<!tpu.dma_semaphore, #tpu.memory_space<semaphore_mem>>) src(%dma_wait3A_122 : memref<128x128xf32, #tpu.memory_space<vmem>>) dst(%dma_wait3A_128 : memref<10008x128xf32, #tpu.memory_space<vmem_shared>>)
        tpu.yield
      }) : () -> ()
    }
    %barrier3A_21 = arith.constant 0 : index
    tpu.barrier barrier_id(%barrier3A_21)
    %mul3A_22 = arith.constant 10008 : i32
    %mul3A_23 = arith.muli %arg0, %mul3A_22 : i32
    %add3A_24 = arith.addi %mul3A_23, %min3A_1 : i32
    "tpu.region"() ({
      %run_scoped3A = tpu.sem_alloc : memref<!tpu.dma_semaphore, #tpu.memory_space<semaphore_mem>>
      %dma_start3A = arith.constant 0 : i32
      %dma_start3A_25 = tpu.memref_slice %arg6[%add3A_24, %dma_start3A] : memref<20016x128xf32, #tpu.memory_space<hbm>> -> memref<632x128xf32, #tpu.memory_space<hbm>>
      %dma_start3A_26 = arith.constant 0 : i32
      %dma_start3A_27 = tpu.memref_slice %arg10[%min3A_1, %dma_start3A_26] : memref<10008x128xf32, #tpu.memory_space<vmem_shared>> -> memref<632x128xf32, #tpu.memory_space<vmem_shared>>
      tpu.enqueue_dma source(%dma_start3A_27 : memref<632x128xf32, #tpu.memory_space<vmem_shared>>) target(%dma_start3A_25 : memref<632x128xf32, #tpu.memory_space<hbm>>) target_semaphore(%run_scoped3A : memref<!tpu.dma_semaphore, #tpu.memory_space<semaphore_mem>>)
      %dma_wait3A = arith.constant 0 : i32
      %dma_wait3A_28 = tpu.memref_slice %arg6[%add3A_24, %dma_wait3A] : memref<20016x128xf32, #tpu.memory_space<hbm>> -> memref<632x128xf32, #tpu.memory_space<hbm>>
      %dma_wait3A_29 = arith.constant 0 : i32
      %dma_wait3A_30 = tpu.memref_slice %arg10[%min3A_1, %dma_wait3A_29] : memref<10008x128xf32, #tpu.memory_space<vmem_shared>> -> memref<632x128xf32, #tpu.memory_space<vmem_shared>>
      tpu.wait_dma2 semaphore(%run_scoped3A : memref<!tpu.dma_semaphore, #tpu.memory_space<semaphore_mem>>) src(%dma_wait3A_30 : memref<632x128xf32, #tpu.memory_space<vmem_shared>>) dst(%dma_wait3A_28 : memref<632x128xf32, #tpu.memory_space<hbm>>)
      tpu.yield
    }) : () -> ()
    return
  }
}

#map = affine_map<(d0, d1) -> (0, 0)>
module attributes {stable_mosaic.version = 14 : i64} {
  func.func @_sc_agg_body(%arg0: i32, %arg1: i32, %arg2: memref<5120x128xi32, #tpu.memory_space<hbm>>, %arg3: memref<5120x128xi32, #tpu.memory_space<hbm>>, %arg4: memref<10000x128xf32, #tpu.memory_space<hbm>>, %arg5: memref<632x128xf32, #tpu.memory_space<hbm>>, %arg6: memref<20016x128xf32, #tpu.memory_space<hbm>>, %arg7: memref<4x128xi32, #tpu.memory_space<vmem>>, %arg8: memref<4x128xi32, #tpu.memory_space<vmem>>, %arg9: memref<256x128xf32, #tpu.memory_space<vmem>>, %arg10: memref<10008x128xf32, #tpu.memory_space<vmem_shared>>, %arg11: memref<!tpu.dma_semaphore, #tpu.memory_space<semaphore_mem>>) attributes {dimension_semantics = [#tpu.dimension_semantics<core_parallel>, #tpu.dimension_semantics<subcore_parallel>], iteration_bounds = array<i64: 2, 16>, scalar_prefetch = 0 : i64, scratch_operands = 5 : i64, tpu.core_type = #tpu.core_type<sc_vector_subcore>, window_params = [{transform_indices = #map}, {transform_indices = #map}, {transform_indices = #map}, {transform_indices = #map}, {transform_indices = #map}]} {
    %mul3A = arith.constant 632 : i32
    %mul3A_0 = arith.muli %arg1, %mul3A : i32
    %min3A = arith.constant 9376 : i32
    %min3A_1 = arith.minsi %mul3A_0, %min3A : i32
    "tpu.region"() ({
      %run_scoped3A = tpu.sem_alloc : memref<!tpu.dma_semaphore, #tpu.memory_space<semaphore_mem>>
      %dma_start3A = arith.constant 0 : i32
      %dma_start3A_25 = tpu.memref_slice %arg10[%min3A_1, %dma_start3A] : memref<10008x128xf32, #tpu.memory_space<vmem_shared>> -> memref<632x128xf32, #tpu.memory_space<vmem_shared>>
      tpu.enqueue_dma source(%arg5 : memref<632x128xf32, #tpu.memory_space<hbm>>) target(%dma_start3A_25 : memref<632x128xf32, #tpu.memory_space<vmem_shared>>) target_semaphore(%run_scoped3A : memref<!tpu.dma_semaphore, #tpu.memory_space<semaphore_mem>>)
      %dma_wait3A = arith.constant 0 : i32
      %dma_wait3A_26 = tpu.memref_slice %arg10[%min3A_1, %dma_wait3A] : memref<10008x128xf32, #tpu.memory_space<vmem_shared>> -> memref<632x128xf32, #tpu.memory_space<vmem_shared>>
      tpu.wait_dma2 semaphore(%run_scoped3A : memref<!tpu.dma_semaphore, #tpu.memory_space<semaphore_mem>>) src(%arg5 : memref<632x128xf32, #tpu.memory_space<hbm>>) dst(%dma_wait3A_26 : memref<632x128xf32, #tpu.memory_space<vmem_shared>>)
      tpu.yield
    }) : () -> ()
    %barrier3A = arith.constant 0 : index
    tpu.barrier barrier_id(%barrier3A)
    %eq3A = arith.constant 0 : i32
    %eq3A_2 = arith.cmpi eq, %arg0, %eq3A : i32
    %mul3A_3 = arith.constant 264 : i32
    %mul3A_4 = arith.muli %arg1, %mul3A_3 : i32
    %mul3A_5 = arith.constant 56 : i32
    %mul3A_6 = arith.muli %arg1, %mul3A_5 : i32
    %add3A = arith.constant 4224 : i32
    %add3A_7 = arith.addi %add3A, %mul3A_6 : i32
    %select_n3A = arith.select %eq3A_2, %mul3A_4, %add3A_7 : i32
    %eq3A_8 = arith.constant 0 : i32
    %eq3A_9 = arith.cmpi eq, %arg0, %eq3A_8 : i32
    %jit3A = arith.constant 66 : i32
    %jit3A_10 = arith.constant 14 : i32
    %select_n3A_11 = arith.select %eq3A_9, %jit3A, %jit3A_10 : i32
    %while3A = arith.constant 0 : i32
    %while3A_12 = arith.constant 0 : i32
    %while3A_13 = arith.subi %select_n3A_11, %while3A_12 : i32
    %while3A_14 = arith.addi %while3A_12, %while3A_13 : i32
    %while3A_15 = arith.constant 1 : i32
    %while3A_16 = arith.divsi %while3A_13, %while3A_15 : i32
    %while3A_17 = arith.muli %while3A_16, %while3A_15 : i32
    %while3A_18 = arith.addi %while3A_12, %while3A_17 : i32
    %while3A_19 = arith.constant 1 : i32
    scf.for %while3A_25 = %while3A_12 to %while3A_18 step %while3A_19  : i32 {
      %mul3A_26 = arith.constant 4 : i32
      %mul3A_27 = arith.muli %while3A_25, %mul3A_26 : i32
      %add3A_28 = arith.addi %select_n3A, %mul3A_27 : i32
      "tpu.region"() ({
        %run_scoped3A_110 = tpu.sem_alloc : memref<!tpu.dma_semaphore, #tpu.memory_space<semaphore_mem>>
        %dma_start3A_111 = arith.constant 0 : i32
        %dma_start3A_112 = tpu.memref_slice %arg2[%add3A_28, %dma_start3A_111] : memref<5120x128xi32, #tpu.memory_space<hbm>> -> memref<4x128xi32, #tpu.memory_space<hbm>>
        %dma_start3A_113 = arith.constant 0 : i32
        %dma_start3A_114 = tpu.memref_slice %arg2[%add3A_28, %dma_start3A_113] : memref<5120x128xi32, #tpu.memory_space<hbm>> -> memref<4x128xi32, #tpu.memory_space<hbm>>
        tpu.enqueue_dma source(%dma_start3A_114 : memref<4x128xi32, #tpu.memory_space<hbm>>) target(%arg7 : memref<4x128xi32, #tpu.memory_space<vmem>>) target_semaphore(%run_scoped3A_110 : memref<!tpu.dma_semaphore, #tpu.memory_space<semaphore_mem>>)
        %dma_wait3A_115 = arith.constant 0 : i32
        %dma_wait3A_116 = tpu.memref_slice %arg2[%add3A_28, %dma_wait3A_115] : memref<5120x128xi32, #tpu.memory_space<hbm>> -> memref<4x128xi32, #tpu.memory_space<hbm>>
        %dma_wait3A_117 = arith.constant 0 : i32
        %dma_wait3A_118 = tpu.memref_slice %arg2[%add3A_28, %dma_wait3A_117] : memref<5120x128xi32, #tpu.memory_space<hbm>> -> memref<4x128xi32, #tpu.memory_space<hbm>>
        tpu.wait_dma2 semaphore(%run_scoped3A_110 : memref<!tpu.dma_semaphore, #tpu.memory_space<semaphore_mem>>) src(%dma_wait3A_118 : memref<4x128xi32, #tpu.memory_space<hbm>>) dst(%arg7 : memref<4x128xi32, #tpu.memory_space<vmem>>)
        tpu.yield
      }) : () -> ()
      "tpu.region"() ({
        %run_scoped3A_110 = tpu.sem_alloc : memref<!tpu.dma_semaphore, #tpu.memory_space<semaphore_mem>>
        %dma_start3A_111 = arith.constant 0 : i32
        %dma_start3A_112 = tpu.memref_slice %arg3[%add3A_28, %dma_start3A_111] : memref<5120x128xi32, #tpu.memory_space<hbm>> -> memref<4x128xi32, #tpu.memory_space<hbm>>
        %dma_start3A_113 = arith.constant 0 : i32
        %dma_start3A_114 = tpu.memref_slice %arg3[%add3A_28, %dma_start3A_113] : memref<5120x128xi32, #tpu.memory_space<hbm>> -> memref<4x128xi32, #tpu.memory_space<hbm>>
        tpu.enqueue_dma source(%dma_start3A_114 : memref<4x128xi32, #tpu.memory_space<hbm>>) target(%arg8 : memref<4x128xi32, #tpu.memory_space<vmem>>) target_semaphore(%run_scoped3A_110 : memref<!tpu.dma_semaphore, #tpu.memory_space<semaphore_mem>>)
        %dma_wait3A_115 = arith.constant 0 : i32
        %dma_wait3A_116 = tpu.memref_slice %arg3[%add3A_28, %dma_wait3A_115] : memref<5120x128xi32, #tpu.memory_space<hbm>> -> memref<4x128xi32, #tpu.memory_space<hbm>>
        %dma_wait3A_117 = arith.constant 0 : i32
        %dma_wait3A_118 = tpu.memref_slice %arg3[%add3A_28, %dma_wait3A_117] : memref<5120x128xi32, #tpu.memory_space<hbm>> -> memref<4x128xi32, #tpu.memory_space<hbm>>
        tpu.wait_dma2 semaphore(%run_scoped3A_110 : memref<!tpu.dma_semaphore, #tpu.memory_space<semaphore_mem>>) src(%dma_wait3A_118 : memref<4x128xi32, #tpu.memory_space<hbm>>) dst(%arg8 : memref<4x128xi32, #tpu.memory_space<vmem>>)
        tpu.yield
      }) : () -> ()
      %dma_start3A = arith.constant 0 : i32
      %dma_start3A_29 = arith.constant 0 : i32
      %dma_start3A_30 = arith.constant 0 : i32
      %dma_start3A_31 = tpu.memref_slice %arg9[%dma_start3A_29, %dma_start3A_30] : memref<256x128xf32, #tpu.memory_space<vmem>> -> memref<128x128xf32, #tpu.memory_space<vmem>>
      %dma_start3A_32 = arith.constant 0 : i32
      %dma_start3A_33 = tpu.memref_slice %arg8[%dma_start3A, %dma_start3A_32] : memref<4x128xi32, #tpu.memory_space<vmem>> -> memref<1x128xi32, #tpu.memory_space<vmem>>
      %dma_start3A_34 = tpu.memref_squeeze %dma_start3A_33 : memref<1x128xi32, #tpu.memory_space<vmem>> -> memref<128xi32, #tpu.memory_space<vmem>>
      %dma_start3A_35 = arith.constant 0 : i32
      %dma_start3A_36 = arith.constant 0 : i32
      %dma_start3A_37 = tpu.memref_slice %arg4[%dma_start3A_35, %dma_start3A_36] : memref<10000x128xf32, #tpu.memory_space<hbm>> -> memref<10000x128xf32, #tpu.memory_space<hbm>>
      tpu.enqueue_indirect_dma source(%dma_start3A_37 : memref<10000x128xf32, #tpu.memory_space<hbm>>) target(%dma_start3A_31 : memref<128x128xf32, #tpu.memory_space<vmem>>) offsets(%dma_start3A_34 : memref<128xi32, #tpu.memory_space<vmem>>) semaphore(%arg11 : memref<!tpu.dma_semaphore, #tpu.memory_space<semaphore_mem>>)
      %dma_wait3A = arith.constant 0 : i32
      %dma_wait3A_38 = arith.constant 0 : i32
      %dma_wait3A_39 = arith.constant 0 : i32
      %dma_wait3A_40 = tpu.memref_slice %arg9[%dma_wait3A_38, %dma_wait3A_39] : memref<256x128xf32, #tpu.memory_space<vmem>> -> memref<128x128xf32, #tpu.memory_space<vmem>>
      %dma_wait3A_41 = arith.constant 0 : i32
      %dma_wait3A_42 = tpu.memref_slice %arg8[%dma_wait3A, %dma_wait3A_41] : memref<4x128xi32, #tpu.memory_space<vmem>> -> memref<1x128xi32, #tpu.memory_space<vmem>>
      %dma_wait3A_43 = tpu.memref_squeeze %dma_wait3A_42 : memref<1x128xi32, #tpu.memory_space<vmem>> -> memref<128xi32, #tpu.memory_space<vmem>>
      %dma_wait3A_44 = arith.constant 0 : i32
      %dma_wait3A_45 = arith.constant 0 : i32
      %dma_wait3A_46 = tpu.memref_slice %arg4[%dma_wait3A_44, %dma_wait3A_45] : memref<10000x128xf32, #tpu.memory_space<hbm>> -> memref<10000x128xf32, #tpu.memory_space<hbm>>
      tpu.wait_indirect_dma semaphore(%arg11 : memref<!tpu.dma_semaphore, #tpu.memory_space<semaphore_mem>>) src(%dma_wait3A_46 : memref<10000x128xf32, #tpu.memory_space<hbm>>) dst(%dma_wait3A_40 : memref<128x128xf32, #tpu.memory_space<vmem>>)
      %dma_start3A_47 = arith.constant 1 : i32
      %dma_start3A_48 = arith.constant 128 : i32
      %dma_start3A_49 = arith.constant 0 : i32
      %dma_start3A_50 = tpu.memref_slice %arg9[%dma_start3A_48, %dma_start3A_49] : memref<256x128xf32, #tpu.memory_space<vmem>> -> memref<128x128xf32, #tpu.memory_space<vmem>>
      %dma_start3A_51 = arith.constant 0 : i32
      %dma_start3A_52 = tpu.memref_slice %arg8[%dma_start3A_47, %dma_start3A_51] : memref<4x128xi32, #tpu.memory_space<vmem>> -> memref<1x128xi32, #tpu.memory_space<vmem>>
      %dma_start3A_53 = tpu.memref_squeeze %dma_start3A_52 : memref<1x128xi32, #tpu.memory_space<vmem>> -> memref<128xi32, #tpu.memory_space<vmem>>
      %dma_start3A_54 = arith.constant 0 : i32
      %dma_start3A_55 = arith.constant 0 : i32
      %dma_start3A_56 = tpu.memref_slice %arg4[%dma_start3A_54, %dma_start3A_55] : memref<10000x128xf32, #tpu.memory_space<hbm>> -> memref<10000x128xf32, #tpu.memory_space<hbm>>
      tpu.enqueue_indirect_dma source(%dma_start3A_56 : memref<10000x128xf32, #tpu.memory_space<hbm>>) target(%dma_start3A_50 : memref<128x128xf32, #tpu.memory_space<vmem>>) offsets(%dma_start3A_53 : memref<128xi32, #tpu.memory_space<vmem>>) semaphore(%arg11 : memref<!tpu.dma_semaphore, #tpu.memory_space<semaphore_mem>>)
      %dma_wait3A_57 = arith.constant 1 : i32
      %dma_wait3A_58 = arith.constant 128 : i32
      %dma_wait3A_59 = arith.constant 0 : i32
      %dma_wait3A_60 = tpu.memref_slice %arg9[%dma_wait3A_58, %dma_wait3A_59] : memref<256x128xf32, #tpu.memory_space<vmem>> -> memref<128x128xf32, #tpu.memory_space<vmem>>
      %dma_wait3A_61 = arith.constant 0 : i32
      %dma_wait3A_62 = tpu.memref_slice %arg8[%dma_wait3A_57, %dma_wait3A_61] : memref<4x128xi32, #tpu.memory_space<vmem>> -> memref<1x128xi32, #tpu.memory_space<vmem>>
      %dma_wait3A_63 = tpu.memref_squeeze %dma_wait3A_62 : memref<1x128xi32, #tpu.memory_space<vmem>> -> memref<128xi32, #tpu.memory_space<vmem>>
      %dma_wait3A_64 = arith.constant 0 : i32
      %dma_wait3A_65 = arith.constant 0 : i32
      %dma_wait3A_66 = tpu.memref_slice %arg4[%dma_wait3A_64, %dma_wait3A_65] : memref<10000x128xf32, #tpu.memory_space<hbm>> -> memref<10000x128xf32, #tpu.memory_space<hbm>>
      tpu.wait_indirect_dma semaphore(%arg11 : memref<!tpu.dma_semaphore, #tpu.memory_space<semaphore_mem>>) src(%dma_wait3A_66 : memref<10000x128xf32, #tpu.memory_space<hbm>>) dst(%dma_wait3A_60 : memref<128x128xf32, #tpu.memory_space<vmem>>)
      %run_scoped3A = arith.constant 0 : i32
      "tpu.region"() ({
        %run_scoped3A_110 = tpu.sem_alloc : memref<!tpu.dma_semaphore, #tpu.memory_space<semaphore_mem>>
        %dma_start3A_111 = arith.constant 0 : i32
        %dma_start3A_112 = arith.constant 0 : i32
        %dma_start3A_113 = tpu.memref_slice %arg9[%dma_start3A_111, %dma_start3A_112] : memref<256x128xf32, #tpu.memory_space<vmem>> -> memref<128x128xf32, #tpu.memory_space<vmem>>
        %dma_start3A_114 = arith.constant 0 : i32
        %dma_start3A_115 = tpu.memref_slice %arg7[%run_scoped3A, %dma_start3A_114] : memref<4x128xi32, #tpu.memory_space<vmem>> -> memref<1x128xi32, #tpu.memory_space<vmem>>
        %dma_start3A_116 = tpu.memref_squeeze %dma_start3A_115 : memref<1x128xi32, #tpu.memory_space<vmem>> -> memref<128xi32, #tpu.memory_space<vmem>>
        %dma_start3A_117 = arith.constant 0 : i32
        %dma_start3A_118 = arith.constant 0 : i32
        %dma_start3A_119 = tpu.memref_slice %arg10[%dma_start3A_117, %dma_start3A_118] : memref<10008x128xf32, #tpu.memory_space<vmem_shared>> -> memref<10008x128xf32, #tpu.memory_space<vmem_shared>>
        tpu.enqueue_indirect_dma source(%dma_start3A_113 : memref<128x128xf32, #tpu.memory_space<vmem>>) target(%dma_start3A_119 : memref<10008x128xf32, #tpu.memory_space<vmem_shared>>) offsets(%dma_start3A_116 : memref<128xi32, #tpu.memory_space<vmem>>) semaphore(%run_scoped3A_110 : memref<!tpu.dma_semaphore, #tpu.memory_space<semaphore_mem>>) {add = true}
        %dma_wait3A_120 = arith.constant 0 : i32
        %dma_wait3A_121 = arith.constant 0 : i32
        %dma_wait3A_122 = tpu.memref_slice %arg9[%dma_wait3A_120, %dma_wait3A_121] : memref<256x128xf32, #tpu.memory_space<vmem>> -> memref<128x128xf32, #tpu.memory_space<vmem>>
        %dma_wait3A_123 = arith.constant 0 : i32
        %dma_wait3A_124 = tpu.memref_slice %arg7[%run_scoped3A, %dma_wait3A_123] : memref<4x128xi32, #tpu.memory_space<vmem>> -> memref<1x128xi32, #tpu.memory_space<vmem>>
        %dma_wait3A_125 = tpu.memref_squeeze %dma_wait3A_124 : memref<1x128xi32, #tpu.memory_space<vmem>> -> memref<128xi32, #tpu.memory_space<vmem>>
        %dma_wait3A_126 = arith.constant 0 : i32
        %dma_wait3A_127 = arith.constant 0 : i32
        %dma_wait3A_128 = tpu.memref_slice %arg10[%dma_wait3A_126, %dma_wait3A_127] : memref<10008x128xf32, #tpu.memory_space<vmem_shared>> -> memref<10008x128xf32, #tpu.memory_space<vmem_shared>>
        tpu.wait_indirect_dma semaphore(%run_scoped3A_110 : memref<!tpu.dma_semaphore, #tpu.memory_space<semaphore_mem>>) src(%dma_wait3A_122 : memref<128x128xf32, #tpu.memory_space<vmem>>) dst(%dma_wait3A_128 : memref<10008x128xf32, #tpu.memory_space<vmem_shared>>)
        tpu.yield
      }) : () -> ()
      %run_scoped3A_67 = arith.constant 1 : i32
      "tpu.region"() ({
        %run_scoped3A_110 = tpu.sem_alloc : memref<!tpu.dma_semaphore, #tpu.memory_space<semaphore_mem>>
        %dma_start3A_111 = arith.constant 128 : i32
        %dma_start3A_112 = arith.constant 0 : i32
        %dma_start3A_113 = tpu.memref_slice %arg9[%dma_start3A_111, %dma_start3A_112] : memref<256x128xf32, #tpu.memory_space<vmem>> -> memref<128x128xf32, #tpu.memory_space<vmem>>
        %dma_start3A_114 = arith.constant 0 : i32
        %dma_start3A_115 = tpu.memref_slice %arg7[%run_scoped3A_67, %dma_start3A_114] : memref<4x128xi32, #tpu.memory_space<vmem>> -> memref<1x128xi32, #tpu.memory_space<vmem>>
        %dma_start3A_116 = tpu.memref_squeeze %dma_start3A_115 : memref<1x128xi32, #tpu.memory_space<vmem>> -> memref<128xi32, #tpu.memory_space<vmem>>
        %dma_start3A_117 = arith.constant 0 : i32
        %dma_start3A_118 = arith.constant 0 : i32
        %dma_start3A_119 = tpu.memref_slice %arg10[%dma_start3A_117, %dma_start3A_118] : memref<10008x128xf32, #tpu.memory_space<vmem_shared>> -> memref<10008x128xf32, #tpu.memory_space<vmem_shared>>
        tpu.enqueue_indirect_dma source(%dma_start3A_113 : memref<128x128xf32, #tpu.memory_space<vmem>>) target(%dma_start3A_119 : memref<10008x128xf32, #tpu.memory_space<vmem_shared>>) offsets(%dma_start3A_116 : memref<128xi32, #tpu.memory_space<vmem>>) semaphore(%run_scoped3A_110 : memref<!tpu.dma_semaphore, #tpu.memory_space<semaphore_mem>>) {add = true}
        %dma_wait3A_120 = arith.constant 128 : i32
        %dma_wait3A_121 = arith.constant 0 : i32
        %dma_wait3A_122 = tpu.memref_slice %arg9[%dma_wait3A_120, %dma_wait3A_121] : memref<256x128xf32, #tpu.memory_space<vmem>> -> memref<128x128xf32, #tpu.memory_space<vmem>>
        %dma_wait3A_123 = arith.constant 0 : i32
        %dma_wait3A_124 = tpu.memref_slice %arg7[%run_scoped3A_67, %dma_wait3A_123] : memref<4x128xi32, #tpu.memory_space<vmem>> -> memref<1x128xi32, #tpu.memory_space<vmem>>
        %dma_wait3A_125 = tpu.memref_squeeze %dma_wait3A_124 : memref<1x128xi32, #tpu.memory_space<vmem>> -> memref<128xi32, #tpu.memory_space<vmem>>
        %dma_wait3A_126 = arith.constant 0 : i32
        %dma_wait3A_127 = arith.constant 0 : i32
        %dma_wait3A_128 = tpu.memref_slice %arg10[%dma_wait3A_126, %dma_wait3A_127] : memref<10008x128xf32, #tpu.memory_space<vmem_shared>> -> memref<10008x128xf32, #tpu.memory_space<vmem_shared>>
        tpu.wait_indirect_dma semaphore(%run_scoped3A_110 : memref<!tpu.dma_semaphore, #tpu.memory_space<semaphore_mem>>) src(%dma_wait3A_122 : memref<128x128xf32, #tpu.memory_space<vmem>>) dst(%dma_wait3A_128 : memref<10008x128xf32, #tpu.memory_space<vmem_shared>>)
        tpu.yield
      }) : () -> ()
      %dma_start3A_68 = arith.constant 2 : i32
      %dma_start3A_69 = arith.constant 0 : i32
      %dma_start3A_70 = arith.constant 0 : i32
      %dma_start3A_71 = tpu.memref_slice %arg9[%dma_start3A_69, %dma_start3A_70] : memref<256x128xf32, #tpu.memory_space<vmem>> -> memref<128x128xf32, #tpu.memory_space<vmem>>
      %dma_start3A_72 = arith.constant 0 : i32
      %dma_start3A_73 = tpu.memref_slice %arg8[%dma_start3A_68, %dma_start3A_72] : memref<4x128xi32, #tpu.memory_space<vmem>> -> memref<1x128xi32, #tpu.memory_space<vmem>>
      %dma_start3A_74 = tpu.memref_squeeze %dma_start3A_73 : memref<1x128xi32, #tpu.memory_space<vmem>> -> memref<128xi32, #tpu.memory_space<vmem>>
      %dma_start3A_75 = arith.constant 0 : i32
      %dma_start3A_76 = arith.constant 0 : i32
      %dma_start3A_77 = tpu.memref_slice %arg4[%dma_start3A_75, %dma_start3A_76] : memref<10000x128xf32, #tpu.memory_space<hbm>> -> memref<10000x128xf32, #tpu.memory_space<hbm>>
      tpu.enqueue_indirect_dma source(%dma_start3A_77 : memref<10000x128xf32, #tpu.memory_space<hbm>>) target(%dma_start3A_71 : memref<128x128xf32, #tpu.memory_space<vmem>>) offsets(%dma_start3A_74 : memref<128xi32, #tpu.memory_space<vmem>>) semaphore(%arg11 : memref<!tpu.dma_semaphore, #tpu.memory_space<semaphore_mem>>)
      %dma_wait3A_78 = arith.constant 2 : i32
      %dma_wait3A_79 = arith.constant 0 : i32
      %dma_wait3A_80 = arith.constant 0 : i32
      %dma_wait3A_81 = tpu.memref_slice %arg9[%dma_wait3A_79, %dma_wait3A_80] : memref<256x128xf32, #tpu.memory_space<vmem>> -> memref<128x128xf32, #tpu.memory_space<vmem>>
      %dma_wait3A_82 = arith.constant 0 : i32
      %dma_wait3A_83 = tpu.memref_slice %arg8[%dma_wait3A_78, %dma_wait3A_82] : memref<4x128xi32, #tpu.memory_space<vmem>> -> memref<1x128xi32, #tpu.memory_space<vmem>>
      %dma_wait3A_84 = tpu.memref_squeeze %dma_wait3A_83 : memref<1x128xi32, #tpu.memory_space<vmem>> -> memref<128xi32, #tpu.memory_space<vmem>>
      %dma_wait3A_85 = arith.constant 0 : i32
      %dma_wait3A_86 = arith.constant 0 : i32
      %dma_wait3A_87 = tpu.memref_slice %arg4[%dma_wait3A_85, %dma_wait3A_86] : memref<10000x128xf32, #tpu.memory_space<hbm>> -> memref<10000x128xf32, #tpu.memory_space<hbm>>
      tpu.wait_indirect_dma semaphore(%arg11 : memref<!tpu.dma_semaphore, #tpu.memory_space<semaphore_mem>>) src(%dma_wait3A_87 : memref<10000x128xf32, #tpu.memory_space<hbm>>) dst(%dma_wait3A_81 : memref<128x128xf32, #tpu.memory_space<vmem>>)
      %dma_start3A_88 = arith.constant 3 : i32
      %dma_start3A_89 = arith.constant 128 : i32
      %dma_start3A_90 = arith.constant 0 : i32
      %dma_start3A_91 = tpu.memref_slice %arg9[%dma_start3A_89, %dma_start3A_90] : memref<256x128xf32, #tpu.memory_space<vmem>> -> memref<128x128xf32, #tpu.memory_space<vmem>>
      %dma_start3A_92 = arith.constant 0 : i32
      %dma_start3A_93 = tpu.memref_slice %arg8[%dma_start3A_88, %dma_start3A_92] : memref<4x128xi32, #tpu.memory_space<vmem>> -> memref<1x128xi32, #tpu.memory_space<vmem>>
      %dma_start3A_94 = tpu.memref_squeeze %dma_start3A_93 : memref<1x128xi32, #tpu.memory_space<vmem>> -> memref<128xi32, #tpu.memory_space<vmem>>
      %dma_start3A_95 = arith.constant 0 : i32
      %dma_start3A_96 = arith.constant 0 : i32
      %dma_start3A_97 = tpu.memref_slice %arg4[%dma_start3A_95, %dma_start3A_96] : memref<10000x128xf32, #tpu.memory_space<hbm>> -> memref<10000x128xf32, #tpu.memory_space<hbm>>
      tpu.enqueue_indirect_dma source(%dma_start3A_97 : memref<10000x128xf32, #tpu.memory_space<hbm>>) target(%dma_start3A_91 : memref<128x128xf32, #tpu.memory_space<vmem>>) offsets(%dma_start3A_94 : memref<128xi32, #tpu.memory_space<vmem>>) semaphore(%arg11 : memref<!tpu.dma_semaphore, #tpu.memory_space<semaphore_mem>>)
      %dma_wait3A_98 = arith.constant 3 : i32
      %dma_wait3A_99 = arith.constant 128 : i32
      %dma_wait3A_100 = arith.constant 0 : i32
      %dma_wait3A_101 = tpu.memref_slice %arg9[%dma_wait3A_99, %dma_wait3A_100] : memref<256x128xf32, #tpu.memory_space<vmem>> -> memref<128x128xf32, #tpu.memory_space<vmem>>
      %dma_wait3A_102 = arith.constant 0 : i32
      %dma_wait3A_103 = tpu.memref_slice %arg8[%dma_wait3A_98, %dma_wait3A_102] : memref<4x128xi32, #tpu.memory_space<vmem>> -> memref<1x128xi32, #tpu.memory_space<vmem>>
      %dma_wait3A_104 = tpu.memref_squeeze %dma_wait3A_103 : memref<1x128xi32, #tpu.memory_space<vmem>> -> memref<128xi32, #tpu.memory_space<vmem>>
      %dma_wait3A_105 = arith.constant 0 : i32
      %dma_wait3A_106 = arith.constant 0 : i32
      %dma_wait3A_107 = tpu.memref_slice %arg4[%dma_wait3A_105, %dma_wait3A_106] : memref<10000x128xf32, #tpu.memory_space<hbm>> -> memref<10000x128xf32, #tpu.memory_space<hbm>>
      tpu.wait_indirect_dma semaphore(%arg11 : memref<!tpu.dma_semaphore, #tpu.memory_space<semaphore_mem>>) src(%dma_wait3A_107 : memref<10000x128xf32, #tpu.memory_space<hbm>>) dst(%dma_wait3A_101 : memref<128x128xf32, #tpu.memory_space<vmem>>)
      %run_scoped3A_108 = arith.constant 2 : i32
      "tpu.region"() ({
        %run_scoped3A_110 = tpu.sem_alloc : memref<!tpu.dma_semaphore, #tpu.memory_space<semaphore_mem>>
        %dma_start3A_111 = arith.constant 0 : i32
        %dma_start3A_112 = arith.constant 0 : i32
        %dma_start3A_113 = tpu.memref_slice %arg9[%dma_start3A_111, %dma_start3A_112] : memref<256x128xf32, #tpu.memory_space<vmem>> -> memref<128x128xf32, #tpu.memory_space<vmem>>
        %dma_start3A_114 = arith.constant 0 : i32
        %dma_start3A_115 = tpu.memref_slice %arg7[%run_scoped3A_108, %dma_start3A_114] : memref<4x128xi32, #tpu.memory_space<vmem>> -> memref<1x128xi32, #tpu.memory_space<vmem>>
        %dma_start3A_116 = tpu.memref_squeeze %dma_start3A_115 : memref<1x128xi32, #tpu.memory_space<vmem>> -> memref<128xi32, #tpu.memory_space<vmem>>
        %dma_start3A_117 = arith.constant 0 : i32
        %dma_start3A_118 = arith.constant 0 : i32
        %dma_start3A_119 = tpu.memref_slice %arg10[%dma_start3A_117, %dma_start3A_118] : memref<10008x128xf32, #tpu.memory_space<vmem_shared>> -> memref<10008x128xf32, #tpu.memory_space<vmem_shared>>
        tpu.enqueue_indirect_dma source(%dma_start3A_113 : memref<128x128xf32, #tpu.memory_space<vmem>>) target(%dma_start3A_119 : memref<10008x128xf32, #tpu.memory_space<vmem_shared>>) offsets(%dma_start3A_116 : memref<128xi32, #tpu.memory_space<vmem>>) semaphore(%run_scoped3A_110 : memref<!tpu.dma_semaphore, #tpu.memory_space<semaphore_mem>>) {add = true}
        %dma_wait3A_120 = arith.constant 0 : i32
        %dma_wait3A_121 = arith.constant 0 : i32
        %dma_wait3A_122 = tpu.memref_slice %arg9[%dma_wait3A_120, %dma_wait3A_121] : memref<256x128xf32, #tpu.memory_space<vmem>> -> memref<128x128xf32, #tpu.memory_space<vmem>>
        %dma_wait3A_123 = arith.constant 0 : i32
        %dma_wait3A_124 = tpu.memref_slice %arg7[%run_scoped3A_108, %dma_wait3A_123] : memref<4x128xi32, #tpu.memory_space<vmem>> -> memref<1x128xi32, #tpu.memory_space<vmem>>
        %dma_wait3A_125 = tpu.memref_squeeze %dma_wait3A_124 : memref<1x128xi32, #tpu.memory_space<vmem>> -> memref<128xi32, #tpu.memory_space<vmem>>
        %dma_wait3A_126 = arith.constant 0 : i32
        %dma_wait3A_127 = arith.constant 0 : i32
        %dma_wait3A_128 = tpu.memref_slice %arg10[%dma_wait3A_126, %dma_wait3A_127] : memref<10008x128xf32, #tpu.memory_space<vmem_shared>> -> memref<10008x128xf32, #tpu.memory_space<vmem_shared>>
        tpu.wait_indirect_dma semaphore(%run_scoped3A_110 : memref<!tpu.dma_semaphore, #tpu.memory_space<semaphore_mem>>) src(%dma_wait3A_122 : memref<128x128xf32, #tpu.memory_space<vmem>>) dst(%dma_wait3A_128 : memref<10008x128xf32, #tpu.memory_space<vmem_shared>>)
        tpu.yield
      }) : () -> ()
      %run_scoped3A_109 = arith.constant 3 : i32
      "tpu.region"() ({
        %run_scoped3A_110 = tpu.sem_alloc : memref<!tpu.dma_semaphore, #tpu.memory_space<semaphore_mem>>
        %dma_start3A_111 = arith.constant 128 : i32
        %dma_start3A_112 = arith.constant 0 : i32
        %dma_start3A_113 = tpu.memref_slice %arg9[%dma_start3A_111, %dma_start3A_112] : memref<256x128xf32, #tpu.memory_space<vmem>> -> memref<128x128xf32, #tpu.memory_space<vmem>>
        %dma_start3A_114 = arith.constant 0 : i32
        %dma_start3A_115 = tpu.memref_slice %arg7[%run_scoped3A_109, %dma_start3A_114] : memref<4x128xi32, #tpu.memory_space<vmem>> -> memref<1x128xi32, #tpu.memory_space<vmem>>
        %dma_start3A_116 = tpu.memref_squeeze %dma_start3A_115 : memref<1x128xi32, #tpu.memory_space<vmem>> -> memref<128xi32, #tpu.memory_space<vmem>>
        %dma_start3A_117 = arith.constant 0 : i32
        %dma_start3A_118 = arith.constant 0 : i32
        %dma_start3A_119 = tpu.memref_slice %arg10[%dma_start3A_117, %dma_start3A_118] : memref<10008x128xf32, #tpu.memory_space<vmem_shared>> -> memref<10008x128xf32, #tpu.memory_space<vmem_shared>>
        tpu.enqueue_indirect_dma source(%dma_start3A_113 : memref<128x128xf32, #tpu.memory_space<vmem>>) target(%dma_start3A_119 : memref<10008x128xf32, #tpu.memory_space<vmem_shared>>) offsets(%dma_start3A_116 : memref<128xi32, #tpu.memory_space<vmem>>) semaphore(%run_scoped3A_110 : memref<!tpu.dma_semaphore, #tpu.memory_space<semaphore_mem>>) {add = true}
        %dma_wait3A_120 = arith.constant 128 : i32
        %dma_wait3A_121 = arith.constant 0 : i32
        %dma_wait3A_122 = tpu.memref_slice %arg9[%dma_wait3A_120, %dma_wait3A_121] : memref<256x128xf32, #tpu.memory_space<vmem>> -> memref<128x128xf32, #tpu.memory_space<vmem>>
        %dma_wait3A_123 = arith.constant 0 : i32
        %dma_wait3A_124 = tpu.memref_slice %arg7[%run_scoped3A_109, %dma_wait3A_123] : memref<4x128xi32, #tpu.memory_space<vmem>> -> memref<1x128xi32, #tpu.memory_space<vmem>>
        %dma_wait3A_125 = tpu.memref_squeeze %dma_wait3A_124 : memref<1x128xi32, #tpu.memory_space<vmem>> -> memref<128xi32, #tpu.memory_space<vmem>>
        %dma_wait3A_126 = arith.constant 0 : i32
        %dma_wait3A_127 = arith.constant 0 : i32
        %dma_wait3A_128 = tpu.memref_slice %arg10[%dma_wait3A_126, %dma_wait3A_127] : memref<10008x128xf32, #tpu.memory_space<vmem_shared>> -> memref<10008x128xf32, #tpu.memory_space<vmem_shared>>
        tpu.wait_indirect_dma semaphore(%run_scoped3A_110 : memref<!tpu.dma_semaphore, #tpu.memory_space<semaphore_mem>>) src(%dma_wait3A_122 : memref<128x128xf32, #tpu.memory_space<vmem>>) dst(%dma_wait3A_128 : memref<10008x128xf32, #tpu.memory_space<vmem_shared>>)
        tpu.yield
      }) : () -> ()
    }
    %while3A_20 = arith.constant 1 : i32
    scf.for %while3A_25 = %while3A_18 to %while3A_14 step %while3A_20  : i32 {
      %mul3A_26 = arith.constant 4 : i32
      %mul3A_27 = arith.muli %while3A_25, %mul3A_26 : i32
      %add3A_28 = arith.addi %select_n3A, %mul3A_27 : i32
      "tpu.region"() ({
        %run_scoped3A_110 = tpu.sem_alloc : memref<!tpu.dma_semaphore, #tpu.memory_space<semaphore_mem>>
        %dma_start3A_111 = arith.constant 0 : i32
        %dma_start3A_112 = tpu.memref_slice %arg2[%add3A_28, %dma_start3A_111] : memref<5120x128xi32, #tpu.memory_space<hbm>> -> memref<4x128xi32, #tpu.memory_space<hbm>>
        %dma_start3A_113 = arith.constant 0 : i32
        %dma_start3A_114 = tpu.memref_slice %arg2[%add3A_28, %dma_start3A_113] : memref<5120x128xi32, #tpu.memory_space<hbm>> -> memref<4x128xi32, #tpu.memory_space<hbm>>
        tpu.enqueue_dma source(%dma_start3A_114 : memref<4x128xi32, #tpu.memory_space<hbm>>) target(%arg7 : memref<4x128xi32, #tpu.memory_space<vmem>>) target_semaphore(%run_scoped3A_110 : memref<!tpu.dma_semaphore, #tpu.memory_space<semaphore_mem>>)
        %dma_wait3A_115 = arith.constant 0 : i32
        %dma_wait3A_116 = tpu.memref_slice %arg2[%add3A_28, %dma_wait3A_115] : memref<5120x128xi32, #tpu.memory_space<hbm>> -> memref<4x128xi32, #tpu.memory_space<hbm>>
        %dma_wait3A_117 = arith.constant 0 : i32
        %dma_wait3A_118 = tpu.memref_slice %arg2[%add3A_28, %dma_wait3A_117] : memref<5120x128xi32, #tpu.memory_space<hbm>> -> memref<4x128xi32, #tpu.memory_space<hbm>>
        tpu.wait_dma2 semaphore(%run_scoped3A_110 : memref<!tpu.dma_semaphore, #tpu.memory_space<semaphore_mem>>) src(%dma_wait3A_118 : memref<4x128xi32, #tpu.memory_space<hbm>>) dst(%arg7 : memref<4x128xi32, #tpu.memory_space<vmem>>)
        tpu.yield
      }) : () -> ()
      "tpu.region"() ({
        %run_scoped3A_110 = tpu.sem_alloc : memref<!tpu.dma_semaphore, #tpu.memory_space<semaphore_mem>>
        %dma_start3A_111 = arith.constant 0 : i32
        %dma_start3A_112 = tpu.memref_slice %arg3[%add3A_28, %dma_start3A_111] : memref<5120x128xi32, #tpu.memory_space<hbm>> -> memref<4x128xi32, #tpu.memory_space<hbm>>
        %dma_start3A_113 = arith.constant 0 : i32
        %dma_start3A_114 = tpu.memref_slice %arg3[%add3A_28, %dma_start3A_113] : memref<5120x128xi32, #tpu.memory_space<hbm>> -> memref<4x128xi32, #tpu.memory_space<hbm>>
        tpu.enqueue_dma source(%dma_start3A_114 : memref<4x128xi32, #tpu.memory_space<hbm>>) target(%arg8 : memref<4x128xi32, #tpu.memory_space<vmem>>) target_semaphore(%run_scoped3A_110 : memref<!tpu.dma_semaphore, #tpu.memory_space<semaphore_mem>>)
        %dma_wait3A_115 = arith.constant 0 : i32
        %dma_wait3A_116 = tpu.memref_slice %arg3[%add3A_28, %dma_wait3A_115] : memref<5120x128xi32, #tpu.memory_space<hbm>> -> memref<4x128xi32, #tpu.memory_space<hbm>>
        %dma_wait3A_117 = arith.constant 0 : i32
        %dma_wait3A_118 = tpu.memref_slice %arg3[%add3A_28, %dma_wait3A_117] : memref<5120x128xi32, #tpu.memory_space<hbm>> -> memref<4x128xi32, #tpu.memory_space<hbm>>
        tpu.wait_dma2 semaphore(%run_scoped3A_110 : memref<!tpu.dma_semaphore, #tpu.memory_space<semaphore_mem>>) src(%dma_wait3A_118 : memref<4x128xi32, #tpu.memory_space<hbm>>) dst(%arg8 : memref<4x128xi32, #tpu.memory_space<vmem>>)
        tpu.yield
      }) : () -> ()
      %dma_start3A = arith.constant 0 : i32
      %dma_start3A_29 = arith.constant 0 : i32
      %dma_start3A_30 = arith.constant 0 : i32
      %dma_start3A_31 = tpu.memref_slice %arg9[%dma_start3A_29, %dma_start3A_30] : memref<256x128xf32, #tpu.memory_space<vmem>> -> memref<128x128xf32, #tpu.memory_space<vmem>>
      %dma_start3A_32 = arith.constant 0 : i32
      %dma_start3A_33 = tpu.memref_slice %arg8[%dma_start3A, %dma_start3A_32] : memref<4x128xi32, #tpu.memory_space<vmem>> -> memref<1x128xi32, #tpu.memory_space<vmem>>
      %dma_start3A_34 = tpu.memref_squeeze %dma_start3A_33 : memref<1x128xi32, #tpu.memory_space<vmem>> -> memref<128xi32, #tpu.memory_space<vmem>>
      %dma_start3A_35 = arith.constant 0 : i32
      %dma_start3A_36 = arith.constant 0 : i32
      %dma_start3A_37 = tpu.memref_slice %arg4[%dma_start3A_35, %dma_start3A_36] : memref<10000x128xf32, #tpu.memory_space<hbm>> -> memref<10000x128xf32, #tpu.memory_space<hbm>>
      tpu.enqueue_indirect_dma source(%dma_start3A_37 : memref<10000x128xf32, #tpu.memory_space<hbm>>) target(%dma_start3A_31 : memref<128x128xf32, #tpu.memory_space<vmem>>) offsets(%dma_start3A_34 : memref<128xi32, #tpu.memory_space<vmem>>) semaphore(%arg11 : memref<!tpu.dma_semaphore, #tpu.memory_space<semaphore_mem>>)
      %dma_wait3A = arith.constant 0 : i32
      %dma_wait3A_38 = arith.constant 0 : i32
      %dma_wait3A_39 = arith.constant 0 : i32
      %dma_wait3A_40 = tpu.memref_slice %arg9[%dma_wait3A_38, %dma_wait3A_39] : memref<256x128xf32, #tpu.memory_space<vmem>> -> memref<128x128xf32, #tpu.memory_space<vmem>>
      %dma_wait3A_41 = arith.constant 0 : i32
      %dma_wait3A_42 = tpu.memref_slice %arg8[%dma_wait3A, %dma_wait3A_41] : memref<4x128xi32, #tpu.memory_space<vmem>> -> memref<1x128xi32, #tpu.memory_space<vmem>>
      %dma_wait3A_43 = tpu.memref_squeeze %dma_wait3A_42 : memref<1x128xi32, #tpu.memory_space<vmem>> -> memref<128xi32, #tpu.memory_space<vmem>>
      %dma_wait3A_44 = arith.constant 0 : i32
      %dma_wait3A_45 = arith.constant 0 : i32
      %dma_wait3A_46 = tpu.memref_slice %arg4[%dma_wait3A_44, %dma_wait3A_45] : memref<10000x128xf32, #tpu.memory_space<hbm>> -> memref<10000x128xf32, #tpu.memory_space<hbm>>
      tpu.wait_indirect_dma semaphore(%arg11 : memref<!tpu.dma_semaphore, #tpu.memory_space<semaphore_mem>>) src(%dma_wait3A_46 : memref<10000x128xf32, #tpu.memory_space<hbm>>) dst(%dma_wait3A_40 : memref<128x128xf32, #tpu.memory_space<vmem>>)
      %dma_start3A_47 = arith.constant 1 : i32
      %dma_start3A_48 = arith.constant 128 : i32
      %dma_start3A_49 = arith.constant 0 : i32
      %dma_start3A_50 = tpu.memref_slice %arg9[%dma_start3A_48, %dma_start3A_49] : memref<256x128xf32, #tpu.memory_space<vmem>> -> memref<128x128xf32, #tpu.memory_space<vmem>>
      %dma_start3A_51 = arith.constant 0 : i32
      %dma_start3A_52 = tpu.memref_slice %arg8[%dma_start3A_47, %dma_start3A_51] : memref<4x128xi32, #tpu.memory_space<vmem>> -> memref<1x128xi32, #tpu.memory_space<vmem>>
      %dma_start3A_53 = tpu.memref_squeeze %dma_start3A_52 : memref<1x128xi32, #tpu.memory_space<vmem>> -> memref<128xi32, #tpu.memory_space<vmem>>
      %dma_start3A_54 = arith.constant 0 : i32
      %dma_start3A_55 = arith.constant 0 : i32
      %dma_start3A_56 = tpu.memref_slice %arg4[%dma_start3A_54, %dma_start3A_55] : memref<10000x128xf32, #tpu.memory_space<hbm>> -> memref<10000x128xf32, #tpu.memory_space<hbm>>
      tpu.enqueue_indirect_dma source(%dma_start3A_56 : memref<10000x128xf32, #tpu.memory_space<hbm>>) target(%dma_start3A_50 : memref<128x128xf32, #tpu.memory_space<vmem>>) offsets(%dma_start3A_53 : memref<128xi32, #tpu.memory_space<vmem>>) semaphore(%arg11 : memref<!tpu.dma_semaphore, #tpu.memory_space<semaphore_mem>>)
      %dma_wait3A_57 = arith.constant 1 : i32
      %dma_wait3A_58 = arith.constant 128 : i32
      %dma_wait3A_59 = arith.constant 0 : i32
      %dma_wait3A_60 = tpu.memref_slice %arg9[%dma_wait3A_58, %dma_wait3A_59] : memref<256x128xf32, #tpu.memory_space<vmem>> -> memref<128x128xf32, #tpu.memory_space<vmem>>
      %dma_wait3A_61 = arith.constant 0 : i32
      %dma_wait3A_62 = tpu.memref_slice %arg8[%dma_wait3A_57, %dma_wait3A_61] : memref<4x128xi32, #tpu.memory_space<vmem>> -> memref<1x128xi32, #tpu.memory_space<vmem>>
      %dma_wait3A_63 = tpu.memref_squeeze %dma_wait3A_62 : memref<1x128xi32, #tpu.memory_space<vmem>> -> memref<128xi32, #tpu.memory_space<vmem>>
      %dma_wait3A_64 = arith.constant 0 : i32
      %dma_wait3A_65 = arith.constant 0 : i32
      %dma_wait3A_66 = tpu.memref_slice %arg4[%dma_wait3A_64, %dma_wait3A_65] : memref<10000x128xf32, #tpu.memory_space<hbm>> -> memref<10000x128xf32, #tpu.memory_space<hbm>>
      tpu.wait_indirect_dma semaphore(%arg11 : memref<!tpu.dma_semaphore, #tpu.memory_space<semaphore_mem>>) src(%dma_wait3A_66 : memref<10000x128xf32, #tpu.memory_space<hbm>>) dst(%dma_wait3A_60 : memref<128x128xf32, #tpu.memory_space<vmem>>)
      %run_scoped3A = arith.constant 0 : i32
      "tpu.region"() ({
        %run_scoped3A_110 = tpu.sem_alloc : memref<!tpu.dma_semaphore, #tpu.memory_space<semaphore_mem>>
        %dma_start3A_111 = arith.constant 0 : i32
        %dma_start3A_112 = arith.constant 0 : i32
        %dma_start3A_113 = tpu.memref_slice %arg9[%dma_start3A_111, %dma_start3A_112] : memref<256x128xf32, #tpu.memory_space<vmem>> -> memref<128x128xf32, #tpu.memory_space<vmem>>
        %dma_start3A_114 = arith.constant 0 : i32
        %dma_start3A_115 = tpu.memref_slice %arg7[%run_scoped3A, %dma_start3A_114] : memref<4x128xi32, #tpu.memory_space<vmem>> -> memref<1x128xi32, #tpu.memory_space<vmem>>
        %dma_start3A_116 = tpu.memref_squeeze %dma_start3A_115 : memref<1x128xi32, #tpu.memory_space<vmem>> -> memref<128xi32, #tpu.memory_space<vmem>>
        %dma_start3A_117 = arith.constant 0 : i32
        %dma_start3A_118 = arith.constant 0 : i32
        %dma_start3A_119 = tpu.memref_slice %arg10[%dma_start3A_117, %dma_start3A_118] : memref<10008x128xf32, #tpu.memory_space<vmem_shared>> -> memref<10008x128xf32, #tpu.memory_space<vmem_shared>>
        tpu.enqueue_indirect_dma source(%dma_start3A_113 : memref<128x128xf32, #tpu.memory_space<vmem>>) target(%dma_start3A_119 : memref<10008x128xf32, #tpu.memory_space<vmem_shared>>) offsets(%dma_start3A_116 : memref<128xi32, #tpu.memory_space<vmem>>) semaphore(%run_scoped3A_110 : memref<!tpu.dma_semaphore, #tpu.memory_space<semaphore_mem>>) {add = true}
        %dma_wait3A_120 = arith.constant 0 : i32
        %dma_wait3A_121 = arith.constant 0 : i32
        %dma_wait3A_122 = tpu.memref_slice %arg9[%dma_wait3A_120, %dma_wait3A_121] : memref<256x128xf32, #tpu.memory_space<vmem>> -> memref<128x128xf32, #tpu.memory_space<vmem>>
        %dma_wait3A_123 = arith.constant 0 : i32
        %dma_wait3A_124 = tpu.memref_slice %arg7[%run_scoped3A, %dma_wait3A_123] : memref<4x128xi32, #tpu.memory_space<vmem>> -> memref<1x128xi32, #tpu.memory_space<vmem>>
        %dma_wait3A_125 = tpu.memref_squeeze %dma_wait3A_124 : memref<1x128xi32, #tpu.memory_space<vmem>> -> memref<128xi32, #tpu.memory_space<vmem>>
        %dma_wait3A_126 = arith.constant 0 : i32
        %dma_wait3A_127 = arith.constant 0 : i32
        %dma_wait3A_128 = tpu.memref_slice %arg10[%dma_wait3A_126, %dma_wait3A_127] : memref<10008x128xf32, #tpu.memory_space<vmem_shared>> -> memref<10008x128xf32, #tpu.memory_space<vmem_shared>>
        tpu.wait_indirect_dma semaphore(%run_scoped3A_110 : memref<!tpu.dma_semaphore, #tpu.memory_space<semaphore_mem>>) src(%dma_wait3A_122 : memref<128x128xf32, #tpu.memory_space<vmem>>) dst(%dma_wait3A_128 : memref<10008x128xf32, #tpu.memory_space<vmem_shared>>)
        tpu.yield
      }) : () -> ()
      %run_scoped3A_67 = arith.constant 1 : i32
      "tpu.region"() ({
        %run_scoped3A_110 = tpu.sem_alloc : memref<!tpu.dma_semaphore, #tpu.memory_space<semaphore_mem>>
        %dma_start3A_111 = arith.constant 128 : i32
        %dma_start3A_112 = arith.constant 0 : i32
        %dma_start3A_113 = tpu.memref_slice %arg9[%dma_start3A_111, %dma_start3A_112] : memref<256x128xf32, #tpu.memory_space<vmem>> -> memref<128x128xf32, #tpu.memory_space<vmem>>
        %dma_start3A_114 = arith.constant 0 : i32
        %dma_start3A_115 = tpu.memref_slice %arg7[%run_scoped3A_67, %dma_start3A_114] : memref<4x128xi32, #tpu.memory_space<vmem>> -> memref<1x128xi32, #tpu.memory_space<vmem>>
        %dma_start3A_116 = tpu.memref_squeeze %dma_start3A_115 : memref<1x128xi32, #tpu.memory_space<vmem>> -> memref<128xi32, #tpu.memory_space<vmem>>
        %dma_start3A_117 = arith.constant 0 : i32
        %dma_start3A_118 = arith.constant 0 : i32
        %dma_start3A_119 = tpu.memref_slice %arg10[%dma_start3A_117, %dma_start3A_118] : memref<10008x128xf32, #tpu.memory_space<vmem_shared>> -> memref<10008x128xf32, #tpu.memory_space<vmem_shared>>
        tpu.enqueue_indirect_dma source(%dma_start3A_113 : memref<128x128xf32, #tpu.memory_space<vmem>>) target(%dma_start3A_119 : memref<10008x128xf32, #tpu.memory_space<vmem_shared>>) offsets(%dma_start3A_116 : memref<128xi32, #tpu.memory_space<vmem>>) semaphore(%run_scoped3A_110 : memref<!tpu.dma_semaphore, #tpu.memory_space<semaphore_mem>>) {add = true}
        %dma_wait3A_120 = arith.constant 128 : i32
        %dma_wait3A_121 = arith.constant 0 : i32
        %dma_wait3A_122 = tpu.memref_slice %arg9[%dma_wait3A_120, %dma_wait3A_121] : memref<256x128xf32, #tpu.memory_space<vmem>> -> memref<128x128xf32, #tpu.memory_space<vmem>>
        %dma_wait3A_123 = arith.constant 0 : i32
        %dma_wait3A_124 = tpu.memref_slice %arg7[%run_scoped3A_67, %dma_wait3A_123] : memref<4x128xi32, #tpu.memory_space<vmem>> -> memref<1x128xi32, #tpu.memory_space<vmem>>
        %dma_wait3A_125 = tpu.memref_squeeze %dma_wait3A_124 : memref<1x128xi32, #tpu.memory_space<vmem>> -> memref<128xi32, #tpu.memory_space<vmem>>
        %dma_wait3A_126 = arith.constant 0 : i32
        %dma_wait3A_127 = arith.constant 0 : i32
        %dma_wait3A_128 = tpu.memref_slice %arg10[%dma_wait3A_126, %dma_wait3A_127] : memref<10008x128xf32, #tpu.memory_space<vmem_shared>> -> memref<10008x128xf32, #tpu.memory_space<vmem_shared>>
        tpu.wait_indirect_dma semaphore(%run_scoped3A_110 : memref<!tpu.dma_semaphore, #tpu.memory_space<semaphore_mem>>) src(%dma_wait3A_122 : memref<128x128xf32, #tpu.memory_space<vmem>>) dst(%dma_wait3A_128 : memref<10008x128xf32, #tpu.memory_space<vmem_shared>>)
        tpu.yield
      }) : () -> ()
      %dma_start3A_68 = arith.constant 2 : i32
      %dma_start3A_69 = arith.constant 0 : i32
      %dma_start3A_70 = arith.constant 0 : i32
      %dma_start3A_71 = tpu.memref_slice %arg9[%dma_start3A_69, %dma_start3A_70] : memref<256x128xf32, #tpu.memory_space<vmem>> -> memref<128x128xf32, #tpu.memory_space<vmem>>
      %dma_start3A_72 = arith.constant 0 : i32
      %dma_start3A_73 = tpu.memref_slice %arg8[%dma_start3A_68, %dma_start3A_72] : memref<4x128xi32, #tpu.memory_space<vmem>> -> memref<1x128xi32, #tpu.memory_space<vmem>>
      %dma_start3A_74 = tpu.memref_squeeze %dma_start3A_73 : memref<1x128xi32, #tpu.memory_space<vmem>> -> memref<128xi32, #tpu.memory_space<vmem>>
      %dma_start3A_75 = arith.constant 0 : i32
      %dma_start3A_76 = arith.constant 0 : i32
      %dma_start3A_77 = tpu.memref_slice %arg4[%dma_start3A_75, %dma_start3A_76] : memref<10000x128xf32, #tpu.memory_space<hbm>> -> memref<10000x128xf32, #tpu.memory_space<hbm>>
      tpu.enqueue_indirect_dma source(%dma_start3A_77 : memref<10000x128xf32, #tpu.memory_space<hbm>>) target(%dma_start3A_71 : memref<128x128xf32, #tpu.memory_space<vmem>>) offsets(%dma_start3A_74 : memref<128xi32, #tpu.memory_space<vmem>>) semaphore(%arg11 : memref<!tpu.dma_semaphore, #tpu.memory_space<semaphore_mem>>)
      %dma_wait3A_78 = arith.constant 2 : i32
      %dma_wait3A_79 = arith.constant 0 : i32
      %dma_wait3A_80 = arith.constant 0 : i32
      %dma_wait3A_81 = tpu.memref_slice %arg9[%dma_wait3A_79, %dma_wait3A_80] : memref<256x128xf32, #tpu.memory_space<vmem>> -> memref<128x128xf32, #tpu.memory_space<vmem>>
      %dma_wait3A_82 = arith.constant 0 : i32
      %dma_wait3A_83 = tpu.memref_slice %arg8[%dma_wait3A_78, %dma_wait3A_82] : memref<4x128xi32, #tpu.memory_space<vmem>> -> memref<1x128xi32, #tpu.memory_space<vmem>>
      %dma_wait3A_84 = tpu.memref_squeeze %dma_wait3A_83 : memref<1x128xi32, #tpu.memory_space<vmem>> -> memref<128xi32, #tpu.memory_space<vmem>>
      %dma_wait3A_85 = arith.constant 0 : i32
      %dma_wait3A_86 = arith.constant 0 : i32
      %dma_wait3A_87 = tpu.memref_slice %arg4[%dma_wait3A_85, %dma_wait3A_86] : memref<10000x128xf32, #tpu.memory_space<hbm>> -> memref<10000x128xf32, #tpu.memory_space<hbm>>
      tpu.wait_indirect_dma semaphore(%arg11 : memref<!tpu.dma_semaphore, #tpu.memory_space<semaphore_mem>>) src(%dma_wait3A_87 : memref<10000x128xf32, #tpu.memory_space<hbm>>) dst(%dma_wait3A_81 : memref<128x128xf32, #tpu.memory_space<vmem>>)
      %dma_start3A_88 = arith.constant 3 : i32
      %dma_start3A_89 = arith.constant 128 : i32
      %dma_start3A_90 = arith.constant 0 : i32
      %dma_start3A_91 = tpu.memref_slice %arg9[%dma_start3A_89, %dma_start3A_90] : memref<256x128xf32, #tpu.memory_space<vmem>> -> memref<128x128xf32, #tpu.memory_space<vmem>>
      %dma_start3A_92 = arith.constant 0 : i32
      %dma_start3A_93 = tpu.memref_slice %arg8[%dma_start3A_88, %dma_start3A_92] : memref<4x128xi32, #tpu.memory_space<vmem>> -> memref<1x128xi32, #tpu.memory_space<vmem>>
      %dma_start3A_94 = tpu.memref_squeeze %dma_start3A_93 : memref<1x128xi32, #tpu.memory_space<vmem>> -> memref<128xi32, #tpu.memory_space<vmem>>
      %dma_start3A_95 = arith.constant 0 : i32
      %dma_start3A_96 = arith.constant 0 : i32
      %dma_start3A_97 = tpu.memref_slice %arg4[%dma_start3A_95, %dma_start3A_96] : memref<10000x128xf32, #tpu.memory_space<hbm>> -> memref<10000x128xf32, #tpu.memory_space<hbm>>
      tpu.enqueue_indirect_dma source(%dma_start3A_97 : memref<10000x128xf32, #tpu.memory_space<hbm>>) target(%dma_start3A_91 : memref<128x128xf32, #tpu.memory_space<vmem>>) offsets(%dma_start3A_94 : memref<128xi32, #tpu.memory_space<vmem>>) semaphore(%arg11 : memref<!tpu.dma_semaphore, #tpu.memory_space<semaphore_mem>>)
      %dma_wait3A_98 = arith.constant 3 : i32
      %dma_wait3A_99 = arith.constant 128 : i32
      %dma_wait3A_100 = arith.constant 0 : i32
      %dma_wait3A_101 = tpu.memref_slice %arg9[%dma_wait3A_99, %dma_wait3A_100] : memref<256x128xf32, #tpu.memory_space<vmem>> -> memref<128x128xf32, #tpu.memory_space<vmem>>
      %dma_wait3A_102 = arith.constant 0 : i32
      %dma_wait3A_103 = tpu.memref_slice %arg8[%dma_wait3A_98, %dma_wait3A_102] : memref<4x128xi32, #tpu.memory_space<vmem>> -> memref<1x128xi32, #tpu.memory_space<vmem>>
      %dma_wait3A_104 = tpu.memref_squeeze %dma_wait3A_103 : memref<1x128xi32, #tpu.memory_space<vmem>> -> memref<128xi32, #tpu.memory_space<vmem>>
      %dma_wait3A_105 = arith.constant 0 : i32
      %dma_wait3A_106 = arith.constant 0 : i32
      %dma_wait3A_107 = tpu.memref_slice %arg4[%dma_wait3A_105, %dma_wait3A_106] : memref<10000x128xf32, #tpu.memory_space<hbm>> -> memref<10000x128xf32, #tpu.memory_space<hbm>>
      tpu.wait_indirect_dma semaphore(%arg11 : memref<!tpu.dma_semaphore, #tpu.memory_space<semaphore_mem>>) src(%dma_wait3A_107 : memref<10000x128xf32, #tpu.memory_space<hbm>>) dst(%dma_wait3A_101 : memref<128x128xf32, #tpu.memory_space<vmem>>)
      %run_scoped3A_108 = arith.constant 2 : i32
      "tpu.region"() ({
        %run_scoped3A_110 = tpu.sem_alloc : memref<!tpu.dma_semaphore, #tpu.memory_space<semaphore_mem>>
        %dma_start3A_111 = arith.constant 0 : i32
        %dma_start3A_112 = arith.constant 0 : i32
        %dma_start3A_113 = tpu.memref_slice %arg9[%dma_start3A_111, %dma_start3A_112] : memref<256x128xf32, #tpu.memory_space<vmem>> -> memref<128x128xf32, #tpu.memory_space<vmem>>
        %dma_start3A_114 = arith.constant 0 : i32
        %dma_start3A_115 = tpu.memref_slice %arg7[%run_scoped3A_108, %dma_start3A_114] : memref<4x128xi32, #tpu.memory_space<vmem>> -> memref<1x128xi32, #tpu.memory_space<vmem>>
        %dma_start3A_116 = tpu.memref_squeeze %dma_start3A_115 : memref<1x128xi32, #tpu.memory_space<vmem>> -> memref<128xi32, #tpu.memory_space<vmem>>
        %dma_start3A_117 = arith.constant 0 : i32
        %dma_start3A_118 = arith.constant 0 : i32
        %dma_start3A_119 = tpu.memref_slice %arg10[%dma_start3A_117, %dma_start3A_118] : memref<10008x128xf32, #tpu.memory_space<vmem_shared>> -> memref<10008x128xf32, #tpu.memory_space<vmem_shared>>
        tpu.enqueue_indirect_dma source(%dma_start3A_113 : memref<128x128xf32, #tpu.memory_space<vmem>>) target(%dma_start3A_119 : memref<10008x128xf32, #tpu.memory_space<vmem_shared>>) offsets(%dma_start3A_116 : memref<128xi32, #tpu.memory_space<vmem>>) semaphore(%run_scoped3A_110 : memref<!tpu.dma_semaphore, #tpu.memory_space<semaphore_mem>>) {add = true}
        %dma_wait3A_120 = arith.constant 0 : i32
        %dma_wait3A_121 = arith.constant 0 : i32
        %dma_wait3A_122 = tpu.memref_slice %arg9[%dma_wait3A_120, %dma_wait3A_121] : memref<256x128xf32, #tpu.memory_space<vmem>> -> memref<128x128xf32, #tpu.memory_space<vmem>>
        %dma_wait3A_123 = arith.constant 0 : i32
        %dma_wait3A_124 = tpu.memref_slice %arg7[%run_scoped3A_108, %dma_wait3A_123] : memref<4x128xi32, #tpu.memory_space<vmem>> -> memref<1x128xi32, #tpu.memory_space<vmem>>
        %dma_wait3A_125 = tpu.memref_squeeze %dma_wait3A_124 : memref<1x128xi32, #tpu.memory_space<vmem>> -> memref<128xi32, #tpu.memory_space<vmem>>
        %dma_wait3A_126 = arith.constant 0 : i32
        %dma_wait3A_127 = arith.constant 0 : i32
        %dma_wait3A_128 = tpu.memref_slice %arg10[%dma_wait3A_126, %dma_wait3A_127] : memref<10008x128xf32, #tpu.memory_space<vmem_shared>> -> memref<10008x128xf32, #tpu.memory_space<vmem_shared>>
        tpu.wait_indirect_dma semaphore(%run_scoped3A_110 : memref<!tpu.dma_semaphore, #tpu.memory_space<semaphore_mem>>) src(%dma_wait3A_122 : memref<128x128xf32, #tpu.memory_space<vmem>>) dst(%dma_wait3A_128 : memref<10008x128xf32, #tpu.memory_space<vmem_shared>>)
        tpu.yield
      }) : () -> ()
      %run_scoped3A_109 = arith.constant 3 : i32
      "tpu.region"() ({
        %run_scoped3A_110 = tpu.sem_alloc : memref<!tpu.dma_semaphore, #tpu.memory_space<semaphore_mem>>
        %dma_start3A_111 = arith.constant 128 : i32
        %dma_start3A_112 = arith.constant 0 : i32
        %dma_start3A_113 = tpu.memref_slice %arg9[%dma_start3A_111, %dma_start3A_112] : memref<256x128xf32, #tpu.memory_space<vmem>> -> memref<128x128xf32, #tpu.memory_space<vmem>>
        %dma_start3A_114 = arith.constant 0 : i32
        %dma_start3A_115 = tpu.memref_slice %arg7[%run_scoped3A_109, %dma_start3A_114] : memref<4x128xi32, #tpu.memory_space<vmem>> -> memref<1x128xi32, #tpu.memory_space<vmem>>
        %dma_start3A_116 = tpu.memref_squeeze %dma_start3A_115 : memref<1x128xi32, #tpu.memory_space<vmem>> -> memref<128xi32, #tpu.memory_space<vmem>>
        %dma_start3A_117 = arith.constant 0 : i32
        %dma_start3A_118 = arith.constant 0 : i32
        %dma_start3A_119 = tpu.memref_slice %arg10[%dma_start3A_117, %dma_start3A_118] : memref<10008x128xf32, #tpu.memory_space<vmem_shared>> -> memref<10008x128xf32, #tpu.memory_space<vmem_shared>>
        tpu.enqueue_indirect_dma source(%dma_start3A_113 : memref<128x128xf32, #tpu.memory_space<vmem>>) target(%dma_start3A_119 : memref<10008x128xf32, #tpu.memory_space<vmem_shared>>) offsets(%dma_start3A_116 : memref<128xi32, #tpu.memory_space<vmem>>) semaphore(%run_scoped3A_110 : memref<!tpu.dma_semaphore, #tpu.memory_space<semaphore_mem>>) {add = true}
        %dma_wait3A_120 = arith.constant 128 : i32
        %dma_wait3A_121 = arith.constant 0 : i32
        %dma_wait3A_122 = tpu.memref_slice %arg9[%dma_wait3A_120, %dma_wait3A_121] : memref<256x128xf32, #tpu.memory_space<vmem>> -> memref<128x128xf32, #tpu.memory_space<vmem>>
        %dma_wait3A_123 = arith.constant 0 : i32
        %dma_wait3A_124 = tpu.memref_slice %arg7[%run_scoped3A_109, %dma_wait3A_123] : memref<4x128xi32, #tpu.memory_space<vmem>> -> memref<1x128xi32, #tpu.memory_space<vmem>>
        %dma_wait3A_125 = tpu.memref_squeeze %dma_wait3A_124 : memref<1x128xi32, #tpu.memory_space<vmem>> -> memref<128xi32, #tpu.memory_space<vmem>>
        %dma_wait3A_126 = arith.constant 0 : i32
        %dma_wait3A_127 = arith.constant 0 : i32
        %dma_wait3A_128 = tpu.memref_slice %arg10[%dma_wait3A_126, %dma_wait3A_127] : memref<10008x128xf32, #tpu.memory_space<vmem_shared>> -> memref<10008x128xf32, #tpu.memory_space<vmem_shared>>
        tpu.wait_indirect_dma semaphore(%run_scoped3A_110 : memref<!tpu.dma_semaphore, #tpu.memory_space<semaphore_mem>>) src(%dma_wait3A_122 : memref<128x128xf32, #tpu.memory_space<vmem>>) dst(%dma_wait3A_128 : memref<10008x128xf32, #tpu.memory_space<vmem_shared>>)
        tpu.yield
      }) : () -> ()
    }
    %barrier3A_21 = arith.constant 0 : index
    tpu.barrier barrier_id(%barrier3A_21)
    %mul3A_22 = arith.constant 10008 : i32
    %mul3A_23 = arith.muli %arg0, %mul3A_22 : i32
    %add3A_24 = arith.addi %mul3A_23, %min3A_1 : i32
    "tpu.region"() ({
      %run_scoped3A = tpu.sem_alloc : memref<!tpu.dma_semaphore, #tpu.memory_space<semaphore_mem>>
      %dma_start3A = arith.constant 0 : i32
      %dma_start3A_25 = tpu.memref_slice %arg6[%add3A_24, %dma_start3A] : memref<20016x128xf32, #tpu.memory_space<hbm>> -> memref<632x128xf32, #tpu.memory_space<hbm>>
      %dma_start3A_26 = arith.constant 0 : i32
      %dma_start3A_27 = tpu.memref_slice %arg10[%min3A_1, %dma_start3A_26] : memref<10008x128xf32, #tpu.memory_space<vmem_shared>> -> memref<632x128xf32, #tpu.memory_space<vmem_shared>>
      tpu.enqueue_dma source(%dma_start3A_27 : memref<632x128xf32, #tpu.memory_space<vmem_shared>>) target(%dma_start3A_25 : memref<632x128xf32, #tpu.memory_space<hbm>>) target_semaphore(%run_scoped3A : memref<!tpu.dma_semaphore, #tpu.memory_space<semaphore_mem>>)
      %dma_wait3A = arith.constant 0 : i32
      %dma_wait3A_28 = tpu.memref_slice %arg6[%add3A_24, %dma_wait3A] : memref<20016x128xf32, #tpu.memory_space<hbm>> -> memref<632x128xf32, #tpu.memory_space<hbm>>
      %dma_wait3A_29 = arith.constant 0 : i32
      %dma_wait3A_30 = tpu.memref_slice %arg10[%min3A_1, %dma_wait3A_29] : memref<10008x128xf32, #tpu.memory_space<vmem_shared>> -> memref<632x128xf32, #tpu.memory_space<vmem_shared>>
      tpu.wait_dma2 semaphore(%run_scoped3A : memref<!tpu.dma_semaphore, #tpu.memory_space<semaphore_mem>>) src(%dma_wait3A_30 : memref<632x128xf32, #tpu.memory_space<vmem_shared>>) dst(%dma_wait3A_28 : memref<632x128xf32, #tpu.memory_space<hbm>>)
      tpu.yield
    }) : () -> ()
    return
  }
}

module attributes {stable_mosaic.version = 14 : i64} {
  func.func @_tc_linear_body(%arg0: i32, %arg1: memref<1000x128xf32, #tpu.memory_space<vmem>>, %arg2: memref<2x1000x128xf32, #tpu.memory_space<vmem>>, %arg3: memref<2x1000x128xf32, #tpu.memory_space<vmem>>, %arg4: memref<256x128xf32, #tpu.memory_space<vmem>>, %arg5: memref<1x128xf32, #tpu.memory_space<vmem>>, %arg6: memref<1000x128xf32, #tpu.memory_space<vmem>>) attributes {dimension_semantics = [#tpu.dimension_semantics<arbitrary>], iteration_bounds = array<i64: 10>, scalar_prefetch = 0 : i64, scratch_operands = 0 : i64, tpu.core_type = #tpu.core_type<tc>, window_params = [{transform_indices = @transform_0, window_bounds = array<i64: 1000, 128>}, {transform_indices = @transform_1, window_bounds = array<i64: 2, 1000, 128>}, {transform_indices = @transform_2, window_bounds = array<i64: 2, 1000, 128>}, {pipeline_mode = #tpu.pipeline_mode<synchronous>, transform_indices = @transform_3, window_bounds = array<i64: 256, 128>}, {pipeline_mode = #tpu.pipeline_mode<synchronous>, transform_indices = @transform_4, window_bounds = array<i64: 1, 128>}, {transform_indices = @transform_5, window_bounds = array<i64: 1000, 128>}]} {
    %get3A = arith.constant 0 : index
    %get3A_0 = arith.constant 0 : index
    %get3A_1 = vector.load %arg1[%get3A, %get3A_0] : memref<1000x128xf32, #tpu.memory_space<vmem>>, vector<1000x128xf32>
    %get3A_2 = arith.constant 0 : index
    %get3A_3 = arith.constant 0 : index
    %get3A_4 = arith.constant 0 : index
    %get3A_5 = vector.load %arg2[%get3A_2, %get3A_3, %get3A_4] : memref<2x1000x128xf32, #tpu.memory_space<vmem>>, vector<1x1000x128xf32>
    %get3A_6 = vector.shape_cast %get3A_5 : vector<1x1000x128xf32> to vector<1000x128xf32>
    %get3A_7 = arith.constant 1 : index
    %get3A_8 = arith.constant 0 : index
    %get3A_9 = arith.constant 0 : index
    %get3A_10 = vector.load %arg2[%get3A_7, %get3A_8, %get3A_9] : memref<2x1000x128xf32, #tpu.memory_space<vmem>>, vector<1x1000x128xf32>
    %get3A_11 = vector.shape_cast %get3A_10 : vector<1x1000x128xf32> to vector<1000x128xf32>
    %add3A = arith.addf %get3A_6, %get3A_11 : vector<1000x128xf32>
    %get3A_12 = arith.constant 0 : index
    %get3A_13 = arith.constant 0 : index
    %get3A_14 = arith.constant 0 : index
    %get3A_15 = vector.load %arg3[%get3A_12, %get3A_13, %get3A_14] : memref<2x1000x128xf32, #tpu.memory_space<vmem>>, vector<2x1000x128xf32>
    %slice3A = vector.extract_strided_slice %get3A_15 {offsets = [0, 0, 0], sizes = [1, 1000, 1], strides = [1, 1, 1]} : vector<2x1000x128xf32> to vector<1x1000x1xf32>
    %squeeze3A = vector.shape_cast %slice3A : vector<1x1000x1xf32> to vector<1000xf32>
    %slice3A_16 = vector.extract_strided_slice %get3A_15 {offsets = [1, 0, 0], sizes = [1, 1000, 1], strides = [1, 1, 1]} : vector<2x1000x128xf32> to vector<1x1000x1xf32>
    %squeeze3A_17 = vector.shape_cast %slice3A_16 : vector<1x1000x1xf32> to vector<1000xf32>
    %add3A_18 = arith.addf %squeeze3A, %squeeze3A_17 : vector<1000xf32>
    %max3A = arith.constant 1.000000e+00 : f32
    %max3A_19 = vector.broadcast %max3A : f32 to vector<1000xf32>
    %max3A_20 = arith.maximumf %add3A_18, %max3A_19 : vector<1000xf32>
    %broadcast_in_dim3A = vector.shape_cast %max3A_20 : vector<1000xf32> to vector<1000x1xf32>
    %div3A = vector.broadcast %broadcast_in_dim3A : vector<1000x1xf32> to vector<1000x128xf32>
    %div3A_21 = arith.divf %add3A, %div3A : vector<1000x128xf32>
    %gt3A = arith.constant 0.000000e+00 : f32
    %gt3A_22 = vector.broadcast %gt3A : f32 to vector<1000xf32>
    %gt3A_23 = arith.cmpf ogt, %add3A_18, %gt3A_22 : vector<1000xf32>
    %broadcast_in_dim3A_24 = vector.shape_cast %gt3A_23 : vector<1000xi1> to vector<1000x1xi1>
    %broadcast_in_dim3A_25 = vector.shape_cast %broadcast_in_dim3A_24 : vector<1000x1xi1> to vector<1000x1xi1>
    %broadcast_in_dim3A_26 = vector.broadcast %broadcast_in_dim3A_25 : vector<1000x1xi1> to vector<1000x128xi1>
    %select_n3A = arith.select %broadcast_in_dim3A_26, %div3A_21, %get3A_1 : vector<1000x128xi1>, vector<1000x128xf32>
    %get3A_27 = arith.constant 0 : index
    %get3A_28 = arith.constant 0 : index
    %get3A_29 = vector.load %arg4[%get3A_27, %get3A_28] : memref<256x128xf32, #tpu.memory_space<vmem>>, vector<128x128xf32>
    %dot_general3A = arith.constant dense<0.000000e+00> : vector<1000x128xf32>
    %dot_general3A_30 = tpu.matmul %get3A_1, %get3A_29, %dot_general3A {dimension_numbers = #tpu.dot_dimension_numbers<[1], [0], [0], [1], [0, 0, 1, 1], [], []>, transpose_lhs_hint = false} : vector<1000x128xf32>, vector<128x128xf32>, vector<1000x128xf32> -> vector<1000x128xf32>
    %get3A_31 = arith.constant 128 : index
    %get3A_32 = arith.constant 0 : index
    %get3A_33 = vector.load %arg4[%get3A_31, %get3A_32] : memref<256x128xf32, #tpu.memory_space<vmem>>, vector<128x128xf32>
    %dot_general3A_34 = arith.constant dense<0.000000e+00> : vector<1000x128xf32>
    %dot_general3A_35 = tpu.matmul %select_n3A, %get3A_33, %dot_general3A_34 {dimension_numbers = #tpu.dot_dimension_numbers<[1], [0], [0], [1], [0, 0, 1, 1], [], []>, transpose_lhs_hint = false} : vector<1000x128xf32>, vector<128x128xf32>, vector<1000x128xf32> -> vector<1000x128xf32>
    %add3A_36 = arith.addf %dot_general3A_30, %dot_general3A_35 : vector<1000x128xf32>
    %get3A_37 = arith.constant 0 : index
    %get3A_38 = arith.constant 0 : index
    %get3A_39 = vector.load %arg5[%get3A_37, %get3A_38] : memref<1x128xf32, #tpu.memory_space<vmem>>, vector<1x128xf32>
    %add3A_40 = vector.broadcast %get3A_39 : vector<1x128xf32> to vector<1000x128xf32>
    %add3A_41 = arith.addf %add3A_36, %add3A_40 : vector<1000x128xf32>
    %max3A_42 = arith.constant 0.000000e+00 : f32
    %max3A_43 = vector.broadcast %max3A_42 : f32 to vector<1000x128xf32>
    %max3A_44 = arith.maximumf %add3A_41, %max3A_43 : vector<1000x128xf32>
    %swap3A = arith.constant 0 : index
    %swap3A_45 = arith.constant 0 : index
    %swap3A_46 = vector.load %arg6[%swap3A, %swap3A_45] : memref<1000x128xf32, #tpu.memory_space<vmem>>, vector<1000x128xf32>
    tpu.vector_store %arg6[%swap3A, %swap3A_45], %max3A_44 {strides = array<i32>} : memref<1000x128xf32, #tpu.memory_space<vmem>>, vector<1000x128xf32>,
    return
  }
  func.func @transform_0(%arg0: i32) -> (i32, i32) {
    %c0_i32 = arith.constant 0 : i32
    %c0_i32_0 = arith.constant 0 : i32
    return %arg0, %c0_i32 : i32, i32
  }
  func.func @transform_1(%arg0: i32) -> (i32, i32, i32) {
    %c0_i32 = arith.constant 0 : i32
    %c0_i32_0 = arith.constant 0 : i32
    %c0_i32_1 = arith.constant 0 : i32
    return %c0_i32, %arg0, %c0_i32_0 : i32, i32, i32
  }
  func.func @transform_2(%arg0: i32) -> (i32, i32, i32) {
    %c0_i32 = arith.constant 0 : i32
    %c0_i32_0 = arith.constant 0 : i32
    %c0_i32_1 = arith.constant 0 : i32
    return %c0_i32, %arg0, %c0_i32_0 : i32, i32, i32
  }
  func.func @transform_3(%arg0: i32) -> (i32, i32) {
    %c0_i32 = arith.constant 0 : i32
    %c0_i32_0 = arith.constant 0 : i32
    %c0_i32_1 = arith.constant 0 : i32
    return %c0_i32, %c0_i32_0 : i32, i32
  }
  func.func @transform_4(%arg0: i32) -> (i32, i32) {
    %c0_i32 = arith.constant 0 : i32
    %c0_i32_0 = arith.constant 0 : i32
    %c0_i32_1 = arith.constant 0 : i32
    return %c0_i32, %c0_i32_0 : i32, i32
  }
  func.func @transform_5(%arg0: i32) -> (i32, i32) {
    %c0_i32 = arith.constant 0 : i32
    %c0_i32_0 = arith.constant 0 : i32
    return %arg0, %c0_i32 : i32, i32
  }
}

module attributes {stable_mosaic.version = 14 : i64} {
  func.func @_tc_linear_body(%arg0: i32, %arg1: memref<1000x128xf32, #tpu.memory_space<vmem>>, %arg2: memref<2x1000x128xf32, #tpu.memory_space<vmem>>, %arg3: memref<2x1000x128xf32, #tpu.memory_space<vmem>>, %arg4: memref<256x128xf32, #tpu.memory_space<vmem>>, %arg5: memref<1x128xf32, #tpu.memory_space<vmem>>, %arg6: memref<1000x128xf32, #tpu.memory_space<vmem>>) attributes {dimension_semantics = [#tpu.dimension_semantics<arbitrary>], iteration_bounds = array<i64: 10>, scalar_prefetch = 0 : i64, scratch_operands = 0 : i64, tpu.core_type = #tpu.core_type<tc>, window_params = [{transform_indices = @transform_0, window_bounds = array<i64: 1000, 128>}, {transform_indices = @transform_1, window_bounds = array<i64: 2, 1000, 128>}, {transform_indices = @transform_2, window_bounds = array<i64: 2, 1000, 128>}, {pipeline_mode = #tpu.pipeline_mode<synchronous>, transform_indices = @transform_3, window_bounds = array<i64: 256, 128>}, {pipeline_mode = #tpu.pipeline_mode<synchronous>, transform_indices = @transform_4, window_bounds = array<i64: 1, 128>}, {transform_indices = @transform_5, window_bounds = array<i64: 1000, 128>}]} {
    %get3A = arith.constant 0 : index
    %get3A_0 = arith.constant 0 : index
    %get3A_1 = vector.load %arg1[%get3A, %get3A_0] : memref<1000x128xf32, #tpu.memory_space<vmem>>, vector<1000x128xf32>
    %get3A_2 = arith.constant 0 : index
    %get3A_3 = arith.constant 0 : index
    %get3A_4 = arith.constant 0 : index
    %get3A_5 = vector.load %arg2[%get3A_2, %get3A_3, %get3A_4] : memref<2x1000x128xf32, #tpu.memory_space<vmem>>, vector<1x1000x128xf32>
    %get3A_6 = vector.shape_cast %get3A_5 : vector<1x1000x128xf32> to vector<1000x128xf32>
    %get3A_7 = arith.constant 1 : index
    %get3A_8 = arith.constant 0 : index
    %get3A_9 = arith.constant 0 : index
    %get3A_10 = vector.load %arg2[%get3A_7, %get3A_8, %get3A_9] : memref<2x1000x128xf32, #tpu.memory_space<vmem>>, vector<1x1000x128xf32>
    %get3A_11 = vector.shape_cast %get3A_10 : vector<1x1000x128xf32> to vector<1000x128xf32>
    %add3A = arith.addf %get3A_6, %get3A_11 : vector<1000x128xf32>
    %get3A_12 = arith.constant 0 : index
    %get3A_13 = arith.constant 0 : index
    %get3A_14 = arith.constant 0 : index
    %get3A_15 = vector.load %arg3[%get3A_12, %get3A_13, %get3A_14] : memref<2x1000x128xf32, #tpu.memory_space<vmem>>, vector<2x1000x128xf32>
    %slice3A = vector.extract_strided_slice %get3A_15 {offsets = [0, 0, 0], sizes = [1, 1000, 1], strides = [1, 1, 1]} : vector<2x1000x128xf32> to vector<1x1000x1xf32>
    %squeeze3A = vector.shape_cast %slice3A : vector<1x1000x1xf32> to vector<1000xf32>
    %slice3A_16 = vector.extract_strided_slice %get3A_15 {offsets = [1, 0, 0], sizes = [1, 1000, 1], strides = [1, 1, 1]} : vector<2x1000x128xf32> to vector<1x1000x1xf32>
    %squeeze3A_17 = vector.shape_cast %slice3A_16 : vector<1x1000x1xf32> to vector<1000xf32>
    %add3A_18 = arith.addf %squeeze3A, %squeeze3A_17 : vector<1000xf32>
    %max3A = arith.constant 1.000000e+00 : f32
    %max3A_19 = vector.broadcast %max3A : f32 to vector<1000xf32>
    %max3A_20 = arith.maximumf %add3A_18, %max3A_19 : vector<1000xf32>
    %broadcast_in_dim3A = vector.shape_cast %max3A_20 : vector<1000xf32> to vector<1000x1xf32>
    %div3A = vector.broadcast %broadcast_in_dim3A : vector<1000x1xf32> to vector<1000x128xf32>
    %div3A_21 = arith.divf %add3A, %div3A : vector<1000x128xf32>
    %gt3A = arith.constant 0.000000e+00 : f32
    %gt3A_22 = vector.broadcast %gt3A : f32 to vector<1000xf32>
    %gt3A_23 = arith.cmpf ogt, %add3A_18, %gt3A_22 : vector<1000xf32>
    %broadcast_in_dim3A_24 = vector.shape_cast %gt3A_23 : vector<1000xi1> to vector<1000x1xi1>
    %broadcast_in_dim3A_25 = vector.shape_cast %broadcast_in_dim3A_24 : vector<1000x1xi1> to vector<1000x1xi1>
    %broadcast_in_dim3A_26 = vector.broadcast %broadcast_in_dim3A_25 : vector<1000x1xi1> to vector<1000x128xi1>
    %select_n3A = arith.select %broadcast_in_dim3A_26, %div3A_21, %get3A_1 : vector<1000x128xi1>, vector<1000x128xf32>
    %get3A_27 = arith.constant 0 : index
    %get3A_28 = arith.constant 0 : index
    %get3A_29 = vector.load %arg4[%get3A_27, %get3A_28] : memref<256x128xf32, #tpu.memory_space<vmem>>, vector<128x128xf32>
    %dot_general3A = arith.constant dense<0.000000e+00> : vector<1000x128xf32>
    %dot_general3A_30 = tpu.matmul %get3A_1, %get3A_29, %dot_general3A {dimension_numbers = #tpu.dot_dimension_numbers<[1], [0], [0], [1], [0, 0, 1, 1], [], []>, transpose_lhs_hint = false} : vector<1000x128xf32>, vector<128x128xf32>, vector<1000x128xf32> -> vector<1000x128xf32>
    %get3A_31 = arith.constant 128 : index
    %get3A_32 = arith.constant 0 : index
    %get3A_33 = vector.load %arg4[%get3A_31, %get3A_32] : memref<256x128xf32, #tpu.memory_space<vmem>>, vector<128x128xf32>
    %dot_general3A_34 = arith.constant dense<0.000000e+00> : vector<1000x128xf32>
    %dot_general3A_35 = tpu.matmul %select_n3A, %get3A_33, %dot_general3A_34 {dimension_numbers = #tpu.dot_dimension_numbers<[1], [0], [0], [1], [0, 0, 1, 1], [], []>, transpose_lhs_hint = false} : vector<1000x128xf32>, vector<128x128xf32>, vector<1000x128xf32> -> vector<1000x128xf32>
    %add3A_36 = arith.addf %dot_general3A_30, %dot_general3A_35 : vector<1000x128xf32>
    %get3A_37 = arith.constant 0 : index
    %get3A_38 = arith.constant 0 : index
    %get3A_39 = vector.load %arg5[%get3A_37, %get3A_38] : memref<1x128xf32, #tpu.memory_space<vmem>>, vector<1x128xf32>
    %add3A_40 = vector.broadcast %get3A_39 : vector<1x128xf32> to vector<1000x128xf32>
    %add3A_41 = arith.addf %add3A_36, %add3A_40 : vector<1000x128xf32>
    %max3A_42 = arith.constant 0.000000e+00 : f32
    %max3A_43 = vector.broadcast %max3A_42 : f32 to vector<1000x128xf32>
    %max3A_44 = arith.maximumf %add3A_41, %max3A_43 : vector<1000x128xf32>
    %swap3A = arith.constant 0 : index
    %swap3A_45 = arith.constant 0 : index
    %swap3A_46 = vector.load %arg6[%swap3A, %swap3A_45] : memref<1000x128xf32, #tpu.memory_space<vmem>>, vector<1000x128xf32>
    tpu.vector_store %arg6[%swap3A, %swap3A_45], %max3A_44 {strides = array<i32>} : memref<1000x128xf32, #tpu.memory_space<vmem>>, vector<1000x128xf32>,
    return
  }
  func.func @transform_0(%arg0: i32) -> (i32, i32) {
    %c0_i32 = arith.constant 0 : i32
    %c0_i32_0 = arith.constant 0 : i32
    return %arg0, %c0_i32 : i32, i32
  }
  func.func @transform_1(%arg0: i32) -> (i32, i32, i32) {
    %c0_i32 = arith.constant 0 : i32
    %c0_i32_0 = arith.constant 0 : i32
    %c0_i32_1 = arith.constant 0 : i32
    return %c0_i32, %arg0, %c0_i32_0 : i32, i32, i32
  }
  func.func @transform_2(%arg0: i32) -> (i32, i32, i32) {
    %c0_i32 = arith.constant 0 : i32
    %c0_i32_0 = arith.constant 0 : i32
    %c0_i32_1 = arith.constant 0 : i32
    return %c0_i32, %arg0, %c0_i32_0 : i32, i32, i32
  }
  func.func @transform_3(%arg0: i32) -> (i32, i32) {
    %c0_i32 = arith.constant 0 : i32
    %c0_i32_0 = arith.constant 0 : i32
    %c0_i32_1 = arith.constant 0 : i32
    return %c0_i32, %c0_i32_0 : i32, i32
  }
  func.func @transform_4(%arg0: i32) -> (i32, i32) {
    %c0_i32 = arith.constant 0 : i32
    %c0_i32_0 = arith.constant 0 : i32
    %c0_i32_1 = arith.constant 0 : i32
    return %c0_i32, %c0_i32_0 : i32, i32
  }
  func.func @transform_5(%arg0: i32) -> (i32, i32) {
    %c0_i32 = arith.constant 0 : i32
    %c0_i32_0 = arith.constant 0 : i32
    return %arg0, %c0_i32 : i32, i32
  }
}

</mosaic_0001>

<sc_bundles>
// kernel: kernel.10.cloned.1.call-start
scs
__scs_entry_jumppad:
0x0: {  	(pc) =	sbr.rel $0x88, $3  }
0x1: {  	(tag) =	ssettag $0x0;
	lr =	simm.s32 $0x1  }
0x2: {  	[smem:$0x3F9B] =	sst lr;
	_ =	strace $0xD0000000  }
0x3: {  	_ = 	snop  }
0x4: {  	_ = 	snop  }
0x5: {  	_ = 	snop  }
0x6: {  	_ = 	snop  }
0x7: {  	_ = 	snop  }
__scs_overlays_trampoline_lowered:
0x8: {  	[smem:$0x3FAA] =	sst s0  }
0x9: {  	[smem:$0x3FAB] =	sst s1  }
0xa: {  	[smem:$0x3FAC] =	sst s2  }
0xb: {  	[smem:$0x3FAD] =	sst s3  }
0xc: {  	[smem:$0x3FAE] =	sst s4  }
0xd: {  	[smem:$0x3FAF] =	sst s5  }
0xe: {  	[smem:$0x3FB0] =	sst s6  }
0xf: {  	[smem:$0x3FB1] =	sst s7  }
0x10: {  	[smem:$0x3FB2] =	sst s8  }
0x11: {  	[smem:$0x3FB3] =	sst s9;
	s0 =	simm.s32 @!p0 $0x0  }
0x12: {  	s1 =	sld [smem:$0x3F99];
	s0 =	simm.s32 @p0 $0x1  }
0x13: {  	[smem:$0x3FB4] =	sst s0;
	s0 =	simm.s32 @!p1 $0x0  }
0x14: {  	s2 =	sld [smem:$0x3F98];
	s0 =	simm.s32 @p1 $0x1  }
0x15: {  	[smem:$0x3FB5] =	sst s0;
	s0 =	simm.s32 @!p2 $0x0  }
0x16: {  	s3 =	sld [smem:$0x3FDB];
	s0 =	simm.s32 @p2 $0x1  }
0x17: {  	s4 =	simm.s32 $0x1BF5;
	[smem:$0x3FB7] =	sst s0  }
0x18: {  	s0 =	sld [smem:$0x3F9A];
	_ =	swait.ge [sflag:s4], $0x0  }
0x19: {  	s7 =	sld [smem:$0x3F9B]  }
0x1a: {  	s8 =	sadd.s32 $0xFFFFE003, lr  }
0x1b: {  	s9 =	sadd.s32 $0xFFFFFEF7, lr;
	s5 =	simm.s32 $0xFFFFFFFF;
	p2 =	slt.u32 s8, $0xFFFFF086  }
0x1c: {  	p1 =	slt.u32 s9, $0xF7A;
	s5 =	simm.s32 @!p2 $0x0  }
0x1d: {  	s5 =	simm.s32 @p1 $0x1;
	p0 =	seq.s32 s7, s2  }
0x1e: {  	s7 =	smul.u32 @!p0 $0xF7A, s2;
	p2 =	seq.s32 @!p0 s5, $0x0  }
0x1f: {  	s9 =	smul.u32 $0xF7A, s1;
	s8 =	simm.s32 @!p0 $0x1BF5;
	p2 =	por !p2, p0  }
0x20: {  	[sflag:s8] =	ssyncset.s32 @!p0 $0xFFFFF086;
	s6 =	sadd.s32 @!p0 s3, s7;
	s7 =	simm.s32 @!p0 $0x108  }
0x21: {  	s3 =	sadd.s32 s3, s9;
	s6 =	sadd.s32 @!p0 $0x88, s6;
	s7 =	simm.s32 @p2 $0x1082  }
0x22: {  	[simem:s7], [sflag:s8] =	dma.local @!p0 [hbm:s6], $0xF7A  }
0x23: {  	s9 =	sor.u32 $0xD0000000, s2;
	s6 =	simm.s32 $0x108;
	_ =	swait.ge @!p0 [sflag:s8], $0x0  }
0x24: {  	s3 =	sadd.s32 $0x88, s3;
	s6 =	simm.s32 @!p1 $0x1082;
	[sflag:s4] =	ssyncset.s32 $0xFFFFF086  }
0x25: {  	[simem:s6], [sflag:s4] =	dma.local [hbm:s3], $0xF7A  }
0x26: {  	[smem:$0x3F9B] =	sst s1;
	(tag) =	ssettag s2;
	_ =	strace s9  }
0x27: {  	s1 =	sld [smem:$0x3FAB]  }
0x28: {  	s2 =	sld [smem:$0x3FAC]  }
0x29: {  	s4 =	sld [smem:$0x3FAE]  }
0x2a: {  	p0 =	seq.s32 s5, $0x0;
	s5 =	sld [smem:$0x3FAF]  }
0x2b: {  	s6 =	sld [smem:$0x3FB0]  }
0x2c: {  	s7 =	sld [smem:$0x3FB1]  }
0x2d: {  	s3 =	simm.s32 $0x108;
	s8 =	sld [smem:$0x3FB2]  }
0x2e: {  	s3 =	simm.s32 @!p0 $0x1082;
	s9 =	sld [smem:$0x3FB3]  }
0x2f: {  	lr =	sadd.s32 s0, s3;
	s0 =	sld [smem:$0x3FAA]  }
0x30: {  	s3 =	sld [smem:$0x3FAD]  }
0x31: {  	[smem:$0x3FB6] =	sst s10  }
0x32: {  	s10 =	sld [smem:$0x3FB4];
	_ =	sdelay $0x3  }
0x33: {  	p0 =	seq.s32 s10, $0x1;
	s10 =	sld [smem:$0x3FB6];
	_ =	sdelay $0x3  }
0x34: {  	[smem:$0x3FB6] =	sst s10  }
0x35: {  	s10 =	sld [smem:$0x3FB5];
	_ =	sdelay $0x3  }
0x36: {  	p1 =	seq.s32 s10, $0x1;
	s10 =	sld [smem:$0x3FB6];
	_ =	sdelay $0x3  }
0x37: {  	[smem:$0x3FB6] =	sst s10  }
0x38: {  	s10 =	sld [smem:$0x3FB7]  }
0x39: {  	_ = 	snop;
	(pc) =	sbr.ind lr, $3  }
0x3a: {  	_ = 	snop  }
0x3b: {  	_ = 	snop  }
0x3c: {  	p2 =	seq.s32 s10, $0x1;
	s10 =	sld [smem:$0x3FB6]  }
0x3d: {  	_ =	shalt  }
0x3e: {  	_ =	shalt  }
0x3f: {  	_ =	shalt  }
0x40: {  	_ =	shalt  }
0x41: {  	_ =	shalt  }
0x42: {  	_ =	shalt  }
0x43: {  	_ =	shalt  }
0x44: {  	_ =	shalt  }
0x45: {  	_ =	shalt  }
0x46: {  	_ =	shalt  }
0x47: {  	_ =	shalt  }
0x48: {  	_ =	shalt  }
0x49: {  	_ =	shalt  }
0x4a: {  	_ =	shalt  }
0x4b: {  	_ =	shalt  }
0x4c: {  	_ =	shalt  }
0x4d: {  	_ =	shalt  }
0x4e: {  	_ =	shalt  }
0x4f: {  	_ =	shalt  }
0x50: {  	_ =	shalt  }
0x51: {  	_ =	shalt  }
0x52: {  	_ =	shalt  }
0x53: {  	_ =	shalt  }
0x54: {  	_ =	shalt  }
0x55: {  	_ =	shalt  }
0x56: {  	_ =	shalt  }
0x57: {  	_ =	shalt  }
0x58: {  	_ =	shalt  }
0x59: {  	_ =	shalt  }
0x5a: {  	_ =	shalt  }
0x5b: {  	_ =	shalt  }
0x5c: {  	_ =	shalt  }
0x5d: {  	_ =	shalt  }
0x5e: {  	_ =	shalt  }
0x5f: {  	_ =	shalt  }
0x60: {  	_ =	shalt  }
0x61: {  	_ =	shalt  }
0x62: {  	_ =	shalt  }
0x63: {  	_ =	shalt  }
0x64: {  	_ =	shalt  }
0x65: {  	_ =	shalt  }
0x66: {  	_ =	shalt  }
0x67: {  	_ =	shalt  }
0x68: {  	_ =	shalt  }
0x69: {  	_ =	shalt  }
0x6a: {  	_ =	shalt  }
0x6b: {  	_ =	shalt  }
0x6c: {  	_ =	shalt  }
0x6d: {  	_ =	shalt  }
0x6e: {  	_ =	shalt  }
0x6f: {  	_ =	shalt  }
0x70: {  	_ =	shalt  }
0x71: {  	_ =	shalt  }
0x72: {  	_ =	shalt  }
0x73: {  	_ =	shalt  }
0x74: {  	_ =	shalt  }
0x75: {  	_ =	shalt  }
0x76: {  	_ =	shalt  }
0x77: {  	_ =	shalt  }
0x78: {  	_ =	shalt  }
0x79: {  	_ =	shalt  }
0x7a: {  	_ =	shalt  }
0x7b: {  	_ =	shalt  }
0x7c: {  	_ =	shalt  }
0x7d: {  	_ =	shalt  }
0x7e: {  	_ =	shalt  }
0x7f: {  	_ =	shalt  }
0x80: {  	_ =	shalt  }
0x81: {  	_ =	shalt  }
0x82: {  	_ =	shalt  }
0x83: {  	_ =	shalt  }
0x84: {  	_ =	shalt  }
0x85: {  	_ =	shalt  }
0x86: {  	_ =	shalt  }
0x87: {  	_ =	shalt  }
.Lfunc_end0:
.L_simem_size_0:
called_computation.1_lowered:
.L_overlay_start_0:
0x88: {  	s2 =	sld [smem:$0x3FD9]  }
0x89: {  	s3 =	sld [smem:$0x3FFE];
	_ =	sdelay $0x1  }
0x8a: {  	s1 =	srdreg.scid  }
0x8b: {  	s0 =	sand.u32 $0x1, s1  }
0x8c: {  	s17 =	sshll.u32 s0, $0xA;
	s2 =	sadd.s32 s3, s2  }
0x8d: {  	s2 =	sadd.s32 s2, s17  }
0x8e: {  	[smem:$0x3FC2] =	sst s2  }
0x8f: {  	_ = 	snop  }
0x90: {  	s2 =	sld [smem:$0x3FC9];
	(tm) =	ssettm $0x1  }
0x91: {  	s18 =	sld [smem:$0x3FFB];
	_ =	sdelay $0x3  }
0x92: {  	_ =	strace s18  }
0x93: {  	s3 =	sld [smem:$0x3FFC];
	_ =	sdelay $0x3  }
0x94: {  	_ =	strace s3  }
0x95: {  	s3 =	sld [smem:$0x3FFD];
	_ =	sdelay $0x3  }
0x96: {  	_ =	strace s3  }
0x97: {  	_ =	strace $0x8FFFFFFF  }
0x98: {  	s19 =	sld [smem:$0x3FDB];
	_ =	sdelay $0x1  }
0x99: {  	s4 =	simm.s32 $_scs_section_size  }
0x9a: {  	s5 =	simm.s32 $_size__tile_overlayer_lowered;
	s6 =	simm.s32 $_tile_overlayer_lowered  }
0x9b: {  	s22 =	simm.s32 $0x1BFF;
	s21 =	sshll.u32 s6, $0x1;
	s3 =	sadd.s32 s4, s19  }
0x9c: {  	s7 =	simm.s32 $0x0;
	s20 =	sshll.u32 s5, $0x1;
	s5 =	sadd.s32 s21, s3  }
0x9d: {  	[timem:s7], [sflag:s22] =	dma.local [hbm:s5], s20  }
0x9e: {  	_ =	swait.ge [sflag:s22], s20  }
0x9f: {  	s4 =	ssub.s32 $0x0, s20;
	[sflag:s22] =	ssyncset.done $0x0  }
0xa0: {  	[sflag:s22] =	ssyncadd.s32 s4;
	_ =	sdelay $0x1  }
0xa1: {  	s23 =	simm.s32 $0x1B8B  }
0xa2: {  	_ =	swait.ge [sflag:s23], $0x1  }
0xa3: {  	[sflag:s23] =	ssyncset.done $0x0  }
0xa4: {  	s25 =	simm.s32 $0x1B8E;
	s24 =	sld [smem:$0x3FFE];
	[sflag:s23] =	ssyncadd.s32 $0xFFFFFFFF  }
0xa5: {  	s26 =	simm.s32 $execute0_lowered;
	[smem:$0x3FD2] =	sst s25  }
0xa6: {  	s5 =	sshll.u32 s26, $0x1;
	_ =	strace $0x80000046;
	[dreg:$0x1] =	wrdreg $0xFFFFFFFF  }
0xa7: {  	s28 =	simm.s32 $_size_execute0_lowered;
	s3 =	sadd.s32 s3, s5;
	[dreg:$0x0] =	wrdreg $0x0  }
0xa8: {  	s5 =	sshll.u32 s28, $0x1;
	[dreg:$0x2] =	wrdreg s3  }
0xa9: {  	[dreg:$0x3] =	wrdreg s5  }
0xaa: {  	[dreg:$0x4] =	wrdreg $0xC0  }
0xab: {  	_ =	task [dreg:s7], $0x5FFFF  }
0xac: {  	[dreg:$0x1] =	wrdreg $0xFFFFFFFF  }
0xad: {  	[dreg:$0x0] =	wrdreg $0x60  }
0xae: {  	[dreg:$0x2] =	wrdreg s24  }
0xaf: {  	[dreg:$0x3] =	wrdreg s2  }
0xb0: {  	[dreg:$0x4] =	wrdreg $0x84000  }
0xb1: {  	[dreg:$0x5] =	wrdreg $0xA  }
0xb2: {  	_ =	task.clear_ibuf [dreg:s7], $0x6FFFF;
	_ =	strace $0x90000046  }
0xb3: {  	s29 =	simm.s32 $0xA;
	_ =	strace $0x80000048  }
0xb4: {  	_ =	swait.ge [sflag:s29], $0x1  }
0xb5: {  	[sflag:s29] =	ssyncadd.s32 $0xFFFFFFFF  }
0xb6: {  	_ =	strace $0x90000048  }
0xb7: {  	_ =	sfence  }
0xb8: {  	s30 =	sld [smem:$0x0];
	_ =	sdelay $0x2  }
0xb9: {  	s31 =	sshll.u32 s1, $0xD;
	s1 =	sshrl.u32 s1, $0x2  }
0xba: {  	s3 =	sand.u32 $0x4000, s31;
	s1 =	sadd.s32 s1, s30  }
0xbb: {  	s0 =	sor.u32 s3, s0;
	s1 =	sshll.u32 s1, $0x11  }
0xbc: {  	s0 =	sor.u32 s1, s0  }
0xbd: {  	s0 =	sadd.s32 $0x8F2B, s0  }
0xbe: {  	[sflag:s0] =	ssyncadd.remote.s32 $0x1  }
0xbf: {  	_ =	sfence.sel $0xFFFF  }
0xc0: {  	[dreg:$0x0] =	wrdreg $0xFFFFFFFF;
	(pc) =	sbr.abs _section_cstart, $3  }
0xc1: {  	[dreg:$0x1] =	wrdreg $0xFFFFFFFF  }
0xc2: {  	_ =	task.clear_ibuf [dreg:s7], $0x2FFFF;
	_ =	strace $0x9FFFFFFF  }
0xc3: {  	(tm) =	ssettm $0x7FFFFFFF  }
tec
execute0_lowered:
.L_overlay_start_1:
0x0: {  	(tag) =	ssettag $0x1  }
0x1: {  	s8 =	rddreg [dreg:$0x0]  }
0x2: {  	s2 =	rddreg [dreg:$0x1]  }
0x3: {  	s3 =	rddreg [dreg:$0x2]  }
0x4: {  	s0 =	rddreg [dreg:$0x3]  }
0x5: {  	s5 =	srdreg.scid;
	s1 =	stileid.u32;
	s4 =	simm.s32 $0x0  }
0x6: {  	s15 =	simm.s32 $0x200;
	s16 =	simm.s32 $0x80;
	s17 =	simm.s32 $0x400  }
0x7: {  	s18 =	simm.s32 $0x1;
	s19 =	simm.s32 $0x280;
	s20 =	simm.s32 $0x4400  }
0x8: {  	s21 =	simm.s32 $0x300;
	s22 =	simm.s32 $0x380;
	s23 =	simm.s32 $0x100  }
0x9: {  	s24 =	simm.s32 $0x180;
	s25 =	simm.s32 $0x0;
	s9 =	sand.u32 $0x1, s5  }
0xa: {  	s28 =	smul.u32 $0x278, s1;
	[smem:$0x7FF] =	sst s4;
	s5 =	sadd.s32 $0x15E00, s8  }
0xb: {  	s6 =	sadd.s32 $0x1E00, s8;
	s13 =	smul.u32 $0x38, s1;
	s31 =	sshll.u32 s1, $0x6  }
0xc: {  	s7 =	smul.u32 $0x2718, s9;
	_ =	strace $0x80000047;
	s12 =	ssub.s32 $0x2, s9  }
0xd: {  	p0 =	seq.s32 s9, $0x0;
	s9 =	sor.u32 $0x1C02, s31;
	s10 =	smin.u32 s28, $0x24A0  }
0xe: {  	s29 =	sshrl.u32 s12, $0x1;
	s13 =	sadd.s32 $0x1080, s13;
	s11 =	sadd.s32 s7, s10  }
0xf: {  	s7 =	sadd.s32 $0x29E00, s8;
	s30 =	sshll.u32 s10, $0x7;
	s10 =	smul.u32 $0x108, s1  }
0x10: {  	s12 =	ssub.s32 s12, s29;
	s11 =	sshll.u32 s11, $0x4;
	s14 =	sadd.s32 s30, s3  }
0x11: {  	s11 =	sadd.s32 s11, s8;
	s13 =	smov.u32 @p0 s10;
	s8 =	simm.s32 $0x8400  }
0x12: {  	s12 =	smax.u32 s12, $0x1;
	s8 =	simm.s32 @!p0 $0x1C00;
	s10 =	sshll.u32 s13, $0x7  }
0x13: {  	s11 =	sadd.s32 $0x2C600, s11;
	s13 =	sshrl.u32 s14, $0x3;
	s14 =	simm.s32 $0x2  }
.LBB2_1:
0x14: {  	[spmem:s13], [sflag:s9] =	dma.local [hbm:s7], $0x2780  }
0x15: {  	p1 =	sne.s32 s8, $0x200  }
.Ltmp0:
0x16: {  	_ =	swait.ge [sflag:s14], $0x2780;
	(pc) =	sbr.rel @!p1 .LBB2_4-.Ltmp0, $4  }
0x17: {  	[sflag:s14] =	ssyncset.done $0x0  }
0x18: {  	s26 =	sadd.s32 $0x0, s10;
	[sflag:s14] =	ssyncadd.s32 $0xFFFFD880  }
0x19: {  	s29 =	sand.u32 $0x200, s4;
	s26 =	sand.u32 $0xFFFFFC00, s26;
	[bflag:$0x0] =	sbarrier.arrive $0xFFFF  }
0x1a: {  	s28 =	simm.s32 $0x200;
	p0 =	por $0x0, $0x0;
	s29 =	sor.u32 s29, s26  }
0x1b: {  	s26 =	sshrl.u32 s29, $0x3  }
0x1c: {  	s29 =	sadd.s32 s5, s26  }
0x1d: {  	[tilespmem:s4], [sflag:$0x2] =	stream.linear.gather [hbm4b:s29+s4], $0x200, $0x38;
	[tilespmem:$0x1BCC0] =	vst v63  }
0x1e: {  	_ =	swait.ge [sflag:s14], $0x200  }
0x1f: {  	[sflag:s14] =	ssyncset.done $0x0  }
0x20: {  	s26 =	sadd.s32 s6, s26;
	[sflag:s14] =	ssyncadd.s32 $0xFFFFFE00  }
0x21: {  	[tilespmem:s15], [sflag:$0x2] =	stream.linear.gather [hbm4b:s26+s4], $0x200, $0x38;
	[tilespmem:$0x1BCC0] =	vst v63  }
0x22: {  	_ =	swait.ge [sflag:s14], $0x200  }
0x23: {  	[sflag:s14] =	ssyncset.done $0x0  }
0x24: {  	[sflag:s14] =	ssyncadd.s32 $0xFFFFFE00  }
0x25: {  	[tilespmem:s17], [sflag:$0x1] =	stream.indirect.gather [hbm4b:s2+s16], $0x80, s15, s16, $0xb8;
	[tilespmem:$0x1BCC0] =	vst v63  }
0x26: {  	_ =	swait.ge [sflag:s18], $0x4000  }
0x27: {  	[sflag:s18] =	ssyncset.done $0x0  }
0x28: {  	[sflag:s18] =	ssyncadd.s32 $0xFFFFC000  }
0x29: {  	[tilespmem:s20], [sflag:$0x1] =	stream.indirect.gather [hbm4b:s2+s16], $0x80, s19, s16, $0xb8;
	[tilespmem:$0x1BCC0] =	vst v63  }
0x2a: {  	_ =	swait.ge [sflag:s18], $0x4000  }
0x2b: {  	[sflag:s18] =	ssyncset.done $0x0  }
0x2c: {  	[sflag:s18] =	ssyncadd.s32 $0xFFFFC000  }
0x2d: {  	[spmem:s3] =	stream.indirect.scatter.add.f32 [tilespmem:s17], [sflag:$0x2], $0x80, s4, s16, $0xb8;
	[tilespmem:$0x1BCC0] =	vst v63  }
0x2e: {  	_ =	swait.ge [sflag:s14], $0x4000  }
0x2f: {  	[sflag:s14] =	ssyncset.done $0x0  }
0x30: {  	[sflag:s14] =	ssyncadd.s32 $0xFFFFC000  }
0x31: {  	[spmem:s3] =	stream.indirect.scatter.add.f32 [tilespmem:s20], [sflag:$0x2], $0x80, s16, s16, $0xb8;
	[tilespmem:$0x1BCC0] =	vst v63  }
0x32: {  	_ =	swait.ge [sflag:s14], $0x4000  }
0x33: {  	[sflag:s14] =	ssyncset.done $0x0  }
0x34: {  	[sflag:s14] =	ssyncadd.s32 $0xFFFFC000  }
0x35: {  	[tilespmem:s17], [sflag:$0x1] =	stream.indirect.gather [hbm4b:s2+s16], $0x80, s21, s16, $0xb8;
	[tilespmem:$0x1BCC0] =	vst v63  }
0x36: {  	_ =	swait.ge [sflag:s18], $0x4000  }
0x37: {  	[sflag:s18] =	ssyncset.done $0x0  }
0x38: {  	[sflag:s18] =	ssyncadd.s32 $0xFFFFC000  }
0x39: {  	[tilespmem:s20], [sflag:$0x1] =	stream.indirect.gather [hbm4b:s2+s16], $0x80, s22, s16, $0xb8;
	[tilespmem:$0x1BCC0] =	vst v63  }
0x3a: {  	_ =	swait.ge [sflag:s18], $0x4000  }
0x3b: {  	[sflag:s18] =	ssyncset.done $0x0  }
0x3c: {  	[sflag:s18] =	ssyncadd.s32 $0xFFFFC000  }
0x3d: {  	[spmem:s3] =	stream.indirect.scatter.add.f32 [tilespmem:s17], [sflag:$0x2], $0x80, s23, s16, $0xb8;
	[tilespmem:$0x1BCC0] =	vst v63  }
0x3e: {  	p1 =	sne.s32 s8, $0x400;
	_ =	swait.ge [sflag:s14], $0x4000  }
.Ltmp1:
0x3f: {  	[sflag:s14] =	ssyncset.done $0x0;
	(pc) =	sbr.rel @!p1 .LBB2_4-.Ltmp1, $4  }
0x40: {  	s28 =	sand.u32 $0x200, s28;
	s29 =	sadd.s32 $0x200, s10;
	[sflag:s14] =	ssyncadd.s32 $0xFFFFC000  }
0x41: {  	[spmem:s3] =	stream.indirect.scatter.add.f32 [tilespmem:s20], [sflag:$0x2], $0x80, s24, s16, $0xb8;
	[tilespmem:$0x1BCC0] =	vst v63  }
0x42: {  	p0 =	por $0x1, $0x1;
	s29 =	sand.u32 $0xFFFFFC00, s29;
	_ =	swait.ge [sflag:s14], $0x4000  }
0x43: {  	s29 =	sor.u32 s28, s29;
	s26 =	simm.s32 $0x400;
	[sflag:s14] =	ssyncset.done $0x0  }
.LBB2_3:
0x44: {  	s29 =	sshrl.u32 s29, $0x3  }
0x45: {  	[sflag:s14] =	ssyncadd.s32 $0xFFFFC000;
	s28 =	smov.u32 s26;
	s26 =	sadd.s32 $0x200, s26  }
0x46: {  	p1 =	sne.s32 s8, s26;
	s30 =	sadd.s32 s5, s29  }
0x47: {  	[tilespmem:s4], [sflag:$0x2] =	stream.linear.gather [hbm4b:s30+s4], $0x200, $0x38;
	[tilespmem:$0x1BCC0] =	vst v63  }
0x48: {  	_ =	swait.ge [sflag:s14], $0x200  }
0x49: {  	[sflag:s14] =	ssyncset.done $0x0  }
0x4a: {  	s29 =	sadd.s32 s6, s29;
	[sflag:s14] =	ssyncadd.s32 $0xFFFFFE00  }
0x4b: {  	[tilespmem:s15], [sflag:$0x2] =	stream.linear.gather [hbm4b:s29+s4], $0x200, $0x38;
	[tilespmem:$0x1BCC0] =	vst v63  }
0x4c: {  	_ =	swait.ge [sflag:s14], $0x200  }
0x4d: {  	[sflag:s14] =	ssyncset.done $0x0  }
0x4e: {  	[sflag:s14] =	ssyncadd.s32 $0xFFFFFE00  }
0x4f: {  	[tilespmem:s17], [sflag:$0x1] =	stream.indirect.gather [hbm4b:s2+s16], $0x80, s15, s16, $0xb8;
	[tilespmem:$0x1BCC0] =	vst v63  }
0x50: {  	_ =	swait.ge [sflag:s18], $0x4000  }
0x51: {  	[sflag:s18] =	ssyncset.done $0x0  }
0x52: {  	[sflag:s18] =	ssyncadd.s32 $0xFFFFC000  }
0x53: {  	[tilespmem:s20], [sflag:$0x1] =	stream.indirect.gather [hbm4b:s2+s16], $0x80, s19, s16, $0xb8;
	[tilespmem:$0x1BCC0] =	vst v63  }
0x54: {  	_ =	swait.ge [sflag:s18], $0x4000  }
0x55: {  	[sflag:s18] =	ssyncset.done $0x0  }
0x56: {  	[sflag:s18] =	ssyncadd.s32 $0xFFFFC000  }
0x57: {  	[spmem:s3] =	stream.indirect.scatter.add.f32 [tilespmem:s17], [sflag:$0x2], $0x80, s4, s16, $0xb8;
	[tilespmem:$0x1BCC0] =	vst v63  }
0x58: {  	_ =	swait.ge [sflag:s14], $0x4000  }
0x59: {  	[sflag:s14] =	ssyncset.done $0x0  }
0x5a: {  	[sflag:s14] =	ssyncadd.s32 $0xFFFFC000  }
0x5b: {  	[spmem:s3] =	stream.indirect.scatter.add.f32 [tilespmem:s20], [sflag:$0x2], $0x80, s16, s16, $0xb8;
	[tilespmem:$0x1BCC0] =	vst v63  }
0x5c: {  	_ =	swait.ge [sflag:s14], $0x4000  }
0x5d: {  	[sflag:s14] =	ssyncset.done $0x0  }
0x5e: {  	[sflag:s14] =	ssyncadd.s32 $0xFFFFC000  }
0x5f: {  	[tilespmem:s17], [sflag:$0x1] =	stream.indirect.gather [hbm4b:s2+s16], $0x80, s21, s16, $0xb8;
	[tilespmem:$0x1BCC0] =	vst v63  }
0x60: {  	_ =	swait.ge [sflag:s18], $0x4000  }
0x61: {  	[sflag:s18] =	ssyncset.done $0x0  }
0x62: {  	[sflag:s18] =	ssyncadd.s32 $0xFFFFC000  }
0x63: {  	[tilespmem:s20], [sflag:$0x1] =	stream.indirect.gather [hbm4b:s2+s16], $0x80, s22, s16, $0xb8;
	[tilespmem:$0x1BCC0] =	vst v63  }
0x64: {  	_ =	swait.ge [sflag:s18], $0x4000  }
0x65: {  	[sflag:s18] =	ssyncset.done $0x0  }
0x66: {  	[sflag:s18] =	ssyncadd.s32 $0xFFFFC000  }
0x67: {  	[spmem:s3] =	stream.indirect.scatter.add.f32 [tilespmem:s17], [sflag:$0x2], $0x80, s23, s16, $0xb8;
	[tilespmem:$0x1BCC0] =	vst v63  }
0x68: {  	_ =	swait.ge [sflag:s14], $0x4000  }
.Ltmp2:
0x69: {  	[sflag:s14] =	ssyncset.done $0x0;
	(pc) =	sbr.rel @p1 .LBB2_3-.Ltmp2, $4  }
0x6a: {  	s29 =	sadd.s32 s28, s10;
	[sflag:s14] =	ssyncadd.s32 $0xFFFFC000  }
0x6b: {  	[spmem:s3] =	stream.indirect.scatter.add.f32 [tilespmem:s20], [sflag:$0x2], $0x80, s24, s16, $0xb8;
	[tilespmem:$0x1BCC0] =	vst v63  }
0x6c: {  	s28 =	sand.u32 $0x200, s28;
	s29 =	sand.u32 $0xFFFFFC00, s29;
	_ =	swait.ge [sflag:s14], $0x4000  }
0x6d: {  	s29 =	sor.u32 s28, s29;
	[sflag:s14] =	ssyncset.done $0x0  }
.LBB2_4:
0x6e: {  	s26 =	sshrl.u32 s29, $0x3  }
0x6f: {  	[sflag:s14] =	ssyncadd.s32 @p0 $0xFFFFC000;
	s28 =	sadd.s32 s5, s26  }
0x70: {  	[tilespmem:s4], [sflag:$0x2] =	stream.linear.gather [hbm4b:s28+s4], $0x200, $0x38;
	[tilespmem:$0x1BCC0] =	vst v63  }
0x71: {  	_ =	swait.ge [sflag:s14], $0x200  }
0x72: {  	[sflag:s14] =	ssyncset.done $0x0  }
0x73: {  	s26 =	sadd.s32 s6, s26;
	[sflag:s14] =	ssyncadd.s32 $0xFFFFFE00  }
0x74: {  	[tilespmem:s15], [sflag:$0x2] =	stream.linear.gather [hbm4b:s26+s4], $0x200, $0x38;
	[tilespmem:$0x1BCC0] =	vst v63  }
0x75: {  	_ =	swait.ge [sflag:s14], $0x200  }
0x76: {  	[sflag:s14] =	ssyncset.done $0x0  }
0x77: {  	[sflag:s14] =	ssyncadd.s32 $0xFFFFFE00  }
0x78: {  	[tilespmem:s17], [sflag:$0x1] =	stream.indirect.gather [hbm4b:s2+s16], $0x80, s15, s16, $0xb8;
	[tilespmem:$0x1BCC0] =	vst v63  }
0x79: {  	_ =	swait.ge [sflag:s18], $0x4000  }
0x7a: {  	[sflag:s18] =	ssyncset.done $0x0  }
0x7b: {  	[sflag:s18] =	ssyncadd.s32 $0xFFFFC000  }
0x7c: {  	[tilespmem:s20], [sflag:$0x1] =	stream.indirect.gather [hbm4b:s2+s16], $0x80, s19, s16, $0xb8;
	[tilespmem:$0x1BCC0] =	vst v63  }
0x7d: {  	_ =	swait.ge [sflag:s18], $0x4000  }
0x7e: {  	[sflag:s18] =	ssyncset.done $0x0  }
0x7f: {  	[sflag:s18] =	ssyncadd.s32 $0xFFFFC000  }
0x80: {  	[spmem:s3] =	stream.indirect.scatter.add.f32 [tilespmem:s17], [sflag:$0x2], $0x80, s4, s16, $0xb8;
	[tilespmem:$0x1BCC0] =	vst v63  }
0x81: {  	_ =	swait.ge [sflag:s14], $0x4000  }
0x82: {  	[sflag:s14] =	ssyncset.done $0x0  }
0x83: {  	[sflag:s14] =	ssyncadd.s32 $0xFFFFC000  }
0x84: {  	[spmem:s3] =	stream.indirect.scatter.add.f32 [tilespmem:s20], [sflag:$0x2], $0x80, s16, s16, $0xb8;
	[tilespmem:$0x1BCC0] =	vst v63  }
0x85: {  	_ =	swait.ge [sflag:s14], $0x4000  }
0x86: {  	[sflag:s14] =	ssyncset.done $0x0  }
0x87: {  	[sflag:s14] =	ssyncadd.s32 $0xFFFFC000  }
0x88: {  	[tilespmem:s17], [sflag:$0x1] =	stream.indirect.gather [hbm4b:s2+s16], $0x80, s21, s16, $0xb8;
	[tilespmem:$0x1BCC0] =	vst v63  }
0x89: {  	_ =	swait.ge [sflag:s18], $0x4000  }
0x8a: {  	[sflag:s18] =	ssyncset.done $0x0  }
0x8b: {  	[sflag:s18] =	ssyncadd.s32 $0xFFFFC000  }
0x8c: {  	[tilespmem:s20], [sflag:$0x1] =	stream.indirect.gather [hbm4b:s2+s16], $0x80, s22, s16, $0xb8;
	[tilespmem:$0x1BCC0] =	vst v63  }
0x8d: {  	_ =	swait.ge [sflag:s18], $0x4000  }
0x8e: {  	[sflag:s18] =	ssyncset.done $0x0  }
0x8f: {  	[sflag:s18] =	ssyncadd.s32 $0xFFFFC000  }
0x90: {  	[spmem:s3] =	stream.indirect.scatter.add.f32 [tilespmem:s17], [sflag:$0x2], $0x80, s23, s16, $0xb8;
	[tilespmem:$0x1BCC0] =	vst v63  }
0x91: {  	_ =	swait.ge [sflag:s14], $0x4000  }
0x92: {  	[sflag:s14] =	ssyncset.done $0x0  }
0x93: {  	[sflag:s14] =	ssyncadd.s32 $0xFFFFC000  }
0x94: {  	[spmem:s3] =	stream.indirect.scatter.add.f32 [tilespmem:s20], [sflag:$0x2], $0x80, s24, s16, $0xb8;
	[tilespmem:$0x1BCC0] =	vst v63  }
0x95: {  	_ =	swait.ge [sflag:s14], $0x4000  }
0x96: {  	s25 =	sadd.s32 $0x1, s25;
	[sflag:s14] =	ssyncset.done $0x0  }
0x97: {  	p0 =	sne.s32 s25, s12;
	[sflag:s14] =	ssyncadd.s32 $0xFFFFC000  }
.Ltmp3:
0x98: {  	[bflag:$0x0] =	sbarrier.arrive $0xFFFF;
	(pc) =	sbr.rel @p0 .LBB2_1-.Ltmp3, $4  }
0x99: {  	[hbm:s11], [sflag:s9] =	dma.local [spmem:s13], $0x2780  }
0x9a: {  	_ =	swait.ge [sflag:s14], $0x2780  }
0x9b: {  	[sflag:s14] =	ssyncset.done $0x0  }
0x9c: {  	[sflag:s14] =	ssyncadd.s32 $0xFFFFD880  }
0x9d: {  	_ =	sfence.sel $0x180000  }
0x9e: {  	[bflag:$0x0] =	sbarrier.arrive $0xFFFF  }
0x9f: {  	p0 =	sne.s32 s1, $0x0;
	_ =	strace $0x90000047  }
0xa0: {  	s0 =	sadd.s32 @!p0 $0x100000, s0;
	[bflag:$0x2] =	sbarrier.arrive $0xFFFF  }
0xa1: {  	[sflag:s0] =	ssyncadd.tile.s32 @!p0 $0x1;
	_ =	shalt  }
.Lfunc_end2:
_tile_overlayer_lowered:
.L_overlay_start_2:
0xa2: {  	(tag) =	ssettag $0x2  }
0xa3: {  	s0 =	rddreg [dreg:$0x0];
	s2 =	stileid.u32  }
0xa4: {  	s1 =	rddreg [dreg:$0x1];
	p0 =	sne.s32 s2, $0x0  }
0xa5: {  	s3 =	rddreg [dreg:$0x2];
	[bflag:$0x3] =	sbarrier.arrive $0xFFFF;
	s2 =	simm.s32 @!p0 $0x1C02  }
0xa6: {  	[timem:s3], [sflag:s2] =	dma.local @!p0 [hbm:s0], s1  }
0xa7: {  	s0 =	simm.s32 @!p0 $0x2  }
0xa8: {  	_ =	swait.ge @!p0 [sflag:s0], s1  }
0xa9: {  	s1 =	ssub.s32 @!p0 $0x0, s1;
	[sflag:s0] =	ssyncset.done @!p0 $0x0  }
0xaa: {  	[sflag:s0] =	ssyncadd.s32 @!p0 s1  }
0xab: {  	[bflag:$0x3] =	sbarrier.arrive $0xFFFF  }
0xac: {  	_ =	shalt  }

// kernel: kernel.13.cloned.1.call-start
scs
__scs_entry_jumppad:
0x0: {  	(pc) =	sbr.rel $0x88, $3  }
0x1: {  	(tag) =	ssettag $0x0;
	lr =	simm.s32 $0x1  }
0x2: {  	[smem:$0x3F9B] =	sst lr;
	_ =	strace $0xD0000000  }
0x3: {  	_ = 	snop  }
0x4: {  	_ = 	snop  }
0x5: {  	_ = 	snop  }
0x6: {  	_ = 	snop  }
0x7: {  	_ = 	snop  }
__scs_overlays_trampoline_lowered:
0x8: {  	[smem:$0x3FAA] =	sst s0  }
0x9: {  	[smem:$0x3FAB] =	sst s1  }
0xa: {  	[smem:$0x3FAC] =	sst s2  }
0xb: {  	[smem:$0x3FAD] =	sst s3  }
0xc: {  	[smem:$0x3FAE] =	sst s4  }
0xd: {  	[smem:$0x3FAF] =	sst s5  }
0xe: {  	[smem:$0x3FB0] =	sst s6  }
0xf: {  	[smem:$0x3FB1] =	sst s7  }
0x10: {  	[smem:$0x3FB2] =	sst s8  }
0x11: {  	[smem:$0x3FB3] =	sst s9;
	s0 =	simm.s32 @!p0 $0x0  }
0x12: {  	s1 =	sld [smem:$0x3F99];
	s0 =	simm.s32 @p0 $0x1  }
0x13: {  	[smem:$0x3FB4] =	sst s0;
	s0 =	simm.s32 @!p1 $0x0  }
0x14: {  	s2 =	sld [smem:$0x3F98];
	s0 =	simm.s32 @p1 $0x1  }
0x15: {  	[smem:$0x3FB5] =	sst s0;
	s0 =	simm.s32 @!p2 $0x0  }
0x16: {  	s3 =	sld [smem:$0x3FDB];
	s0 =	simm.s32 @p2 $0x1  }
0x17: {  	s4 =	simm.s32 $0x1BF5;
	[smem:$0x3FB7] =	sst s0  }
0x18: {  	s0 =	sld [smem:$0x3F9A];
	_ =	swait.ge [sflag:s4], $0x0  }
0x19: {  	s7 =	sld [smem:$0x3F9B]  }
0x1a: {  	s8 =	sadd.s32 $0xFFFFE003, lr  }
0x1b: {  	s9 =	sadd.s32 $0xFFFFFEF7, lr;
	s5 =	simm.s32 $0xFFFFFFFF;
	p2 =	slt.u32 s8, $0xFFFFF086  }
0x1c: {  	p1 =	slt.u32 s9, $0xF7A;
	s5 =	simm.s32 @!p2 $0x0  }
0x1d: {  	s5 =	simm.s32 @p1 $0x1;
	p0 =	seq.s32 s7, s2  }
0x1e: {  	s7 =	smul.u32 @!p0 $0xF7A, s2;
	p2 =	seq.s32 @!p0 s5, $0x0  }
0x1f: {  	s9 =	smul.u32 $0xF7A, s1;
	s8 =	simm.s32 @!p0 $0x1BF5;
	p2 =	por !p2, p0  }
0x20: {  	[sflag:s8] =	ssyncset.s32 @!p0 $0xFFFFF086;
	s6 =	sadd.s32 @!p0 s3, s7;
	s7 =	simm.s32 @!p0 $0x108  }
0x21: {  	s3 =	sadd.s32 s3, s9;
	s6 =	sadd.s32 @!p0 $0x88, s6;
	s7 =	simm.s32 @p2 $0x1082  }
0x22: {  	[simem:s7], [sflag:s8] =	dma.local @!p0 [hbm:s6], $0xF7A  }
0x23: {  	s9 =	sor.u32 $0xD0000000, s2;
	s6 =	simm.s32 $0x108;
	_ =	swait.ge @!p0 [sflag:s8], $0x0  }
0x24: {  	s3 =	sadd.s32 $0x88, s3;
	s6 =	simm.s32 @!p1 $0x1082;
	[sflag:s4] =	ssyncset.s32 $0xFFFFF086  }
0x25: {  	[simem:s6], [sflag:s4] =	dma.local [hbm:s3], $0xF7A  }
0x26: {  	[smem:$0x3F9B] =	sst s1;
	(tag) =	ssettag s2;
	_ =	strace s9  }
0x27: {  	s1 =	sld [smem:$0x3FAB]  }
0x28: {  	s2 =	sld [smem:$0x3FAC]  }
0x29: {  	s4 =	sld [smem:$0x3FAE]  }
0x2a: {  	p0 =	seq.s32 s5, $0x0;
	s5 =	sld [smem:$0x3FAF]  }
0x2b: {  	s6 =	sld [smem:$0x3FB0]  }
0x2c: {  	s7 =	sld [smem:$0x3FB1]  }
0x2d: {  	s3 =	simm.s32 $0x108;
	s8 =	sld [smem:$0x3FB2]  }
0x2e: {  	s3 =	simm.s32 @!p0 $0x1082;
	s9 =	sld [smem:$0x3FB3]  }
0x2f: {  	lr =	sadd.s32 s0, s3;
	s0 =	sld [smem:$0x3FAA]  }
0x30: {  	s3 =	sld [smem:$0x3FAD]  }
0x31: {  	[smem:$0x3FB6] =	sst s10  }
0x32: {  	s10 =	sld [smem:$0x3FB4];
	_ =	sdelay $0x3  }
0x33: {  	p0 =	seq.s32 s10, $0x1;
	s10 =	sld [smem:$0x3FB6];
	_ =	sdelay $0x3  }
0x34: {  	[smem:$0x3FB6] =	sst s10  }
0x35: {  	s10 =	sld [smem:$0x3FB5];
	_ =	sdelay $0x3  }
0x36: {  	p1 =	seq.s32 s10, $0x1;
	s10 =	sld [smem:$0x3FB6];
	_ =	sdelay $0x3  }
0x37: {  	[smem:$0x3FB6] =	sst s10  }
0x38: {  	s10 =	sld [smem:$0x3FB7]  }
0x39: {  	_ = 	snop;
	(pc) =	sbr.ind lr, $3  }
0x3a: {  	_ = 	snop  }
0x3b: {  	_ = 	snop  }
0x3c: {  	p2 =	seq.s32 s10, $0x1;
	s10 =	sld [smem:$0x3FB6]  }
0x3d: {  	_ =	shalt  }
0x3e: {  	_ =	shalt  }
0x3f: {  	_ =	shalt  }
0x40: {  	_ =	shalt  }
0x41: {  	_ =	shalt  }
0x42: {  	_ =	shalt  }
0x43: {  	_ =	shalt  }
0x44: {  	_ =	shalt  }
0x45: {  	_ =	shalt  }
0x46: {  	_ =	shalt  }
0x47: {  	_ =	shalt  }
0x48: {  	_ =	shalt  }
0x49: {  	_ =	shalt  }
0x4a: {  	_ =	shalt  }
0x4b: {  	_ =	shalt  }
0x4c: {  	_ =	shalt  }
0x4d: {  	_ =	shalt  }
0x4e: {  	_ =	shalt  }
0x4f: {  	_ =	shalt  }
0x50: {  	_ =	shalt  }
0x51: {  	_ =	shalt  }
0x52: {  	_ =	shalt  }
0x53: {  	_ =	shalt  }
0x54: {  	_ =	shalt  }
0x55: {  	_ =	shalt  }
0x56: {  	_ =	shalt  }
0x57: {  	_ =	shalt  }
0x58: {  	_ =	shalt  }
0x59: {  	_ =	shalt  }
0x5a: {  	_ =	shalt  }
0x5b: {  	_ =	shalt  }
0x5c: {  	_ =	shalt  }
0x5d: {  	_ =	shalt  }
0x5e: {  	_ =	shalt  }
0x5f: {  	_ =	shalt  }
0x60: {  	_ =	shalt  }
0x61: {  	_ =	shalt  }
0x62: {  	_ =	shalt  }
0x63: {  	_ =	shalt  }
0x64: {  	_ =	shalt  }
0x65: {  	_ =	shalt  }
0x66: {  	_ =	shalt  }
0x67: {  	_ =	shalt  }
0x68: {  	_ =	shalt  }
0x69: {  	_ =	shalt  }
0x6a: {  	_ =	shalt  }
0x6b: {  	_ =	shalt  }
0x6c: {  	_ =	shalt  }
0x6d: {  	_ =	shalt  }
0x6e: {  	_ =	shalt  }
0x6f: {  	_ =	shalt  }
0x70: {  	_ =	shalt  }
0x71: {  	_ =	shalt  }
0x72: {  	_ =	shalt  }
0x73: {  	_ =	shalt  }
0x74: {  	_ =	shalt  }
0x75: {  	_ =	shalt  }
0x76: {  	_ =	shalt  }
0x77: {  	_ =	shalt  }
0x78: {  	_ =	shalt  }
0x79: {  	_ =	shalt  }
0x7a: {  	_ =	shalt  }
0x7b: {  	_ =	shalt  }
0x7c: {  	_ =	shalt  }
0x7d: {  	_ =	shalt  }
0x7e: {  	_ =	shalt  }
0x7f: {  	_ =	shalt  }
0x80: {  	_ =	shalt  }
0x81: {  	_ =	shalt  }
0x82: {  	_ =	shalt  }
0x83: {  	_ =	shalt  }
0x84: {  	_ =	shalt  }
0x85: {  	_ =	shalt  }
0x86: {  	_ =	shalt  }
0x87: {  	_ =	shalt  }
.Lfunc_end0:
.L_simem_size_0:
called_computation.2_lowered:
.L_overlay_start_0:
0x88: {  	s2 =	sld [smem:$0x3FD9]  }
0x89: {  	s3 =	sld [smem:$0x3FFE];
	_ =	sdelay $0x1  }
0x8a: {  	s1 =	srdreg.scid  }
0x8b: {  	s0 =	sand.u32 $0x1, s1  }
0x8c: {  	s17 =	sshll.u32 s0, $0xA;
	s2 =	sadd.s32 s3, s2  }
0x8d: {  	s2 =	sadd.s32 s2, s17  }
0x8e: {  	[smem:$0x3FC2] =	sst s2  }
0x8f: {  	_ = 	snop  }
0x90: {  	s2 =	sld [smem:$0x3FD0];
	(tm) =	ssettm $0x1  }
0x91: {  	s18 =	sld [smem:$0x3FFB];
	_ =	sdelay $0x3  }
0x92: {  	_ =	strace s18  }
0x93: {  	s3 =	sld [smem:$0x3FFC];
	_ =	sdelay $0x3  }
0x94: {  	_ =	strace s3  }
0x95: {  	s3 =	sld [smem:$0x3FFD];
	_ =	sdelay $0x3  }
0x96: {  	_ =	strace s3  }
0x97: {  	_ =	strace $0x8FFFFFFF  }
0x98: {  	s19 =	sld [smem:$0x3FDB];
	_ =	sdelay $0x1  }
0x99: {  	s4 =	simm.s32 $_scs_section_size  }
0x9a: {  	s5 =	simm.s32 $_size__tile_overlayer_lowered;
	s6 =	simm.s32 $_tile_overlayer_lowered  }
0x9b: {  	s22 =	simm.s32 $0x1BFF;
	s21 =	sshll.u32 s6, $0x1;
	s3 =	sadd.s32 s4, s19  }
0x9c: {  	s7 =	simm.s32 $0x0;
	s20 =	sshll.u32 s5, $0x1;
	s5 =	sadd.s32 s21, s3  }
0x9d: {  	[timem:s7], [sflag:s22] =	dma.local [hbm:s5], s20  }
0x9e: {  	_ =	swait.ge [sflag:s22], s20  }
0x9f: {  	s4 =	ssub.s32 $0x0, s20;
	[sflag:s22] =	ssyncset.done $0x0  }
0xa0: {  	[sflag:s22] =	ssyncadd.s32 s4;
	_ =	sdelay $0x1  }
0xa1: {  	s23 =	simm.s32 $0x1B8B  }
0xa2: {  	_ =	swait.ge [sflag:s23], $0x1  }
0xa3: {  	[sflag:s23] =	ssyncset.done $0x0  }
0xa4: {  	s25 =	simm.s32 $0x1B8E;
	s24 =	sld [smem:$0x3FFE];
	[sflag:s23] =	ssyncadd.s32 $0xFFFFFFFF  }
0xa5: {  	s26 =	simm.s32 $execute0_lowered;
	[smem:$0x3FD2] =	sst s25  }
0xa6: {  	s5 =	sshll.u32 s26, $0x1;
	_ =	strace $0x8000004C;
	[dreg:$0x1] =	wrdreg $0xFFFFFFFF  }
0xa7: {  	s28 =	simm.s32 $_size_execute0_lowered;
	s3 =	sadd.s32 s3, s5;
	[dreg:$0x0] =	wrdreg $0x0  }
0xa8: {  	s5 =	sshll.u32 s28, $0x1;
	[dreg:$0x2] =	wrdreg s3  }
0xa9: {  	[dreg:$0x3] =	wrdreg s5  }
0xaa: {  	[dreg:$0x4] =	wrdreg $0xC0  }
0xab: {  	_ =	task [dreg:s7], $0x5FFFF  }
0xac: {  	[dreg:$0x1] =	wrdreg $0xFFFFFFFF  }
0xad: {  	[dreg:$0x0] =	wrdreg $0x60  }
0xae: {  	[dreg:$0x2] =	wrdreg s24  }
0xaf: {  	[dreg:$0x3] =	wrdreg s2  }
0xb0: {  	[dreg:$0x4] =	wrdreg $0x84000  }
0xb1: {  	[dreg:$0x5] =	wrdreg $0x9  }
0xb2: {  	_ =	task.clear_ibuf [dreg:s7], $0x6FFFF;
	_ =	strace $0x9000004C  }
0xb3: {  	s29 =	simm.s32 $0x9;
	_ =	strace $0x8000004E  }
0xb4: {  	_ =	swait.ge [sflag:s29], $0x1  }
0xb5: {  	[sflag:s29] =	ssyncadd.s32 $0xFFFFFFFF  }
0xb6: {  	_ =	strace $0x9000004E  }
0xb7: {  	_ =	sfence  }
0xb8: {  	s30 =	sld [smem:$0x0];
	_ =	sdelay $0x2  }
0xb9: {  	s31 =	sshll.u32 s1, $0xD;
	s1 =	sshrl.u32 s1, $0x2  }
0xba: {  	s3 =	sand.u32 $0x4000, s31;
	s1 =	sadd.s32 s1, s30  }
0xbb: {  	s0 =	sor.u32 s3, s0;
	s1 =	sshll.u32 s1, $0x11  }
0xbc: {  	s0 =	sor.u32 s1, s0  }
0xbd: {  	s0 =	sadd.s32 $0x8F2B, s0  }
0xbe: {  	[sflag:s0] =	ssyncadd.remote.s32 $0x1  }
0xbf: {  	_ =	sfence.sel $0xFFFF  }
0xc0: {  	[dreg:$0x0] =	wrdreg $0xFFFFFFFF;
	(pc) =	sbr.abs _section_cstart, $3  }
0xc1: {  	[dreg:$0x1] =	wrdreg $0xFFFFFFFF  }
0xc2: {  	_ =	task.clear_ibuf [dreg:s7], $0x2FFFF;
	_ =	strace $0x9FFFFFFF  }
0xc3: {  	(tm) =	ssettm $0x7FFFFFFF  }
tec
execute0_lowered:
.L_overlay_start_1:
0x0: {  	(tag) =	ssettag $0x1  }
0x1: {  	s8 =	rddreg [dreg:$0x0]  }
0x2: {  	s2 =	rddreg [dreg:$0x1]  }
0x3: {  	s3 =	rddreg [dreg:$0x2]  }
0x4: {  	s0 =	rddreg [dreg:$0x3]  }
0x5: {  	s5 =	srdreg.scid;
	s1 =	stileid.u32;
	s4 =	simm.s32 $0x0  }
0x6: {  	s15 =	simm.s32 $0x200;
	s16 =	simm.s32 $0x80;
	s17 =	simm.s32 $0x400  }
0x7: {  	s18 =	simm.s32 $0x1;
	s19 =	simm.s32 $0x280;
	s20 =	simm.s32 $0x4400  }
0x8: {  	s21 =	simm.s32 $0x300;
	s22 =	simm.s32 $0x380;
	s23 =	simm.s32 $0x100  }
0x9: {  	s24 =	simm.s32 $0x180;
	s25 =	simm.s32 $0x0;
	s9 =	sand.u32 $0x1, s5  }
0xa: {  	s28 =	smul.u32 $0x278, s1;
	[smem:$0x7FF] =	sst s4;
	s5 =	sadd.s32 $0x15E00, s8  }
0xb: {  	s6 =	sadd.s32 $0x1E00, s8;
	s13 =	smul.u32 $0x38, s1;
	s31 =	sshll.u32 s1, $0x6  }
0xc: {  	s7 =	smul.u32 $0x2718, s9;
	_ =	strace $0x8000004D;
	s12 =	ssub.s32 $0x2, s9  }
0xd: {  	p0 =	seq.s32 s9, $0x0;
	s9 =	sor.u32 $0x1C02, s31;
	s10 =	smin.u32 s28, $0x24A0  }
0xe: {  	s29 =	sshrl.u32 s12, $0x1;
	s13 =	sadd.s32 $0x1080, s13;
	s11 =	sadd.s32 s7, s10  }
0xf: {  	s7 =	sadd.s32 $0x29E00, s8;
	s30 =	sshll.u32 s10, $0x7;
	s10 =	smul.u32 $0x108, s1  }
0x10: {  	s12 =	ssub.s32 s12, s29;
	s11 =	sshll.u32 s11, $0x4;
	s14 =	sadd.s32 s30, s3  }
0x11: {  	s11 =	sadd.s32 s11, s8;
	s13 =	smov.u32 @p0 s10;
	s8 =	simm.s32 $0x8400  }
0x12: {  	s12 =	smax.u32 s12, $0x1;
	s8 =	simm.s32 @!p0 $0x1C00;
	s10 =	sshll.u32 s13, $0x7  }
0x13: {  	s11 =	sadd.s32 $0x2C600, s11;
	s13 =	sshrl.u32 s14, $0x3;
	s14 =	simm.s32 $0x2  }
.LBB2_1:
0x14: {  	[spmem:s13], [sflag:s9] =	dma.local [hbm:s7], $0x2780  }
0x15: {  	p1 =	sne.s32 s8, $0x200  }
.Ltmp0:
0x16: {  	_ =	swait.ge [sflag:s14], $0x2780;
	(pc) =	sbr.rel @!p1 .LBB2_4-.Ltmp0, $4  }
0x17: {  	[sflag:s14] =	ssyncset.done $0x0  }
0x18: {  	s26 =	sadd.s32 $0x0, s10;
	[sflag:s14] =	ssyncadd.s32 $0xFFFFD880  }
0x19: {  	s29 =	sand.u32 $0x200, s4;
	s26 =	sand.u32 $0xFFFFFC00, s26;
	[bflag:$0x0] =	sbarrier.arrive $0xFFFF  }
0x1a: {  	s28 =	simm.s32 $0x200;
	p0 =	por $0x0, $0x0;
	s29 =	sor.u32 s29, s26  }
0x1b: {  	s26 =	sshrl.u32 s29, $0x3  }
0x1c: {  	s29 =	sadd.s32 s5, s26  }
0x1d: {  	[tilespmem:s4], [sflag:$0x2] =	stream.linear.gather [hbm4b:s29+s4], $0x200, $0x38;
	[tilespmem:$0x1BCC0] =	vst v63  }
0x1e: {  	_ =	swait.ge [sflag:s14], $0x200  }
0x1f: {  	[sflag:s14] =	ssyncset.done $0x0  }
0x20: {  	s26 =	sadd.s32 s6, s26;
	[sflag:s14] =	ssyncadd.s32 $0xFFFFFE00  }
0x21: {  	[tilespmem:s15], [sflag:$0x2] =	stream.linear.gather [hbm4b:s26+s4], $0x200, $0x38;
	[tilespmem:$0x1BCC0] =	vst v63  }
0x22: {  	_ =	swait.ge [sflag:s14], $0x200  }
0x23: {  	[sflag:s14] =	ssyncset.done $0x0  }
0x24: {  	[sflag:s14] =	ssyncadd.s32 $0xFFFFFE00  }
0x25: {  	[tilespmem:s17], [sflag:$0x1] =	stream.indirect.gather [hbm4b:s2+s16], $0x80, s15, s16, $0xb8;
	[tilespmem:$0x1BCC0] =	vst v63  }
0x26: {  	_ =	swait.ge [sflag:s18], $0x4000  }
0x27: {  	[sflag:s18] =	ssyncset.done $0x0  }
0x28: {  	[sflag:s18] =	ssyncadd.s32 $0xFFFFC000  }
0x29: {  	[tilespmem:s20], [sflag:$0x1] =	stream.indirect.gather [hbm4b:s2+s16], $0x80, s19, s16, $0xb8;
	[tilespmem:$0x1BCC0] =	vst v63  }
0x2a: {  	_ =	swait.ge [sflag:s18], $0x4000  }
0x2b: {  	[sflag:s18] =	ssyncset.done $0x0  }
0x2c: {  	[sflag:s18] =	ssyncadd.s32 $0xFFFFC000  }
0x2d: {  	[spmem:s3] =	stream.indirect.scatter.add.f32 [tilespmem:s17], [sflag:$0x2], $0x80, s4, s16, $0xb8;
	[tilespmem:$0x1BCC0] =	vst v63  }
0x2e: {  	_ =	swait.ge [sflag:s14], $0x4000  }
0x2f: {  	[sflag:s14] =	ssyncset.done $0x0  }
0x30: {  	[sflag:s14] =	ssyncadd.s32 $0xFFFFC000  }
0x31: {  	[spmem:s3] =	stream.indirect.scatter.add.f32 [tilespmem:s20], [sflag:$0x2], $0x80, s16, s16, $0xb8;
	[tilespmem:$0x1BCC0] =	vst v63  }
0x32: {  	_ =	swait.ge [sflag:s14], $0x4000  }
0x33: {  	[sflag:s14] =	ssyncset.done $0x0  }
0x34: {  	[sflag:s14] =	ssyncadd.s32 $0xFFFFC000  }
0x35: {  	[tilespmem:s17], [sflag:$0x1] =	stream.indirect.gather [hbm4b:s2+s16], $0x80, s21, s16, $0xb8;
	[tilespmem:$0x1BCC0] =	vst v63  }
0x36: {  	_ =	swait.ge [sflag:s18], $0x4000  }
0x37: {  	[sflag:s18] =	ssyncset.done $0x0  }
0x38: {  	[sflag:s18] =	ssyncadd.s32 $0xFFFFC000  }
0x39: {  	[tilespmem:s20], [sflag:$0x1] =	stream.indirect.gather [hbm4b:s2+s16], $0x80, s22, s16, $0xb8;
	[tilespmem:$0x1BCC0] =	vst v63  }
0x3a: {  	_ =	swait.ge [sflag:s18], $0x4000  }
0x3b: {  	[sflag:s18] =	ssyncset.done $0x0  }
0x3c: {  	[sflag:s18] =	ssyncadd.s32 $0xFFFFC000  }
0x3d: {  	[spmem:s3] =	stream.indirect.scatter.add.f32 [tilespmem:s17], [sflag:$0x2], $0x80, s23, s16, $0xb8;
	[tilespmem:$0x1BCC0] =	vst v63  }
0x3e: {  	p1 =	sne.s32 s8, $0x400;
	_ =	swait.ge [sflag:s14], $0x4000  }
.Ltmp1:
0x3f: {  	[sflag:s14] =	ssyncset.done $0x0;
	(pc) =	sbr.rel @!p1 .LBB2_4-.Ltmp1, $4  }
0x40: {  	s28 =	sand.u32 $0x200, s28;
	s29 =	sadd.s32 $0x200, s10;
	[sflag:s14] =	ssyncadd.s32 $0xFFFFC000  }
0x41: {  	[spmem:s3] =	stream.indirect.scatter.add.f32 [tilespmem:s20], [sflag:$0x2], $0x80, s24, s16, $0xb8;
	[tilespmem:$0x1BCC0] =	vst v63  }
0x42: {  	p0 =	por $0x1, $0x1;
	s29 =	sand.u32 $0xFFFFFC00, s29;
	_ =	swait.ge [sflag:s14], $0x4000  }
0x43: {  	s29 =	sor.u32 s28, s29;
	s26 =	simm.s32 $0x400;
	[sflag:s14] =	ssyncset.done $0x0  }
.LBB2_3:
0x44: {  	s29 =	sshrl.u32 s29, $0x3  }
0x45: {  	[sflag:s14] =	ssyncadd.s32 $0xFFFFC000;
	s28 =	smov.u32 s26;
	s26 =	sadd.s32 $0x200, s26  }
0x46: {  	p1 =	sne.s32 s8, s26;
	s30 =	sadd.s32 s5, s29  }
0x47: {  	[tilespmem:s4], [sflag:$0x2] =	stream.linear.gather [hbm4b:s30+s4], $0x200, $0x38;
	[tilespmem:$0x1BCC0] =	vst v63  }
0x48: {  	_ =	swait.ge [sflag:s14], $0x200  }
0x49: {  	[sflag:s14] =	ssyncset.done $0x0  }
0x4a: {  	s29 =	sadd.s32 s6, s29;
	[sflag:s14] =	ssyncadd.s32 $0xFFFFFE00  }
0x4b: {  	[tilespmem:s15], [sflag:$0x2] =	stream.linear.gather [hbm4b:s29+s4], $0x200, $0x38;
	[tilespmem:$0x1BCC0] =	vst v63  }
0x4c: {  	_ =	swait.ge [sflag:s14], $0x200  }
0x4d: {  	[sflag:s14] =	ssyncset.done $0x0  }
0x4e: {  	[sflag:s14] =	ssyncadd.s32 $0xFFFFFE00  }
0x4f: {  	[tilespmem:s17], [sflag:$0x1] =	stream.indirect.gather [hbm4b:s2+s16], $0x80, s15, s16, $0xb8;
	[tilespmem:$0x1BCC0] =	vst v63  }
0x50: {  	_ =	swait.ge [sflag:s18], $0x4000  }
0x51: {  	[sflag:s18] =	ssyncset.done $0x0  }
0x52: {  	[sflag:s18] =	ssyncadd.s32 $0xFFFFC000  }
0x53: {  	[tilespmem:s20], [sflag:$0x1] =	stream.indirect.gather [hbm4b:s2+s16], $0x80, s19, s16, $0xb8;
	[tilespmem:$0x1BCC0] =	vst v63  }
0x54: {  	_ =	swait.ge [sflag:s18], $0x4000  }
0x55: {  	[sflag:s18] =	ssyncset.done $0x0  }
0x56: {  	[sflag:s18] =	ssyncadd.s32 $0xFFFFC000  }
0x57: {  	[spmem:s3] =	stream.indirect.scatter.add.f32 [tilespmem:s17], [sflag:$0x2], $0x80, s4, s16, $0xb8;
	[tilespmem:$0x1BCC0] =	vst v63  }
0x58: {  	_ =	swait.ge [sflag:s14], $0x4000  }
0x59: {  	[sflag:s14] =	ssyncset.done $0x0  }
0x5a: {  	[sflag:s14] =	ssyncadd.s32 $0xFFFFC000  }
0x5b: {  	[spmem:s3] =	stream.indirect.scatter.add.f32 [tilespmem:s20], [sflag:$0x2], $0x80, s16, s16, $0xb8;
	[tilespmem:$0x1BCC0] =	vst v63  }
0x5c: {  	_ =	swait.ge [sflag:s14], $0x4000  }
0x5d: {  	[sflag:s14] =	ssyncset.done $0x0  }
0x5e: {  	[sflag:s14] =	ssyncadd.s32 $0xFFFFC000  }
0x5f: {  	[tilespmem:s17], [sflag:$0x1] =	stream.indirect.gather [hbm4b:s2+s16], $0x80, s21, s16, $0xb8;
	[tilespmem:$0x1BCC0] =	vst v63  }
0x60: {  	_ =	swait.ge [sflag:s18], $0x4000  }
0x61: {  	[sflag:s18] =	ssyncset.done $0x0  }
0x62: {  	[sflag:s18] =	ssyncadd.s32 $0xFFFFC000  }
0x63: {  	[tilespmem:s20], [sflag:$0x1] =	stream.indirect.gather [hbm4b:s2+s16], $0x80, s22, s16, $0xb8;
	[tilespmem:$0x1BCC0] =	vst v63  }
0x64: {  	_ =	swait.ge [sflag:s18], $0x4000  }
0x65: {  	[sflag:s18] =	ssyncset.done $0x0  }
0x66: {  	[sflag:s18] =	ssyncadd.s32 $0xFFFFC000  }
0x67: {  	[spmem:s3] =	stream.indirect.scatter.add.f32 [tilespmem:s17], [sflag:$0x2], $0x80, s23, s16, $0xb8;
	[tilespmem:$0x1BCC0] =	vst v63  }
0x68: {  	_ =	swait.ge [sflag:s14], $0x4000  }
.Ltmp2:
0x69: {  	[sflag:s14] =	ssyncset.done $0x0;
	(pc) =	sbr.rel @p1 .LBB2_3-.Ltmp2, $4  }
0x6a: {  	s29 =	sadd.s32 s28, s10;
	[sflag:s14] =	ssyncadd.s32 $0xFFFFC000  }
0x6b: {  	[spmem:s3] =	stream.indirect.scatter.add.f32 [tilespmem:s20], [sflag:$0x2], $0x80, s24, s16, $0xb8;
	[tilespmem:$0x1BCC0] =	vst v63  }
0x6c: {  	s28 =	sand.u32 $0x200, s28;
	s29 =	sand.u32 $0xFFFFFC00, s29;
	_ =	swait.ge [sflag:s14], $0x4000  }
0x6d: {  	s29 =	sor.u32 s28, s29;
	[sflag:s14] =	ssyncset.done $0x0  }
.LBB2_4:
0x6e: {  	s26 =	sshrl.u32 s29, $0x3  }
0x6f: {  	[sflag:s14] =	ssyncadd.s32 @p0 $0xFFFFC000;
	s28 =	sadd.s32 s5, s26  }
0x70: {  	[tilespmem:s4], [sflag:$0x2] =	stream.linear.gather [hbm4b:s28+s4], $0x200, $0x38;
	[tilespmem:$0x1BCC0] =	vst v63  }
0x71: {  	_ =	swait.ge [sflag:s14], $0x200  }
0x72: {  	[sflag:s14] =	ssyncset.done $0x0  }
0x73: {  	s26 =	sadd.s32 s6, s26;
	[sflag:s14] =	ssyncadd.s32 $0xFFFFFE00  }
0x74: {  	[tilespmem:s15], [sflag:$0x2] =	stream.linear.gather [hbm4b:s26+s4], $0x200, $0x38;
	[tilespmem:$0x1BCC0] =	vst v63  }
0x75: {  	_ =	swait.ge [sflag:s14], $0x200  }
0x76: {  	[sflag:s14] =	ssyncset.done $0x0  }
0x77: {  	[sflag:s14] =	ssyncadd.s32 $0xFFFFFE00  }
0x78: {  	[tilespmem:s17], [sflag:$0x1] =	stream.indirect.gather [hbm4b:s2+s16], $0x80, s15, s16, $0xb8;
	[tilespmem:$0x1BCC0] =	vst v63  }
0x79: {  	_ =	swait.ge [sflag:s18], $0x4000  }
0x7a: {  	[sflag:s18] =	ssyncset.done $0x0  }
0x7b: {  	[sflag:s18] =	ssyncadd.s32 $0xFFFFC000  }
0x7c: {  	[tilespmem:s20], [sflag:$0x1] =	stream.indirect.gather [hbm4b:s2+s16], $0x80, s19, s16, $0xb8;
	[tilespmem:$0x1BCC0] =	vst v63  }
0x7d: {  	_ =	swait.ge [sflag:s18], $0x4000  }
0x7e: {  	[sflag:s18] =	ssyncset.done $0x0  }
0x7f: {  	[sflag:s18] =	ssyncadd.s32 $0xFFFFC000  }
0x80: {  	[spmem:s3] =	stream.indirect.scatter.add.f32 [tilespmem:s17], [sflag:$0x2], $0x80, s4, s16, $0xb8;
	[tilespmem:$0x1BCC0] =	vst v63  }
0x81: {  	_ =	swait.ge [sflag:s14], $0x4000  }
0x82: {  	[sflag:s14] =	ssyncset.done $0x0  }
0x83: {  	[sflag:s14] =	ssyncadd.s32 $0xFFFFC000  }
0x84: {  	[spmem:s3] =	stream.indirect.scatter.add.f32 [tilespmem:s20], [sflag:$0x2], $0x80, s16, s16, $0xb8;
	[tilespmem:$0x1BCC0] =	vst v63  }
0x85: {  	_ =	swait.ge [sflag:s14], $0x4000  }
0x86: {  	[sflag:s14] =	ssyncset.done $0x0  }
0x87: {  	[sflag:s14] =	ssyncadd.s32 $0xFFFFC000  }
0x88: {  	[tilespmem:s17], [sflag:$0x1] =	stream.indirect.gather [hbm4b:s2+s16], $0x80, s21, s16, $0xb8;
	[tilespmem:$0x1BCC0] =	vst v63  }
0x89: {  	_ =	swait.ge [sflag:s18], $0x4000  }
0x8a: {  	[sflag:s18] =	ssyncset.done $0x0  }
0x8b: {  	[sflag:s18] =	ssyncadd.s32 $0xFFFFC000  }
0x8c: {  	[tilespmem:s20], [sflag:$0x1] =	stream.indirect.gather [hbm4b:s2+s16], $0x80, s22, s16, $0xb8;
	[tilespmem:$0x1BCC0] =	vst v63  }
0x8d: {  	_ =	swait.ge [sflag:s18], $0x4000  }
0x8e: {  	[sflag:s18] =	ssyncset.done $0x0  }
0x8f: {  	[sflag:s18] =	ssyncadd.s32 $0xFFFFC000  }
0x90: {  	[spmem:s3] =	stream.indirect.scatter.add.f32 [tilespmem:s17], [sflag:$0x2], $0x80, s23, s16, $0xb8;
	[tilespmem:$0x1BCC0] =	vst v63  }
0x91: {  	_ =	swait.ge [sflag:s14], $0x4000  }
0x92: {  	[sflag:s14] =	ssyncset.done $0x0  }
0x93: {  	[sflag:s14] =	ssyncadd.s32 $0xFFFFC000  }
0x94: {  	[spmem:s3] =	stream.indirect.scatter.add.f32 [tilespmem:s20], [sflag:$0x2], $0x80, s24, s16, $0xb8;
	[tilespmem:$0x1BCC0] =	vst v63  }
0x95: {  	_ =	swait.ge [sflag:s14], $0x4000  }
0x96: {  	s25 =	sadd.s32 $0x1, s25;
	[sflag:s14] =	ssyncset.done $0x0  }
0x97: {  	p0 =	sne.s32 s25, s12;
	[sflag:s14] =	ssyncadd.s32 $0xFFFFC000  }
.Ltmp3:
0x98: {  	[bflag:$0x0] =	sbarrier.arrive $0xFFFF;
	(pc) =	sbr.rel @p0 .LBB2_1-.Ltmp3, $4  }
0x99: {  	[hbm:s11], [sflag:s9] =	dma.local [spmem:s13], $0x2780  }
0x9a: {  	_ =	swait.ge [sflag:s14], $0x2780  }
0x9b: {  	[sflag:s14] =	ssyncset.done $0x0  }
0x9c: {  	[sflag:s14] =	ssyncadd.s32 $0xFFFFD880  }
0x9d: {  	_ =	sfence.sel $0x180000  }
0x9e: {  	[bflag:$0x0] =	sbarrier.arrive $0xFFFF  }
0x9f: {  	p0 =	sne.s32 s1, $0x0;
	_ =	strace $0x9000004D  }
0xa0: {  	s0 =	sadd.s32 @!p0 $0x100000, s0;
	[bflag:$0x2] =	sbarrier.arrive $0xFFFF  }
0xa1: {  	[sflag:s0] =	ssyncadd.tile.s32 @!p0 $0x1;
	_ =	shalt  }
.Lfunc_end2:
_tile_overlayer_lowered:
.L_overlay_start_2:
0xa2: {  	(tag) =	ssettag $0x2  }
0xa3: {  	s0 =	rddreg [dreg:$0x0];
	s2 =	stileid.u32  }
0xa4: {  	s1 =	rddreg [dreg:$0x1];
	p0 =	sne.s32 s2, $0x0  }
0xa5: {  	s3 =	rddreg [dreg:$0x2];
	[bflag:$0x3] =	sbarrier.arrive $0xFFFF;
	s2 =	simm.s32 @!p0 $0x1C02  }
0xa6: {  	[timem:s3], [sflag:s2] =	dma.local @!p0 [hbm:s0], s1  }
0xa7: {  	s0 =	simm.s32 @!p0 $0x2  }
0xa8: {  	_ =	swait.ge @!p0 [sflag:s0], s1  }
0xa9: {  	s1 =	ssub.s32 @!p0 $0x0, s1;
	[sflag:s0] =	ssyncset.done @!p0 $0x0  }
0xaa: {  	[sflag:s0] =	ssyncadd.s32 @!p0 s1  }
0xab: {  	[bflag:$0x3] =	sbarrier.arrive $0xFFFF  }
0xac: {  	_ =	shalt  }

// kernel: kernel.7.cloned.1.call-start
scs
__scs_entry_jumppad:
0x0: {  	(pc) =	sbr.rel $0x88, $3  }
0x1: {  	(tag) =	ssettag $0x0;
	lr =	simm.s32 $0x1  }
0x2: {  	[smem:$0x3F9B] =	sst lr;
	_ =	strace $0xD0000000  }
0x3: {  	_ = 	snop  }
0x4: {  	_ = 	snop  }
0x5: {  	_ = 	snop  }
0x6: {  	_ = 	snop  }
0x7: {  	_ = 	snop  }
__scs_overlays_trampoline_lowered:
0x8: {  	[smem:$0x3FAA] =	sst s0  }
0x9: {  	[smem:$0x3FAB] =	sst s1  }
0xa: {  	[smem:$0x3FAC] =	sst s2  }
0xb: {  	[smem:$0x3FAD] =	sst s3  }
0xc: {  	[smem:$0x3FAE] =	sst s4  }
0xd: {  	[smem:$0x3FAF] =	sst s5  }
0xe: {  	[smem:$0x3FB0] =	sst s6  }
0xf: {  	[smem:$0x3FB1] =	sst s7  }
0x10: {  	[smem:$0x3FB2] =	sst s8  }
0x11: {  	[smem:$0x3FB3] =	sst s9;
	s0 =	simm.s32 @!p0 $0x0  }
0x12: {  	s1 =	sld [smem:$0x3F99];
	s0 =	simm.s32 @p0 $0x1  }
0x13: {  	[smem:$0x3FB4] =	sst s0;
	s0 =	simm.s32 @!p1 $0x0  }
0x14: {  	s2 =	sld [smem:$0x3F98];
	s0 =	simm.s32 @p1 $0x1  }
0x15: {  	[smem:$0x3FB5] =	sst s0;
	s0 =	simm.s32 @!p2 $0x0  }
0x16: {  	s3 =	sld [smem:$0x3FDB];
	s0 =	simm.s32 @p2 $0x1  }
0x17: {  	s4 =	simm.s32 $0x1BF5;
	[smem:$0x3FB7] =	sst s0  }
0x18: {  	s0 =	sld [smem:$0x3F9A];
	_ =	swait.ge [sflag:s4], $0x0  }
0x19: {  	s7 =	sld [smem:$0x3F9B]  }
0x1a: {  	s8 =	sadd.s32 $0xFFFFE003, lr  }
0x1b: {  	s9 =	sadd.s32 $0xFFFFFEF7, lr;
	s5 =	simm.s32 $0xFFFFFFFF;
	p2 =	slt.u32 s8, $0xFFFFF086  }
0x1c: {  	p1 =	slt.u32 s9, $0xF7A;
	s5 =	simm.s32 @!p2 $0x0  }
0x1d: {  	s5 =	simm.s32 @p1 $0x1;
	p0 =	seq.s32 s7, s2  }
0x1e: {  	s7 =	smul.u32 @!p0 $0xF7A, s2;
	p2 =	seq.s32 @!p0 s5, $0x0  }
0x1f: {  	s9 =	smul.u32 $0xF7A, s1;
	s8 =	simm.s32 @!p0 $0x1BF5;
	p2 =	por !p2, p0  }
0x20: {  	[sflag:s8] =	ssyncset.s32 @!p0 $0xFFFFF086;
	s6 =	sadd.s32 @!p0 s3, s7;
	s7 =	simm.s32 @!p0 $0x108  }
0x21: {  	s3 =	sadd.s32 s3, s9;
	s6 =	sadd.s32 @!p0 $0x88, s6;
	s7 =	simm.s32 @p2 $0x1082  }
0x22: {  	[simem:s7], [sflag:s8] =	dma.local @!p0 [hbm:s6], $0xF7A  }
0x23: {  	s9 =	sor.u32 $0xD0000000, s2;
	s6 =	simm.s32 $0x108;
	_ =	swait.ge @!p0 [sflag:s8], $0x0  }
0x24: {  	s3 =	sadd.s32 $0x88, s3;
	s6 =	simm.s32 @!p1 $0x1082;
	[sflag:s4] =	ssyncset.s32 $0xFFFFF086  }
0x25: {  	[simem:s6], [sflag:s4] =	dma.local [hbm:s3], $0xF7A  }
0x26: {  	[smem:$0x3F9B] =	sst s1;
	(tag) =	ssettag s2;
	_ =	strace s9  }
0x27: {  	s1 =	sld [smem:$0x3FAB]  }
0x28: {  	s2 =	sld [smem:$0x3FAC]  }
0x29: {  	s4 =	sld [smem:$0x3FAE]  }
0x2a: {  	p0 =	seq.s32 s5, $0x0;
	s5 =	sld [smem:$0x3FAF]  }
0x2b: {  	s6 =	sld [smem:$0x3FB0]  }
0x2c: {  	s7 =	sld [smem:$0x3FB1]  }
0x2d: {  	s3 =	simm.s32 $0x108;
	s8 =	sld [smem:$0x3FB2]  }
0x2e: {  	s3 =	simm.s32 @!p0 $0x1082;
	s9 =	sld [smem:$0x3FB3]  }
0x2f: {  	lr =	sadd.s32 s0, s3;
	s0 =	sld [smem:$0x3FAA]  }
0x30: {  	s3 =	sld [smem:$0x3FAD]  }
0x31: {  	[smem:$0x3FB6] =	sst s10  }
0x32: {  	s10 =	sld [smem:$0x3FB4];
	_ =	sdelay $0x3  }
0x33: {  	p0 =	seq.s32 s10, $0x1;
	s10 =	sld [smem:$0x3FB6];
	_ =	sdelay $0x3  }
0x34: {  	[smem:$0x3FB6] =	sst s10  }
0x35: {  	s10 =	sld [smem:$0x3FB5];
	_ =	sdelay $0x3  }
0x36: {  	p1 =	seq.s32 s10, $0x1;
	s10 =	sld [smem:$0x3FB6];
	_ =	sdelay $0x3  }
0x37: {  	[smem:$0x3FB6] =	sst s10  }
0x38: {  	s10 =	sld [smem:$0x3FB7]  }
0x39: {  	_ = 	snop;
	(pc) =	sbr.ind lr, $3  }
0x3a: {  	_ = 	snop  }
0x3b: {  	_ = 	snop  }
0x3c: {  	p2 =	seq.s32 s10, $0x1;
	s10 =	sld [smem:$0x3FB6]  }
0x3d: {  	_ =	shalt  }
0x3e: {  	_ =	shalt  }
0x3f: {  	_ =	shalt  }
0x40: {  	_ =	shalt  }
0x41: {  	_ =	shalt  }
0x42: {  	_ =	shalt  }
0x43: {  	_ =	shalt  }
0x44: {  	_ =	shalt  }
0x45: {  	_ =	shalt  }
0x46: {  	_ =	shalt  }
0x47: {  	_ =	shalt  }
0x48: {  	_ =	shalt  }
0x49: {  	_ =	shalt  }
0x4a: {  	_ =	shalt  }
0x4b: {  	_ =	shalt  }
0x4c: {  	_ =	shalt  }
0x4d: {  	_ =	shalt  }
0x4e: {  	_ =	shalt  }
0x4f: {  	_ =	shalt  }
0x50: {  	_ =	shalt  }
0x51: {  	_ =	shalt  }
0x52: {  	_ =	shalt  }
0x53: {  	_ =	shalt  }
0x54: {  	_ =	shalt  }
0x55: {  	_ =	shalt  }
0x56: {  	_ =	shalt  }
0x57: {  	_ =	shalt  }
0x58: {  	_ =	shalt  }
0x59: {  	_ =	shalt  }
0x5a: {  	_ =	shalt  }
0x5b: {  	_ =	shalt  }
0x5c: {  	_ =	shalt  }
0x5d: {  	_ =	shalt  }
0x5e: {  	_ =	shalt  }
0x5f: {  	_ =	shalt  }
0x60: {  	_ =	shalt  }
0x61: {  	_ =	shalt  }
0x62: {  	_ =	shalt  }
0x63: {  	_ =	shalt  }
0x64: {  	_ =	shalt  }
0x65: {  	_ =	shalt  }
0x66: {  	_ =	shalt  }
0x67: {  	_ =	shalt  }
0x68: {  	_ =	shalt  }
0x69: {  	_ =	shalt  }
0x6a: {  	_ =	shalt  }
0x6b: {  	_ =	shalt  }
0x6c: {  	_ =	shalt  }
0x6d: {  	_ =	shalt  }
0x6e: {  	_ =	shalt  }
0x6f: {  	_ =	shalt  }
0x70: {  	_ =	shalt  }
0x71: {  	_ =	shalt  }
0x72: {  	_ =	shalt  }
0x73: {  	_ =	shalt  }
0x74: {  	_ =	shalt  }
0x75: {  	_ =	shalt  }
0x76: {  	_ =	shalt  }
0x77: {  	_ =	shalt  }
0x78: {  	_ =	shalt  }
0x79: {  	_ =	shalt  }
0x7a: {  	_ =	shalt  }
0x7b: {  	_ =	shalt  }
0x7c: {  	_ =	shalt  }
0x7d: {  	_ =	shalt  }
0x7e: {  	_ =	shalt  }
0x7f: {  	_ =	shalt  }
0x80: {  	_ =	shalt  }
0x81: {  	_ =	shalt  }
0x82: {  	_ =	shalt  }
0x83: {  	_ =	shalt  }
0x84: {  	_ =	shalt  }
0x85: {  	_ =	shalt  }
0x86: {  	_ =	shalt  }
0x87: {  	_ =	shalt  }
.Lfunc_end0:
.L_simem_size_0:
called_computation_lowered:
.L_overlay_start_0:
0x88: {  	s2 =	sld [smem:$0x3FD9]  }
0x89: {  	s3 =	sld [smem:$0x3FFE];
	_ =	sdelay $0x1  }
0x8a: {  	s1 =	srdreg.scid  }
0x8b: {  	s0 =	sand.u32 $0x1, s1  }
0x8c: {  	s17 =	sshll.u32 s0, $0xA;
	s2 =	sadd.s32 s3, s2  }
0x8d: {  	s2 =	sadd.s32 s2, s17  }
0x8e: {  	[smem:$0x3FC2] =	sst s2  }
0x8f: {  	_ = 	snop  }
0x90: {  	s18 =	sld [smem:$0x3FD0];
	(tm) =	ssettm $0x1  }
0x91: {  	s19 =	sld [smem:$0x3FFB];
	_ =	sdelay $0x3  }
0x92: {  	_ =	strace s19  }
0x93: {  	s2 =	sld [smem:$0x3FFC];
	_ =	sdelay $0x3  }
0x94: {  	_ =	strace s2  }
0x95: {  	s2 =	sld [smem:$0x3FFD];
	_ =	sdelay $0x3  }
0x96: {  	_ =	strace s2  }
0x97: {  	_ =	strace $0x8FFFFFFF  }
0x98: {  	s20 =	sld [smem:$0x3FDB];
	_ =	sdelay $0x1  }
0x99: {  	s4 =	simm.s32 $_scs_section_size  }
0x9a: {  	s5 =	simm.s32 $_size__tile_overlayer_lowered;
	s6 =	simm.s32 $_tile_overlayer_lowered  }
0x9b: {  	s7 =	simm.s32 $0x1BFF;
	s21 =	sshll.u32 s6, $0x1;
	s4 =	sadd.s32 s4, s20  }
0x9c: {  	s22 =	simm.s32 $0x0;
	s5 =	sshll.u32 s5, $0x1;
	s6 =	sadd.s32 s21, s4  }
0x9d: {  	[timem:s22], [sflag:s7] =	dma.local [hbm:s6], s5  }
0x9e: {  	_ =	swait.ge [sflag:s7], s5  }
0x9f: {  	s5 =	ssub.s32 $0x0, s5;
	[sflag:s7] =	ssyncset.done $0x0  }
0xa0: {  	[sflag:s7] =	ssyncadd.s32 s5;
	_ =	sdelay $0x1  }
0xa1: {  	s23 =	simm.s32 $0x1B8B  }
0xa2: {  	_ =	swait.ge [sflag:s23], $0x1  }
0xa3: {  	[sflag:s23] =	ssyncset.done $0x0  }
0xa4: {  	[sflag:s23] =	ssyncadd.s32 $0xFFFFFFFF  }
0xa5: {  	s5 =	sld [smem:$0x0]  }
0xa6: {  	s6 =	sand.u32 $0xFFFFFFFE, s1  }
0xa7: {  	p0 =	sne.s32 s1, s6  }
0xa8: {  	s6 =	sshll.u32 @p0 s6, $0xE  }
0xa9: {  	s6 =	sadd.s32 @p0 $0x11B8D, s6;
	s7 =	sshll.u32 @p0 s5, $0x11  }
0xaa: {  	s6 =	sor.u32 @p0 s7, s6  }
0xab: {  	[sflag:s6] =	ssyncadd.remote.s32 @p0 $0x1;
	_ =	sdelay $0x1  }
0xac: {  	s6 =	simm.s32 @p0 $0x1B8D  }
0xad: {  	_ =	swait.eq @p0 [sflag:s6], $0x1  }
0xae: {  	[sflag:s6] =	ssyncadd.s32 @p0 $0xFFFFFFFF  }
0xaf: {  	s7 =	sshll.u32 @!p0 s1, $0xE  }
0xb0: {  	s7 =	sor.u32 @!p0 $0x4000, s7;
	s6 =	simm.s32 @!p0 $0x1B8D  }
0xb1: {  	s5 =	sshll.u32 @!p0 s5, $0x11;
	s7 =	sadd.s32 @!p0 $0x11B8D, s7;
	_ =	swait.eq @!p0 [sflag:s6], $0x1  }
0xb2: {  	s5 =	sor.u32 @!p0 s5, s7;
	[sflag:s6] =	ssyncadd.s32 @!p0 $0xFFFFFFFF  }
0xb3: {  	s25 =	simm.s32 $0x1B8E;
	s24 =	sld [smem:$0x3FFE];
	[sflag:s5] =	ssyncadd.remote.s32 @!p0 $0x1  }
0xb4: {  	s26 =	simm.s32 $execute0_lowered;
	[smem:$0x3FD2] =	sst s25  }
0xb5: {  	s6 =	sshll.u32 s26, $0x1;
	_ =	strace $0x80000049;
	[dreg:$0x1] =	wrdreg $0xFFFFFFFF  }
0xb6: {  	s28 =	simm.s32 $_size_execute0_lowered;
	s4 =	sadd.s32 s4, s6;
	[dreg:$0x0] =	wrdreg $0x0  }
0xb7: {  	s6 =	sshll.u32 s28, $0x1;
	[dreg:$0x2] =	wrdreg s4  }
0xb8: {  	[dreg:$0x3] =	wrdreg s6  }
0xb9: {  	[dreg:$0x4] =	wrdreg $0xC0  }
0xba: {  	_ =	task [dreg:s22], $0x5FFFF  }
0xbb: {  	[dreg:$0x1] =	wrdreg $0xFFFFFFFF  }
0xbc: {  	[dreg:$0x0] =	wrdreg $0x60  }
0xbd: {  	[dreg:$0x2] =	wrdreg s24  }
0xbe: {  	[dreg:$0x3] =	wrdreg s18  }
0xbf: {  	[dreg:$0x4] =	wrdreg $0x42000  }
0xc0: {  	[dreg:$0x5] =	wrdreg $0x9  }
0xc1: {  	_ =	task.clear_ibuf [dreg:s22], $0x6FFFF;
	_ =	strace $0x90000049  }
0xc2: {  	s29 =	simm.s32 $0x9;
	_ =	strace $0x8000004B  }
0xc3: {  	_ =	swait.ge [sflag:s29], $0x1  }
0xc4: {  	[sflag:s29] =	ssyncadd.s32 $0xFFFFFFFF  }
0xc5: {  	_ =	strace $0x9000004B  }
0xc6: {  	_ =	sfence  }
0xc7: {  	s30 =	sld [smem:$0x0];
	_ =	sdelay $0x2  }
0xc8: {  	s31 =	sshll.u32 s1, $0xD;
	s1 =	sshrl.u32 s1, $0x2  }
0xc9: {  	s4 =	sand.u32 $0x4000, s31;
	s1 =	sadd.s32 s1, s30  }
0xca: {  	s0 =	sor.u32 s4, s0;
	s1 =	sshll.u32 s1, $0x11  }
0xcb: {  	s0 =	sor.u32 s1, s0  }
0xcc: {  	s0 =	sadd.s32 $0x8F2B, s0  }
0xcd: {  	[sflag:s0] =	ssyncadd.remote.s32 $0x1  }
0xce: {  	_ =	sfence.sel $0xFFFF  }
0xcf: {  	[dreg:$0x0] =	wrdreg $0xFFFFFFFF;
	(pc) =	sbr.abs _section_cstart, $3  }
0xd0: {  	[dreg:$0x1] =	wrdreg $0xFFFFFFFF  }
0xd1: {  	_ =	task.clear_ibuf [dreg:s22], $0x2FFFF;
	_ =	strace $0x9FFFFFFF  }
0xd2: {  	(tm) =	ssettm $0x7FFFFFFF  }
0xd3: {  	_ =	shalt  }
tec
execute0_lowered:
.L_overlay_start_1:
0x0: {  	(tag) =	ssettag $0x1  }
0x1: {  	s7 =	rddreg [dreg:$0x0]  }
0x2: {  	s1 =	rddreg [dreg:$0x1]  }
0x3: {  	s3 =	rddreg [dreg:$0x2]  }
0x4: {  	s0 =	rddreg [dreg:$0x3];
	s4 =	simm.s32 $0x0;
	s5 =	srdreg.scid  }
0x5: {  	s2 =	stileid.u32;
	s15 =	simm.s32 $0x100;
	s16 =	simm.s32 $0x180  }
0x6: {  	s17 =	simm.s32 $0x0;
	[smem:$0x7FF] =	sst s4;
	s9 =	smul.u32 $0x2780, s2  }
0x7: {  	s8 =	sand.u32 $0x1, s5;
	s5 =	sadd.s32 $0x15E00, s7;
	s12 =	smul.u32 $0x4F000, s2  }
0x8: {  	s6 =	sadd.s32 $0x29E00, s7;
	s29 =	smul.u32 $0xA000, s2;
	s31 =	sshll.u32 s2, $0x6  }
0x9: {  	_ =	strace $0x8000004A;
	s10 =	smul.u32 $0x27800, s8;
	s11 =	ssub.s32 $0x2, s8  }
0xa: {  	s13 =	smul.u32 $0x5000, s8;
	s28 =	sshrl.u32 s11, $0x1;
	s30 =	sshrl.u32 s12, $0x2  }
0xb: {  	s12 =	simm.s32 $0x1;
	s9 =	sadd.s32 s9, s10;
	s10 =	ssub.s32 s11, s28  }
0xc: {  	s14 =	sadd.s32 s30, s3;
	s9 =	sadd.s32 s9, s7;
	s7 =	sor.u32 $0x1C01, s31  }
0xd: {  	s11 =	sshrl.u32 s14, $0x3;
	s14 =	simm.s32 $0x80;
	s8 =	sadd.s32 $0x7AA00, s9  }
0xe: {  	s9 =	smax.u32 s10, $0x1;
	s10 =	sadd.s32 s13, s29;
	s13 =	simm.s32 $0x200  }
.LBB2_1:
0xf: {  	[spmem:s11], [sflag:s7] =	dma.local [hbm:s6], $0x2780  }
0x10: {  	_ =	swait.ge [sflag:s12], $0x2780  }
0x11: {  	[sflag:s12] =	ssyncset.done $0x0  }
0x12: {  	s18 =	sadd.s32 $0x0, s10;
	[sflag:s12] =	ssyncadd.s32 $0xFFFFD880  }
0x13: {  	[tilespmem:s13], [sflag:$0x1] =	stream.linear.gather [hbm4b:s1+s4], $0x4000, $0x38;
	[tilespmem:$0x17E00] =	vst v63  }
0x14: {  	s19 =	sand.u32 $0x200, s4;
	s18 =	sand.u32 $0x1FFC00, s18;
	_ =	swait.ge [sflag:s12], $0x4000  }
0x15: {  	s18 =	sor.u32 s19, s18;
	[sflag:s12] =	ssyncset.done $0x0  }
0x16: {  	s18 =	sshrl.u32 s18, $0x3;
	[sflag:s12] =	ssyncadd.s32 $0xFFFFC000  }
0x17: {  	s18 =	sadd.s32 s5, s18;
	[bflag:$0x0] =	sbarrier.arrive $0xFFFF  }
0x18: {  	[tilespmem:s4], [sflag:$0x1] =	stream.linear.gather [hbm4b:s18+s4], $0x200, $0x38;
	[tilespmem:$0x17E00] =	vst v63  }
0x19: {  	_ =	swait.ge [sflag:s12], $0x200  }
0x1a: {  	[sflag:s12] =	ssyncset.done $0x0  }
0x1b: {  	[sflag:s12] =	ssyncadd.s32 $0xFFFFFE00  }
0x1c: {  	[spmem:s3] =	stream.indirect.scatter.add.f32 [tilespmem:s13], [sflag:$0x1], $0x80, s4, s14, $0xb8;
	[tilespmem:$0x17E00] =	vst v63  }
0x1d: {  	_ =	swait.ge [sflag:s12], $0x4000  }
0x1e: {  	[sflag:s12] =	ssyncset.done $0x0  }
0x1f: {  	[sflag:s12] =	ssyncadd.s32 $0xFFFFC000  }
0x20: {  	[spmem:s3] =	stream.indirect.scatter.add.f32 [tilespmem:s13], [sflag:$0x1], $0x80, s14, s14, $0xb8;
	[tilespmem:$0x17E00] =	vst v63  }
0x21: {  	_ =	swait.ge [sflag:s12], $0x4000  }
0x22: {  	[sflag:s12] =	ssyncset.done $0x0  }
0x23: {  	[sflag:s12] =	ssyncadd.s32 $0xFFFFC000  }
0x24: {  	[spmem:s3] =	stream.indirect.scatter.add.f32 [tilespmem:s13], [sflag:$0x1], $0x80, s15, s14, $0xb8;
	[tilespmem:$0x17E00] =	vst v63  }
0x25: {  	_ =	swait.ge [sflag:s12], $0x4000  }
0x26: {  	[sflag:s12] =	ssyncset.done $0x0  }
0x27: {  	s30 =	simm.s32 $0x200;
	s31 =	sadd.s32 $0x200, s10;
	[sflag:s12] =	ssyncadd.s32 $0xFFFFC000  }
0x28: {  	[spmem:s3] =	stream.indirect.scatter.add.f32 [tilespmem:s13], [sflag:$0x1], $0x80, s16, s14, $0xb8;
	[tilespmem:$0x17E00] =	vst v63  }
0x29: {  	s20 =	sand.u32 $0x200, s30;
	s19 =	sand.u32 $0x1FFC00, s31;
	_ =	swait.ge [sflag:s12], $0x4000  }
0x2a: {  	s19 =	sor.u32 s20, s19;
	s18 =	simm.s32 $0x400;
	[sflag:s12] =	ssyncset.done $0x0  }
.LBB2_2:
0x2b: {  	s19 =	sshrl.u32 s19, $0x3  }
0x2c: {  	[sflag:s12] =	ssyncadd.s32 $0xFFFFC000;
	s20 =	smov.u32 s18;
	s21 =	sadd.s32 $0x200, s18  }
0x2d: {  	p0 =	sne.s32 s18, $0x4E00;
	s18 =	sadd.s32 s5, s19  }
0x2e: {  	[tilespmem:s4], [sflag:$0x1] =	stream.linear.gather [hbm4b:s18+s4], $0x200, $0x38;
	[tilespmem:$0x17E00] =	vst v63  }
0x2f: {  	_ =	swait.ge [sflag:s12], $0x200  }
0x30: {  	[sflag:s12] =	ssyncset.done $0x0  }
0x31: {  	[sflag:s12] =	ssyncadd.s32 $0xFFFFFE00  }
0x32: {  	[spmem:s3] =	stream.indirect.scatter.add.f32 [tilespmem:s13], [sflag:$0x1], $0x80, s4, s14, $0xb8;
	[tilespmem:$0x17E00] =	vst v63  }
0x33: {  	_ =	swait.ge [sflag:s12], $0x4000  }
0x34: {  	[sflag:s12] =	ssyncset.done $0x0  }
0x35: {  	[sflag:s12] =	ssyncadd.s32 $0xFFFFC000  }
0x36: {  	[spmem:s3] =	stream.indirect.scatter.add.f32 [tilespmem:s13], [sflag:$0x1], $0x80, s14, s14, $0xb8;
	[tilespmem:$0x17E00] =	vst v63  }
0x37: {  	_ =	swait.ge [sflag:s12], $0x4000  }
0x38: {  	[sflag:s12] =	ssyncset.done $0x0  }
0x39: {  	[sflag:s12] =	ssyncadd.s32 $0xFFFFC000  }
0x3a: {  	[spmem:s3] =	stream.indirect.scatter.add.f32 [tilespmem:s13], [sflag:$0x1], $0x80, s15, s14, $0xb8;
	[tilespmem:$0x17E00] =	vst v63  }
0x3b: {  	_ =	swait.ge [sflag:s12], $0x4000  }
.Ltmp0:
0x3c: {  	[sflag:s12] =	ssyncset.done $0x0;
	(pc) =	sbr.rel @p0 .LBB2_2-.Ltmp0, $4  }
0x3d: {  	s18 =	sadd.s32 s20, s10;
	[sflag:s12] =	ssyncadd.s32 $0xFFFFC000  }
0x3e: {  	[spmem:s3] =	stream.indirect.scatter.add.f32 [tilespmem:s13], [sflag:$0x1], $0x80, s16, s14, $0xb8;
	[tilespmem:$0x17E00] =	vst v63  }
0x3f: {  	s19 =	sand.u32 $0x200, s20;
	s18 =	sand.u32 $0x1FFC00, s18;
	_ =	swait.ge [sflag:s12], $0x4000  }
0x40: {  	s19 =	sor.u32 s19, s18;
	s18 =	smov.u32 s21;
	[sflag:s12] =	ssyncset.done $0x0  }
0x41: {  	s18 =	sshrl.u32 s19, $0x3  }
0x42: {  	[sflag:s12] =	ssyncadd.s32 $0xFFFFC000;
	s18 =	sadd.s32 s5, s18  }
0x43: {  	[tilespmem:s4], [sflag:$0x1] =	stream.linear.gather [hbm4b:s18+s4], $0x200, $0x38;
	[tilespmem:$0x17E00] =	vst v63  }
0x44: {  	_ =	swait.ge [sflag:s12], $0x200  }
0x45: {  	[sflag:s12] =	ssyncset.done $0x0  }
0x46: {  	[sflag:s12] =	ssyncadd.s32 $0xFFFFFE00  }
0x47: {  	[spmem:s3] =	stream.indirect.scatter.add.f32 [tilespmem:s13], [sflag:$0x1], $0x80, s4, s14, $0xb8;
	[tilespmem:$0x17E00] =	vst v63  }
0x48: {  	_ =	swait.ge [sflag:s12], $0x4000  }
0x49: {  	[sflag:s12] =	ssyncset.done $0x0  }
0x4a: {  	[sflag:s12] =	ssyncadd.s32 $0xFFFFC000  }
0x4b: {  	[spmem:s3] =	stream.indirect.scatter.add.f32 [tilespmem:s13], [sflag:$0x1], $0x80, s14, s14, $0xb8;
	[tilespmem:$0x17E00] =	vst v63  }
0x4c: {  	_ =	swait.ge [sflag:s12], $0x4000  }
0x4d: {  	[sflag:s12] =	ssyncset.done $0x0  }
0x4e: {  	[sflag:s12] =	ssyncadd.s32 $0xFFFFC000  }
0x4f: {  	[spmem:s3] =	stream.indirect.scatter.add.f32 [tilespmem:s13], [sflag:$0x1], $0x80, s15, s14, $0xb8;
	[tilespmem:$0x17E00] =	vst v63  }
0x50: {  	_ =	swait.ge [sflag:s12], $0x4000  }
0x51: {  	[sflag:s12] =	ssyncset.done $0x0  }
0x52: {  	[sflag:s12] =	ssyncadd.s32 $0xFFFFC000  }
0x53: {  	[spmem:s3] =	stream.indirect.scatter.add.f32 [tilespmem:s13], [sflag:$0x1], $0x80, s16, s14, $0xb8;
	[tilespmem:$0x17E00] =	vst v63  }
0x54: {  	_ =	swait.ge [sflag:s12], $0x4000  }
0x55: {  	s17 =	sadd.s32 $0x1, s17;
	[sflag:s12] =	ssyncset.done $0x0  }
0x56: {  	p0 =	sne.s32 s17, s9;
	[sflag:s12] =	ssyncadd.s32 $0xFFFFC000  }
.Ltmp1:
0x57: {  	[bflag:$0x0] =	sbarrier.arrive $0xFFFF;
	(pc) =	sbr.rel @p0 .LBB2_1-.Ltmp1, $4  }
0x58: {  	[hbm:s8], [sflag:s7] =	dma.local [spmem:s11], $0x2780  }
0x59: {  	_ =	swait.ge [sflag:s12], $0x2780  }
0x5a: {  	[sflag:s12] =	ssyncset.done $0x0  }
0x5b: {  	[sflag:s12] =	ssyncadd.s32 $0xFFFFD880  }
0x5c: {  	_ =	sfence.sel $0x180000  }
0x5d: {  	[bflag:$0x0] =	sbarrier.arrive $0xFFFF  }
0x5e: {  	p0 =	sne.s32 s2, $0x0;
	_ =	strace $0x9000004A  }
0x5f: {  	s0 =	sadd.s32 @!p0 $0x100000, s0;
	[bflag:$0x2] =	sbarrier.arrive $0xFFFF  }
0x60: {  	[sflag:s0] =	ssyncadd.tile.s32 @!p0 $0x1;
	_ =	shalt  }
.Lfunc_end2:
_tile_overlayer_lowered:
.L_overlay_start_2:
0x61: {  	(tag) =	ssettag $0x2  }
0x62: {  	s0 =	rddreg [dreg:$0x0];
	s2 =	stileid.u32  }
0x63: {  	s1 =	rddreg [dreg:$0x1];
	p0 =	sne.s32 s2, $0x0  }
0x64: {  	s3 =	rddreg [dreg:$0x2];
	[bflag:$0x3] =	sbarrier.arrive $0xFFFF;
	s2 =	simm.s32 @!p0 $0x1C01  }
0x65: {  	[timem:s3], [sflag:s2] =	dma.local @!p0 [hbm:s0], s1  }
0x66: {  	s0 =	simm.s32 @!p0 $0x1  }
0x67: {  	_ =	swait.ge @!p0 [sflag:s0], s1  }
0x68: {  	s1 =	ssub.s32 @!p0 $0x0, s1;
	[sflag:s0] =	ssyncset.done @!p0 $0x0  }
0x69: {  	[sflag:s0] =	ssyncadd.s32 @!p0 s1  }
0x6a: {  	[bflag:$0x3] =	sbarrier.arrive $0xFFFF  }
0x6b: {  	_ =	shalt  }

</sc_bundles>
